<compile_context>
chip_gen: v7x
topology: tpu7x:2x2x1
jax: 0.10.2.dev20260603
libtpu: 0.0.44.dev20260713+nightly
codegen_flags: <defaults>
</compile_context>

<pallas_src>
import jax
import jax.numpy as jnp
from jax import lax
from jax.experimental import pallas as pl
from jax.experimental.pallas import tpu as pltpu
from jax.experimental.pallas import tpu_sc as plsc

NUM_EMBEDDINGS = 1000000
EMBEDDING_DIM = 32
BATCH = 16384
FIELDS = 26

_B = BATCH * FIELDS
_NW = 32
_PER_W = _B // _NW
_NBUF = 8
_NCHUNK = 32
_CHUNK = _PER_W // _NCHUNK


def _body(table_hbm, idx_hbm, out_hbm, idx_v, rows_v, *sems):
    nc = 2
    wid = lax.axis_index("s") * nc + lax.axis_index("c")
    base = wid * _PER_W
    gsem = sems[:_NBUF]
    ssem = sems[_NBUF:]

    def gather(c, buf):
        return pltpu.async_copy(
            table_hbm.at[idx_v.at[pl.ds(c * _CHUNK, _CHUNK)]],
            rows_v.at[buf], gsem[buf])

    def store(c, buf):
        return pltpu.async_copy(
            rows_v.at[buf],
            out_hbm.at[pl.ds(base + c * _CHUNK, _CHUNK)], ssem[buf])

    pltpu.sync_copy(idx_hbm.at[pl.ds(base, _PER_W)], idx_v)

    depth = _NBUF - 1
    pending_g = [None] * _NBUF
    pending_s = [None] * _NBUF
    for c in range(depth):
        pending_g[c % _NBUF] = gather(c, c % _NBUF)
    for c in range(_NCHUNK):
        buf = c % _NBUF
        pending_g[buf].wait()
        pending_g[buf] = None
        pending_s[buf] = store(c, buf)
        n = c + depth
        if n < _NCHUNK:
            b2 = n % _NBUF
            if pending_s[b2] is not None:
                pending_s[b2].wait()
                pending_s[b2] = None
            pending_g[b2] = gather(n, b2)
    for s in pending_s:
        if s is not None:
            s.wait()


@jax.jit
def _embed(idx_flat, weight):
    mesh = plsc.VectorSubcoreMesh(core_axis_name="c", subcore_axis_name="s")
    fn = pl.kernel(
        _body,
        out_type=jax.ShapeDtypeStruct((_B, EMBEDDING_DIM), jnp.float32),
        mesh=mesh,
        scratch_types=[
            pltpu.VMEM((_PER_W,), jnp.int32),
            pltpu.VMEM((_NBUF, _CHUNK, EMBEDDING_DIM), jnp.float32),
        ] + [pltpu.SemaphoreType.DMA] * (2 * _NBUF),
        compiler_params=pltpu.CompilerParams(use_tc_tiling_on_sc=False),
    )
    return fn(weight, idx_flat)


def kernel(input, weight):
    out = _embed(input.reshape(-1), weight)
    return out.reshape(BATCH, FIELDS, EMBEDDING_DIM)

# --- scband reference (transcript-rebuilt; emitter-appended) ---
"""Pipeline reference for scband-checkpointed-embedding-34772055229041 (READ-ONLY COPY).

The authoritative reference and input builder live on the scoring server;
editing this copy changes nothing except your own understanding.
"""

import jax, jax.numpy as jnp
import numpy as np

NUM_EMBEDDINGS = 1000000
EMBEDDING_DIM = 32
BATCH = 16384
FIELDS = 26


def setup_inputs(seed: int = 0) -> dict:
    key = jax.random.key(seed)
    k_idx, k_w = jax.random.split(key)
    input = jax.random.randint(k_idx, (BATCH, FIELDS), 0, NUM_EMBEDDINGS, dtype=jnp.int64 if jax.config.jax_enable_x64 else jnp.int32)
    weight = jax.random.normal(k_w, (NUM_EMBEDDINGS, EMBEDDING_DIM), dtype=jnp.float32)
    return {"input": input, "weight": weight}


def reference(input, weight):
    # Faithful translation of F.embedding (no padding_idx): pure gather.
    # Checkpointing is a memory optimization and does not change forward math.
    out = jnp.take(weight, input, axis=0)
    return out

if __name__ == "__main__":
    import jax
    _d = setup_inputs()
    print(jax.jit(kernel)(*tuple(_d.values())))

</pallas_src>

<mosaic_0001>
#map = affine_map<(d0, d1) -> (0, 0)>
#map1 = affine_map<(d0, d1) -> (0)>
module attributes {stable_mosaic.version = 14 : i64} {
  func.func @_body(%arg0: i32, %arg1: i32, %arg2: memref<1000000x32xf32, #tpu.memory_space<hbm>>, %arg3: memref<425984xi32, #tpu.memory_space<hbm>>, %arg4: memref<425984x32xf32, #tpu.memory_space<hbm>>, %arg5: memref<13312xi32, #tpu.memory_space<vmem>>, %arg6: memref<8x416x32xf32, #tpu.memory_space<vmem>>, %arg7: memref<!tpu.dma_semaphore, #tpu.memory_space<semaphore_mem>>, %arg8: memref<!tpu.dma_semaphore, #tpu.memory_space<semaphore_mem>>, %arg9: memref<!tpu.dma_semaphore, #tpu.memory_space<semaphore_mem>>, %arg10: memref<!tpu.dma_semaphore, #tpu.memory_space<semaphore_mem>>, %arg11: memref<!tpu.dma_semaphore, #tpu.memory_space<semaphore_mem>>, %arg12: memref<!tpu.dma_semaphore, #tpu.memory_space<semaphore_mem>>, %arg13: memref<!tpu.dma_semaphore, #tpu.memory_space<semaphore_mem>>, %arg14: memref<!tpu.dma_semaphore, #tpu.memory_space<semaphore_mem>>, %arg15: memref<!tpu.dma_semaphore, #tpu.memory_space<semaphore_mem>>, %arg16: memref<!tpu.dma_semaphore, #tpu.memory_space<semaphore_mem>>, %arg17: memref<!tpu.dma_semaphore, #tpu.memory_space<semaphore_mem>>, %arg18: memref<!tpu.dma_semaphore, #tpu.memory_space<semaphore_mem>>, %arg19: memref<!tpu.dma_semaphore, #tpu.memory_space<semaphore_mem>>, %arg20: memref<!tpu.dma_semaphore, #tpu.memory_space<semaphore_mem>>, %arg21: memref<!tpu.dma_semaphore, #tpu.memory_space<semaphore_mem>>, %arg22: memref<!tpu.dma_semaphore, #tpu.memory_space<semaphore_mem>>) attributes {dimension_semantics = [#tpu.dimension_semantics<core_parallel>, #tpu.dimension_semantics<subcore_parallel>], iteration_bounds = array<i64: 2, 16>, scalar_prefetch = 0 : i64, scratch_operands = 18 : i64, tpu.core_type = #tpu.core_type<sc_vector_subcore>, window_params = [{transform_indices = #map}, {transform_indices = #map1}, {transform_indices = #map}]} {
    %mul3A = arith.constant 2 : i32
    %mul3A_0 = arith.muli %arg1, %mul3A : i32
    %add3A = arith.addi %mul3A_0, %arg0 : i32
    %mul3A_1 = arith.constant 13312 : i32
    %mul3A_2 = arith.muli %add3A, %mul3A_1 : i32
    "tpu.region"() ({
      %run_scoped3A = tpu.sem_alloc : memref<!tpu.dma_semaphore, #tpu.memory_space<semaphore_mem>>
      %dma_start3A_1537 = tpu.memref_slice %arg3[%mul3A_2] : memref<425984xi32, #tpu.memory_space<hbm>> -> memref<13312xi32, #tpu.memory_space<hbm>>
      %dma_start3A_1538 = tpu.memref_slice %arg3[%mul3A_2] : memref<425984xi32, #tpu.memory_space<hbm>> -> memref<13312xi32, #tpu.memory_space<hbm>>
      tpu.enqueue_dma source(%dma_start3A_1538 : memref<13312xi32, #tpu.memory_space<hbm>>) target(%arg5 : memref<13312xi32, #tpu.memory_space<vmem>>) target_semaphore(%run_scoped3A : memref<!tpu.dma_semaphore, #tpu.memory_space<semaphore_mem>>)
      %dma_wait3A_1539 = tpu.memref_slice %arg3[%mul3A_2] : memref<425984xi32, #tpu.memory_space<hbm>> -> memref<13312xi32, #tpu.memory_space<hbm>>
      %dma_wait3A_1540 = tpu.memref_slice %arg3[%mul3A_2] : memref<425984xi32, #tpu.memory_space<hbm>> -> memref<13312xi32, #tpu.memory_space<hbm>>
      tpu.wait_dma2 semaphore(%run_scoped3A : memref<!tpu.dma_semaphore, #tpu.memory_space<semaphore_mem>>) src(%dma_wait3A_1540 : memref<13312xi32, #tpu.memory_space<hbm>>) dst(%arg5 : memref<13312xi32, #tpu.memory_space<vmem>>)
      tpu.yield
    }) : () -> ()
    %dma_start3A = arith.constant 0 : i32
    %dma_start3A_3 = arith.constant 0 : i32
    %dma_start3A_4 = arith.constant 0 : i32
    %dma_start3A_5 = tpu.memref_slice %arg6[%dma_start3A, %dma_start3A_3, %dma_start3A_4] : memref<8x416x32xf32, #tpu.memory_space<vmem>> -> memref<1x416x32xf32, #tpu.memory_space<vmem>>
    %dma_start3A_6 = tpu.memref_squeeze %dma_start3A_5 : memref<1x416x32xf32, #tpu.memory_space<vmem>> -> memref<416x32xf32, #tpu.memory_space<vmem>>
    %dma_start3A_7 = arith.constant 0 : i32
    %dma_start3A_8 = tpu.memref_slice %arg5[%dma_start3A_7] : memref<13312xi32, #tpu.memory_space<vmem>> -> memref<416xi32, #tpu.memory_space<vmem>>
    %dma_start3A_9 = arith.constant 0 : i32
    %dma_start3A_10 = arith.constant 0 : i32
    %dma_start3A_11 = tpu.memref_slice %arg2[%dma_start3A_9, %dma_start3A_10] : memref<1000000x32xf32, #tpu.memory_space<hbm>> -> memref<1000000x32xf32, #tpu.memory_space<hbm>>
    tpu.enqueue_indirect_dma source(%dma_start3A_11 : memref<1000000x32xf32, #tpu.memory_space<hbm>>) target(%dma_start3A_6 : memref<416x32xf32, #tpu.memory_space<vmem>>) offsets(%dma_start3A_8 : memref<416xi32, #tpu.memory_space<vmem>>) semaphore(%arg7 : memref<!tpu.dma_semaphore, #tpu.memory_space<semaphore_mem>>)
    %dma_start3A_12 = arith.constant 1 : i32
    %dma_start3A_13 = arith.constant 0 : i32
    %dma_start3A_14 = arith.constant 0 : i32
    %dma_start3A_15 = tpu.memref_slice %arg6[%dma_start3A_12, %dma_start3A_13, %dma_start3A_14] : memref<8x416x32xf32, #tpu.memory_space<vmem>> -> memref<1x416x32xf32, #tpu.memory_space<vmem>>
    %dma_start3A_16 = tpu.memref_squeeze %dma_start3A_15 : memref<1x416x32xf32, #tpu.memory_space<vmem>> -> memref<416x32xf32, #tpu.memory_space<vmem>>
    %dma_start3A_17 = arith.constant 416 : i32
    %dma_start3A_18 = tpu.memref_slice %arg5[%dma_start3A_17] : memref<13312xi32, #tpu.memory_space<vmem>> -> memref<416xi32, #tpu.memory_space<vmem>>
    %dma_start3A_19 = arith.constant 0 : i32
    %dma_start3A_20 = arith.constant 0 : i32
    %dma_start3A_21 = tpu.memref_slice %arg2[%dma_start3A_19, %dma_start3A_20] : memref<1000000x32xf32, #tpu.memory_space<hbm>> -> memref<1000000x32xf32, #tpu.memory_space<hbm>>
    tpu.enqueue_indirect_dma source(%dma_start3A_21 : memref<1000000x32xf32, #tpu.memory_space<hbm>>) target(%dma_start3A_16 : memref<416x32xf32, #tpu.memory_space<vmem>>) offsets(%dma_start3A_18 : memref<416xi32, #tpu.memory_space<vmem>>) semaphore(%arg8 : memref<!tpu.dma_semaphore, #tpu.memory_space<semaphore_mem>>)
    %dma_start3A_22 = arith.constant 2 : i32
    %dma_start3A_23 = arith.constant 0 : i32
    %dma_start3A_24 = arith.constant 0 : i32
    %dma_start3A_25 = tpu.memref_slice %arg6[%dma_start3A_22, %dma_start3A_23, %dma_start3A_24] : memref<8x416x32xf32, #tpu.memory_space<vmem>> -> memref<1x416x32xf32, #tpu.memory_space<vmem>>
    %dma_start3A_26 = tpu.memref_squeeze %dma_start3A_25 : memref<1x416x32xf32, #tpu.memory_space<vmem>> -> memref<416x32xf32, #tpu.memory_space<vmem>>
    %dma_start3A_27 = arith.constant 832 : i32
    %dma_start3A_28 = tpu.memref_slice %arg5[%dma_start3A_27] : memref<13312xi32, #tpu.memory_space<vmem>> -> memref<416xi32, #tpu.memory_space<vmem>>
    %dma_start3A_29 = arith.constant 0 : i32
    %dma_start3A_30 = arith.constant 0 : i32
    %dma_start3A_31 = tpu.memref_slice %arg2[%dma_start3A_29, %dma_start3A_30] : memref<1000000x32xf32, #tpu.memory_space<hbm>> -> memref<1000000x32xf32, #tpu.memory_space<hbm>>
    tpu.enqueue_indirect_dma source(%dma_start3A_31 : memref<1000000x32xf32, #tpu.memory_space<hbm>>) target(%dma_start3A_26 : memref<416x32xf32, #tpu.memory_space<vmem>>) offsets(%dma_start3A_28 : memref<416xi32, #tpu.memory_space<vmem>>) semaphore(%arg9 : memref<!tpu.dma_semaphore, #tpu.memory_space<semaphore_mem>>)
    %dma_start3A_32 = arith.constant 3 : i32
    %dma_start3A_33 = arith.constant 0 : i32
    %dma_start3A_34 = arith.constant 0 : i32
    %dma_start3A_35 = tpu.memref_slice %arg6[%dma_start3A_32, %dma_start3A_33, %dma_start3A_34] : memref<8x416x32xf32, #tpu.memory_space<vmem>> -> memref<1x416x32xf32, #tpu.memory_space<vmem>>
    %dma_start3A_36 = tpu.memref_squeeze %dma_start3A_35 : memref<1x416x32xf32, #tpu.memory_space<vmem>> -> memref<416x32xf32, #tpu.memory_space<vmem>>
    %dma_start3A_37 = arith.constant 1248 : i32
    %dma_start3A_38 = tpu.memref_slice %arg5[%dma_start3A_37] : memref<13312xi32, #tpu.memory_space<vmem>> -> memref<416xi32, #tpu.memory_space<vmem>>
    %dma_start3A_39 = arith.constant 0 : i32
    %dma_start3A_40 = arith.constant 0 : i32
    %dma_start3A_41 = tpu.memref_slice %arg2[%dma_start3A_39, %dma_start3A_40] : memref<1000000x32xf32, #tpu.memory_space<hbm>> -> memref<1000000x32xf32, #tpu.memory_space<hbm>>
    tpu.enqueue_indirect_dma source(%dma_start3A_41 : memref<1000000x32xf32, #tpu.memory_space<hbm>>) target(%dma_start3A_36 : memref<416x32xf32, #tpu.memory_space<vmem>>) offsets(%dma_start3A_38 : memref<416xi32, #tpu.memory_space<vmem>>) semaphore(%arg10 : memref<!tpu.dma_semaphore, #tpu.memory_space<semaphore_mem>>)
    %dma_start3A_42 = arith.constant 4 : i32
    %dma_start3A_43 = arith.constant 0 : i32
    %dma_start3A_44 = arith.constant 0 : i32
    %dma_start3A_45 = tpu.memref_slice %arg6[%dma_start3A_42, %dma_start3A_43, %dma_start3A_44] : memref<8x416x32xf32, #tpu.memory_space<vmem>> -> memref<1x416x32xf32, #tpu.memory_space<vmem>>
    %dma_start3A_46 = tpu.memref_squeeze %dma_start3A_45 : memref<1x416x32xf32, #tpu.memory_space<vmem>> -> memref<416x32xf32, #tpu.memory_space<vmem>>
    %dma_start3A_47 = arith.constant 1664 : i32
    %dma_start3A_48 = tpu.memref_slice %arg5[%dma_start3A_47] : memref<13312xi32, #tpu.memory_space<vmem>> -> memref<416xi32, #tpu.memory_space<vmem>>
    %dma_start3A_49 = arith.constant 0 : i32
    %dma_start3A_50 = arith.constant 0 : i32
    %dma_start3A_51 = tpu.memref_slice %arg2[%dma_start3A_49, %dma_start3A_50] : memref<1000000x32xf32, #tpu.memory_space<hbm>> -> memref<1000000x32xf32, #tpu.memory_space<hbm>>
    tpu.enqueue_indirect_dma source(%dma_start3A_51 : memref<1000000x32xf32, #tpu.memory_space<hbm>>) target(%dma_start3A_46 : memref<416x32xf32, #tpu.memory_space<vmem>>) offsets(%dma_start3A_48 : memref<416xi32, #tpu.memory_space<vmem>>) semaphore(%arg11 : memref<!tpu.dma_semaphore, #tpu.memory_space<semaphore_mem>>)
    %dma_start3A_52 = arith.constant 5 : i32
    %dma_start3A_53 = arith.constant 0 : i32
    %dma_start3A_54 = arith.constant 0 : i32
    %dma_start3A_55 = tpu.memref_slice %arg6[%dma_start3A_52, %dma_start3A_53, %dma_start3A_54] : memref<8x416x32xf32, #tpu.memory_space<vmem>> -> memref<1x416x32xf32, #tpu.memory_space<vmem>>
    %dma_start3A_56 = tpu.memref_squeeze %dma_start3A_55 : memref<1x416x32xf32, #tpu.memory_space<vmem>> -> memref<416x32xf32, #tpu.memory_space<vmem>>
    %dma_start3A_57 = arith.constant 2080 : i32
    %dma_start3A_58 = tpu.memref_slice %arg5[%dma_start3A_57] : memref<13312xi32, #tpu.memory_space<vmem>> -> memref<416xi32, #tpu.memory_space<vmem>>
    %dma_start3A_59 = arith.constant 0 : i32
    %dma_start3A_60 = arith.constant 0 : i32
    %dma_start3A_61 = tpu.memref_slice %arg2[%dma_start3A_59, %dma_start3A_60] : memref<1000000x32xf32, #tpu.memory_space<hbm>> -> memref<1000000x32xf32, #tpu.memory_space<hbm>>
    tpu.enqueue_indirect_dma source(%dma_start3A_61 : memref<1000000x32xf32, #tpu.memory_space<hbm>>) target(%dma_start3A_56 : memref<416x32xf32, #tpu.memory_space<vmem>>) offsets(%dma_start3A_58 : memref<416xi32, #tpu.memory_space<vmem>>) semaphore(%arg12 : memref<!tpu.dma_semaphore, #tpu.memory_space<semaphore_mem>>)
    %dma_start3A_62 = arith.constant 6 : i32
    %dma_start3A_63 = arith.constant 0 : i32
    %dma_start3A_64 = arith.constant 0 : i32
    %dma_start3A_65 = tpu.memref_slice %arg6[%dma_start3A_62, %dma_start3A_63, %dma_start3A_64] : memref<8x416x32xf32, #tpu.memory_space<vmem>> -> memref<1x416x32xf32, #tpu.memory_space<vmem>>
    %dma_start3A_66 = tpu.memref_squeeze %dma_start3A_65 : memref<1x416x32xf32, #tpu.memory_space<vmem>> -> memref<416x32xf32, #tpu.memory_space<vmem>>
    %dma_start3A_67 = arith.constant 2496 : i32
    %dma_start3A_68 = tpu.memref_slice %arg5[%dma_start3A_67] : memref<13312xi32, #tpu.memory_space<vmem>> -> memref<416xi32, #tpu.memory_space<vmem>>
    %dma_start3A_69 = arith.constant 0 : i32
    %dma_start3A_70 = arith.constant 0 : i32
    %dma_start3A_71 = tpu.memref_slice %arg2[%dma_start3A_69, %dma_start3A_70] : memref<1000000x32xf32, #tpu.memory_space<hbm>> -> memref<1000000x32xf32, #tpu.memory_space<hbm>>
    tpu.enqueue_indirect_dma source(%dma_start3A_71 : memref<1000000x32xf32, #tpu.memory_space<hbm>>) target(%dma_start3A_66 : memref<416x32xf32, #tpu.memory_space<vmem>>) offsets(%dma_start3A_68 : memref<416xi32, #tpu.memory_space<vmem>>) semaphore(%arg13 : memref<!tpu.dma_semaphore, #tpu.memory_space<semaphore_mem>>)
    %dma_wait3A = arith.constant 0 : i32
    %dma_wait3A_72 = arith.constant 0 : i32
    %dma_wait3A_73 = arith.constant 0 : i32
    %dma_wait3A_74 = tpu.memref_slice %arg6[%dma_wait3A, %dma_wait3A_72, %dma_wait3A_73] : memref<8x416x32xf32, #tpu.memory_space<vmem>> -> memref<1x416x32xf32, #tpu.memory_space<vmem>>
    %dma_wait3A_75 = tpu.memref_squeeze %dma_wait3A_74 : memref<1x416x32xf32, #tpu.memory_space<vmem>> -> memref<416x32xf32, #tpu.memory_space<vmem>>
    %dma_wait3A_76 = arith.constant 0 : i32
    %dma_wait3A_77 = tpu.memref_slice %arg5[%dma_wait3A_76] : memref<13312xi32, #tpu.memory_space<vmem>> -> memref<416xi32, #tpu.memory_space<vmem>>
    %dma_wait3A_78 = arith.constant 0 : i32
    %dma_wait3A_79 = arith.constant 0 : i32
    %dma_wait3A_80 = tpu.memref_slice %arg2[%dma_wait3A_78, %dma_wait3A_79] : memref<1000000x32xf32, #tpu.memory_space<hbm>> -> memref<1000000x32xf32, #tpu.memory_space<hbm>>
    tpu.wait_indirect_dma semaphore(%arg7 : memref<!tpu.dma_semaphore, #tpu.memory_space<semaphore_mem>>) src(%dma_wait3A_80 : memref<1000000x32xf32, #tpu.memory_space<hbm>>) dst(%dma_wait3A_75 : memref<416x32xf32, #tpu.memory_space<vmem>>)
    %add3A_81 = arith.constant 0 : i32
    %add3A_82 = arith.addi %mul3A_2, %add3A_81 : i32
    %dma_start3A_83 = arith.constant 0 : i32
    %dma_start3A_84 = arith.constant 0 : i32
    %dma_start3A_85 = arith.constant 0 : i32
    %dma_start3A_86 = tpu.memref_slice %arg6[%dma_start3A_83, %dma_start3A_84, %dma_start3A_85] : memref<8x416x32xf32, #tpu.memory_space<vmem>> -> memref<1x416x32xf32, #tpu.memory_space<vmem>>
    %dma_start3A_87 = tpu.memref_squeeze %dma_start3A_86 : memref<1x416x32xf32, #tpu.memory_space<vmem>> -> memref<416x32xf32, #tpu.memory_space<vmem>>
    %dma_start3A_88 = arith.constant 0 : i32
    %dma_start3A_89 = tpu.memref_slice %arg4[%add3A_82, %dma_start3A_88] : memref<425984x32xf32, #tpu.memory_space<hbm>> -> memref<416x32xf32, #tpu.memory_space<hbm>>
    %dma_start3A_90 = arith.constant 0 : i32
    %dma_start3A_91 = tpu.memref_slice %arg4[%add3A_82, %dma_start3A_90] : memref<425984x32xf32, #tpu.memory_space<hbm>> -> memref<416x32xf32, #tpu.memory_space<hbm>>
    %dma_start3A_92 = arith.constant 0 : i32
    %dma_start3A_93 = arith.constant 0 : i32
    %dma_start3A_94 = tpu.memref_slice %arg6[%dma_start3A_83, %dma_start3A_92, %dma_start3A_93] : memref<8x416x32xf32, #tpu.memory_space<vmem>> -> memref<1x416x32xf32, #tpu.memory_space<vmem>>
    %dma_start3A_95 = tpu.memref_squeeze %dma_start3A_94 : memref<1x416x32xf32, #tpu.memory_space<vmem>> -> memref<416x32xf32, #tpu.memory_space<vmem>>
    tpu.enqueue_dma source(%dma_start3A_95 : memref<416x32xf32, #tpu.memory_space<vmem>>) target(%dma_start3A_91 : memref<416x32xf32, #tpu.memory_space<hbm>>) target_semaphore(%arg15 : memref<!tpu.dma_semaphore, #tpu.memory_space<semaphore_mem>>)
    %dma_start3A_96 = arith.constant 7 : i32
    %dma_start3A_97 = arith.constant 0 : i32
    %dma_start3A_98 = arith.constant 0 : i32
    %dma_start3A_99 = tpu.memref_slice %arg6[%dma_start3A_96, %dma_start3A_97, %dma_start3A_98] : memref<8x416x32xf32, #tpu.memory_space<vmem>> -> memref<1x416x32xf32, #tpu.memory_space<vmem>>
    %dma_start3A_100 = tpu.memref_squeeze %dma_start3A_99 : memref<1x416x32xf32, #tpu.memory_space<vmem>> -> memref<416x32xf32, #tpu.memory_space<vmem>>
    %dma_start3A_101 = arith.constant 2912 : i32
    %dma_start3A_102 = tpu.memref_slice %arg5[%dma_start3A_101] : memref<13312xi32, #tpu.memory_space<vmem>> -> memref<416xi32, #tpu.memory_space<vmem>>
    %dma_start3A_103 = arith.constant 0 : i32
    %dma_start3A_104 = arith.constant 0 : i32
    %dma_start3A_105 = tpu.memref_slice %arg2[%dma_start3A_103, %dma_start3A_104] : memref<1000000x32xf32, #tpu.memory_space<hbm>> -> memref<1000000x32xf32, #tpu.memory_space<hbm>>
    tpu.enqueue_indirect_dma source(%dma_start3A_105 : memref<1000000x32xf32, #tpu.memory_space<hbm>>) target(%dma_start3A_100 : memref<416x32xf32, #tpu.memory_space<vmem>>) offsets(%dma_start3A_102 : memref<416xi32, #tpu.memory_space<vmem>>) semaphore(%arg14 : memref<!tpu.dma_semaphore, #tpu.memory_space<semaphore_mem>>)
    %dma_wait3A_106 = arith.constant 1 : i32
    %dma_wait3A_107 = arith.constant 0 : i32
    %dma_wait3A_108 = arith.constant 0 : i32
    %dma_wait3A_109 = tpu.memref_slice %arg6[%dma_wait3A_106, %dma_wait3A_107, %dma_wait3A_108] : memref<8x416x32xf32, #tpu.memory_space<vmem>> -> memref<1x416x32xf32, #tpu.memory_space<vmem>>
    %dma_wait3A_110 = tpu.memref_squeeze %dma_wait3A_109 : memref<1x416x32xf32, #tpu.memory_space<vmem>> -> memref<416x32xf32, #tpu.memory_space<vmem>>
    %dma_wait3A_111 = arith.constant 416 : i32
    %dma_wait3A_112 = tpu.memref_slice %arg5[%dma_wait3A_111] : memref<13312xi32, #tpu.memory_space<vmem>> -> memref<416xi32, #tpu.memory_space<vmem>>
    %dma_wait3A_113 = arith.constant 0 : i32
    %dma_wait3A_114 = arith.constant 0 : i32
    %dma_wait3A_115 = tpu.memref_slice %arg2[%dma_wait3A_113, %dma_wait3A_114] : memref<1000000x32xf32, #tpu.memory_space<hbm>> -> memref<1000000x32xf32, #tpu.memory_space<hbm>>
    tpu.wait_indirect_dma semaphore(%arg8 : memref<!tpu.dma_semaphore, #tpu.memory_space<semaphore_mem>>) src(%dma_wait3A_115 : memref<1000000x32xf32, #tpu.memory_space<hbm>>) dst(%dma_wait3A_110 : memref<416x32xf32, #tpu.memory_space<vmem>>)
    %add3A_116 = arith.constant 416 : i32
    %add3A_117 = arith.addi %mul3A_2, %add3A_116 : i32
    %dma_start3A_118 = arith.constant 1 : i32
    %dma_start3A_119 = arith.constant 0 : i32
    %dma_start3A_120 = arith.constant 0 : i32
    %dma_start3A_121 = tpu.memref_slice %arg6[%dma_start3A_118, %dma_start3A_119, %dma_start3A_120] : memref<8x416x32xf32, #tpu.memory_space<vmem>> -> memref<1x416x32xf32, #tpu.memory_space<vmem>>
    %dma_start3A_122 = tpu.memref_squeeze %dma_start3A_121 : memref<1x416x32xf32, #tpu.memory_space<vmem>> -> memref<416x32xf32, #tpu.memory_space<vmem>>
    %dma_start3A_123 = arith.constant 0 : i32
    %dma_start3A_124 = tpu.memref_slice %arg4[%add3A_117, %dma_start3A_123] : memref<425984x32xf32, #tpu.memory_space<hbm>> -> memref<416x32xf32, #tpu.memory_space<hbm>>
    %dma_start3A_125 = arith.constant 0 : i32
    %dma_start3A_126 = tpu.memref_slice %arg4[%add3A_117, %dma_start3A_125] : memref<425984x32xf32, #tpu.memory_space<hbm>> -> memref<416x32xf32, #tpu.memory_space<hbm>>
    %dma_start3A_127 = arith.constant 0 : i32
    %dma_start3A_128 = arith.constant 0 : i32
    %dma_start3A_129 = tpu.memref_slice %arg6[%dma_start3A_118, %dma_start3A_127, %dma_start3A_128] : memref<8x416x32xf32, #tpu.memory_space<vmem>> -> memref<1x416x32xf32, #tpu.memory_space<vmem>>
    %dma_start3A_130 = tpu.memref_squeeze %dma_start3A_129 : memref<1x416x32xf32, #tpu.memory_space<vmem>> -> memref<416x32xf32, #tpu.memory_space<vmem>>
    tpu.enqueue_dma source(%dma_start3A_130 : memref<416x32xf32, #tpu.memory_space<vmem>>) target(%dma_start3A_126 : memref<416x32xf32, #tpu.memory_space<hbm>>) target_semaphore(%arg16 : memref<!tpu.dma_semaphore, #tpu.memory_space<semaphore_mem>>)
    %dma_wait3A_131 = arith.constant 0 : i32
    %dma_wait3A_132 = arith.constant 0 : i32
    %dma_wait3A_133 = arith.constant 0 : i32
    %dma_wait3A_134 = tpu.memref_slice %arg6[%dma_wait3A_131, %dma_wait3A_132, %dma_wait3A_133] : memref<8x416x32xf32, #tpu.memory_space<vmem>> -> memref<1x416x32xf32, #tpu.memory_space<vmem>>
    %dma_wait3A_135 = tpu.memref_squeeze %dma_wait3A_134 : memref<1x416x32xf32, #tpu.memory_space<vmem>> -> memref<416x32xf32, #tpu.memory_space<vmem>>
    %dma_wait3A_136 = arith.constant 0 : i32
    %dma_wait3A_137 = tpu.memref_slice %arg4[%add3A_82, %dma_wait3A_136] : memref<425984x32xf32, #tpu.memory_space<hbm>> -> memref<416x32xf32, #tpu.memory_space<hbm>>
    %dma_wait3A_138 = arith.constant 0 : i32
    %dma_wait3A_139 = tpu.memref_slice %arg4[%add3A_82, %dma_wait3A_138] : memref<425984x32xf32, #tpu.memory_space<hbm>> -> memref<416x32xf32, #tpu.memory_space<hbm>>
    %dma_wait3A_140 = arith.constant 0 : i32
    %dma_wait3A_141 = arith.constant 0 : i32
    %dma_wait3A_142 = tpu.memref_slice %arg6[%dma_wait3A_131, %dma_wait3A_140, %dma_wait3A_141] : memref<8x416x32xf32, #tpu.memory_space<vmem>> -> memref<1x416x32xf32, #tpu.memory_space<vmem>>
    %dma_wait3A_143 = tpu.memref_squeeze %dma_wait3A_142 : memref<1x416x32xf32, #tpu.memory_space<vmem>> -> memref<416x32xf32, #tpu.memory_space<vmem>>
    tpu.wait_dma2 semaphore(%arg15 : memref<!tpu.dma_semaphore, #tpu.memory_space<semaphore_mem>>) src(%dma_wait3A_143 : memref<416x32xf32, #tpu.memory_space<vmem>>) dst(%dma_wait3A_139 : memref<416x32xf32, #tpu.memory_space<hbm>>)
    %dma_start3A_144 = arith.constant 0 : i32
    %dma_start3A_145 = arith.constant 0 : i32
    %dma_start3A_146 = arith.constant 0 : i32
    %dma_start3A_147 = tpu.memref_slice %arg6[%dma_start3A_144, %dma_start3A_145, %dma_start3A_146] : memref<8x416x32xf32, #tpu.memory_space<vmem>> -> memref<1x416x32xf32, #tpu.memory_space<vmem>>
    %dma_start3A_148 = tpu.memref_squeeze %dma_start3A_147 : memref<1x416x32xf32, #tpu.memory_space<vmem>> -> memref<416x32xf32, #tpu.memory_space<vmem>>
    %dma_start3A_149 = arith.constant 3328 : i32
    %dma_start3A_150 = tpu.memref_slice %arg5[%dma_start3A_149] : memref<13312xi32, #tpu.memory_space<vmem>> -> memref<416xi32, #tpu.memory_space<vmem>>
    %dma_start3A_151 = arith.constant 0 : i32
    %dma_start3A_152 = arith.constant 0 : i32
    %dma_start3A_153 = tpu.memref_slice %arg2[%dma_start3A_151, %dma_start3A_152] : memref<1000000x32xf32, #tpu.memory_space<hbm>> -> memref<1000000x32xf32, #tpu.memory_space<hbm>>
    tpu.enqueue_indirect_dma source(%dma_start3A_153 : memref<1000000x32xf32, #tpu.memory_space<hbm>>) target(%dma_start3A_148 : memref<416x32xf32, #tpu.memory_space<vmem>>) offsets(%dma_start3A_150 : memref<416xi32, #tpu.memory_space<vmem>>) semaphore(%arg7 : memref<!tpu.dma_semaphore, #tpu.memory_space<semaphore_mem>>)
    %dma_wait3A_154 = arith.constant 2 : i32
    %dma_wait3A_155 = arith.constant 0 : i32
    %dma_wait3A_156 = arith.constant 0 : i32
    %dma_wait3A_157 = tpu.memref_slice %arg6[%dma_wait3A_154, %dma_wait3A_155, %dma_wait3A_156] : memref<8x416x32xf32, #tpu.memory_space<vmem>> -> memref<1x416x32xf32, #tpu.memory_space<vmem>>
    %dma_wait3A_158 = tpu.memref_squeeze %dma_wait3A_157 : memref<1x416x32xf32, #tpu.memory_space<vmem>> -> memref<416x32xf32, #tpu.memory_space<vmem>>
    %dma_wait3A_159 = arith.constant 832 : i32
    %dma_wait3A_160 = tpu.memref_slice %arg5[%dma_wait3A_159] : memref<13312xi32, #tpu.memory_space<vmem>> -> memref<416xi32, #tpu.memory_space<vmem>>
    %dma_wait3A_161 = arith.constant 0 : i32
    %dma_wait3A_162 = arith.constant 0 : i32
    %dma_wait3A_163 = tpu.memref_slice %arg2[%dma_wait3A_161, %dma_wait3A_162] : memref<1000000x32xf32, #tpu.memory_space<hbm>> -> memref<1000000x32xf32, #tpu.memory_space<hbm>>
    tpu.wait_indirect_dma semaphore(%arg9 : memref<!tpu.dma_semaphore, #tpu.memory_space<semaphore_mem>>) src(%dma_wait3A_163 : memref<1000000x32xf32, #tpu.memory_space<hbm>>) dst(%dma_wait3A_158 : memref<416x32xf32, #tpu.memory_space<vmem>>)
    %add3A_164 = arith.constant 832 : i32
    %add3A_165 = arith.addi %mul3A_2, %add3A_164 : i32
    %dma_start3A_166 = arith.constant 2 : i32
    %dma_start3A_167 = arith.constant 0 : i32
    %dma_start3A_168 = arith.constant 0 : i32
    %dma_start3A_169 = tpu.memref_slice %arg6[%dma_start3A_166, %dma_start3A_167, %dma_start3A_168] : memref<8x416x32xf32, #tpu.memory_space<vmem>> -> memref<1x416x32xf32, #tpu.memory_space<vmem>>
    %dma_start3A_170 = tpu.memref_squeeze %dma_start3A_169 : memref<1x416x32xf32, #tpu.memory_space<vmem>> -> memref<416x32xf32, #tpu.memory_space<vmem>>
    %dma_start3A_171 = arith.constant 0 : i32
    %dma_start3A_172 = tpu.memref_slice %arg4[%add3A_165, %dma_start3A_171] : memref<425984x32xf32, #tpu.memory_space<hbm>> -> memref<416x32xf32, #tpu.memory_space<hbm>>
    %dma_start3A_173 = arith.constant 0 : i32
    %dma_start3A_174 = tpu.memref_slice %arg4[%add3A_165, %dma_start3A_173] : memref<425984x32xf32, #tpu.memory_space<hbm>> -> memref<416x32xf32, #tpu.memory_space<hbm>>
    %dma_start3A_175 = arith.constant 0 : i32
    %dma_start3A_176 = arith.constant 0 : i32
    %dma_start3A_177 = tpu.memref_slice %arg6[%dma_start3A_166, %dma_start3A_175, %dma_start3A_176] : memref<8x416x32xf32, #tpu.memory_space<vmem>> -> memref<1x416x32xf32, #tpu.memory_space<vmem>>
    %dma_start3A_178 = tpu.memref_squeeze %dma_start3A_177 : memref<1x416x32xf32, #tpu.memory_space<vmem>> -> memref<416x32xf32, #tpu.memory_space<vmem>>
    tpu.enqueue_dma source(%dma_start3A_178 : memref<416x32xf32, #tpu.memory_space<vmem>>) target(%dma_start3A_174 : memref<416x32xf32, #tpu.memory_space<hbm>>) target_semaphore(%arg17 : memref<!tpu.dma_semaphore, #tpu.memory_space<semaphore_mem>>)
    %dma_wait3A_179 = arith.constant 1 : i32
    %dma_wait3A_180 = arith.constant 0 : i32
    %dma_wait3A_181 = arith.constant 0 : i32
    %dma_wait3A_182 = tpu.memref_slice %arg6[%dma_wait3A_179, %dma_wait3A_180, %dma_wait3A_181] : memref<8x416x32xf32, #tpu.memory_space<vmem>> -> memref<1x416x32xf32, #tpu.memory_space<vmem>>
    %dma_wait3A_183 = tpu.memref_squeeze %dma_wait3A_182 : memref<1x416x32xf32, #tpu.memory_space<vmem>> -> memref<416x32xf32, #tpu.memory_space<vmem>>
    %dma_wait3A_184 = arith.constant 0 : i32
    %dma_wait3A_185 = tpu.memref_slice %arg4[%add3A_117, %dma_wait3A_184] : memref<425984x32xf32, #tpu.memory_space<hbm>> -> memref<416x32xf32, #tpu.memory_space<hbm>>
    %dma_wait3A_186 = arith.constant 0 : i32
    %dma_wait3A_187 = tpu.memref_slice %arg4[%add3A_117, %dma_wait3A_186] : memref<425984x32xf32, #tpu.memory_space<hbm>> -> memref<416x32xf32, #tpu.memory_space<hbm>>
    %dma_wait3A_188 = arith.constant 0 : i32
    %dma_wait3A_189 = arith.constant 0 : i32
    %dma_wait3A_190 = tpu.memref_slice %arg6[%dma_wait3A_179, %dma_wait3A_188, %dma_wait3A_189] : memref<8x416x32xf32, #tpu.memory_space<vmem>> -> memref<1x416x32xf32, #tpu.memory_space<vmem>>
    %dma_wait3A_191 = tpu.memref_squeeze %dma_wait3A_190 : memref<1x416x32xf32, #tpu.memory_space<vmem>> -> memref<416x32xf32, #tpu.memory_space<vmem>>
    tpu.wait_dma2 semaphore(%arg16 : memref<!tpu.dma_semaphore, #tpu.memory_space<semaphore_mem>>) src(%dma_wait3A_191 : memref<416x32xf32, #tpu.memory_space<vmem>>) dst(%dma_wait3A_187 : memref<416x32xf32, #tpu.memory_space<hbm>>)
    %dma_start3A_192 = arith.constant 1 : i32
    %dma_start3A_193 = arith.constant 0 : i32
    %dma_start3A_194 = arith.constant 0 : i32
    %dma_start3A_195 = tpu.memref_slice %arg6[%dma_start3A_192, %dma_start3A_193, %dma_start3A_194] : memref<8x416x32xf32, #tpu.memory_space<vmem>> -> memref<1x416x32xf32, #tpu.memory_space<vmem>>
    %dma_start3A_196 = tpu.memref_squeeze %dma_start3A_195 : memref<1x416x32xf32, #tpu.memory_space<vmem>> -> memref<416x32xf32, #tpu.memory_space<vmem>>
    %dma_start3A_197 = arith.constant 3744 : i32
    %dma_start3A_198 = tpu.memref_slice %arg5[%dma_start3A_197] : memref<13312xi32, #tpu.memory_space<vmem>> -> memref<416xi32, #tpu.memory_space<vmem>>
    %dma_start3A_199 = arith.constant 0 : i32
    %dma_start3A_200 = arith.constant 0 : i32
    %dma_start3A_201 = tpu.memref_slice %arg2[%dma_start3A_199, %dma_start3A_200] : memref<1000000x32xf32, #tpu.memory_space<hbm>> -> memref<1000000x32xf32, #tpu.memory_space<hbm>>
    tpu.enqueue_indirect_dma source(%dma_start3A_201 : memref<1000000x32xf32, #tpu.memory_space<hbm>>) target(%dma_start3A_196 : memref<416x32xf32, #tpu.memory_space<vmem>>) offsets(%dma_start3A_198 : memref<416xi32, #tpu.memory_space<vmem>>) semaphore(%arg8 : memref<!tpu.dma_semaphore, #tpu.memory_space<semaphore_mem>>)
    %dma_wait3A_202 = arith.constant 3 : i32
    %dma_wait3A_203 = arith.constant 0 : i32
    %dma_wait3A_204 = arith.constant 0 : i32
    %dma_wait3A_205 = tpu.memref_slice %arg6[%dma_wait3A_202, %dma_wait3A_203, %dma_wait3A_204] : memref<8x416x32xf32, #tpu.memory_space<vmem>> -> memref<1x416x32xf32, #tpu.memory_space<vmem>>
    %dma_wait3A_206 = tpu.memref_squeeze %dma_wait3A_205 : memref<1x416x32xf32, #tpu.memory_space<vmem>> -> memref<416x32xf32, #tpu.memory_space<vmem>>
    %dma_wait3A_207 = arith.constant 1248 : i32
    %dma_wait3A_208 = tpu.memref_slice %arg5[%dma_wait3A_207] : memref<13312xi32, #tpu.memory_space<vmem>> -> memref<416xi32, #tpu.memory_space<vmem>>
    %dma_wait3A_209 = arith.constant 0 : i32
    %dma_wait3A_210 = arith.constant 0 : i32
    %dma_wait3A_211 = tpu.memref_slice %arg2[%dma_wait3A_209, %dma_wait3A_210] : memref<1000000x32xf32, #tpu.memory_space<hbm>> -> memref<1000000x32xf32, #tpu.memory_space<hbm>>
    tpu.wait_indirect_dma semaphore(%arg10 : memref<!tpu.dma_semaphore, #tpu.memory_space<semaphore_mem>>) src(%dma_wait3A_211 : memref<1000000x32xf32, #tpu.memory_space<hbm>>) dst(%dma_wait3A_206 : memref<416x32xf32, #tpu.memory_space<vmem>>)
    %add3A_212 = arith.constant 1248 : i32
    %add3A_213 = arith.addi %mul3A_2, %add3A_212 : i32
    %dma_start3A_214 = arith.constant 3 : i32
    %dma_start3A_215 = arith.constant 0 : i32
    %dma_start3A_216 = arith.constant 0 : i32
    %dma_start3A_217 = tpu.memref_slice %arg6[%dma_start3A_214, %dma_start3A_215, %dma_start3A_216] : memref<8x416x32xf32, #tpu.memory_space<vmem>> -> memref<1x416x32xf32, #tpu.memory_space<vmem>>
    %dma_start3A_218 = tpu.memref_squeeze %dma_start3A_217 : memref<1x416x32xf32, #tpu.memory_space<vmem>> -> memref<416x32xf32, #tpu.memory_space<vmem>>
    %dma_start3A_219 = arith.constant 0 : i32
    %dma_start3A_220 = tpu.memref_slice %arg4[%add3A_213, %dma_start3A_219] : memref<425984x32xf32, #tpu.memory_space<hbm>> -> memref<416x32xf32, #tpu.memory_space<hbm>>
    %dma_start3A_221 = arith.constant 0 : i32
    %dma_start3A_222 = tpu.memref_slice %arg4[%add3A_213, %dma_start3A_221] : memref<425984x32xf32, #tpu.memory_space<hbm>> -> memref<416x32xf32, #tpu.memory_space<hbm>>
    %dma_start3A_223 = arith.constant 0 : i32
    %dma_start3A_224 = arith.constant 0 : i32
    %dma_start3A_225 = tpu.memref_slice %arg6[%dma_start3A_214, %dma_start3A_223, %dma_start3A_224] : memref<8x416x32xf32, #tpu.memory_space<vmem>> -> memref<1x416x32xf32, #tpu.memory_space<vmem>>
    %dma_start3A_226 = tpu.memref_squeeze %dma_start3A_225 : memref<1x416x32xf32, #tpu.memory_space<vmem>> -> memref<416x32xf32, #tpu.memory_space<vmem>>
    tpu.enqueue_dma source(%dma_start3A_226 : memref<416x32xf32, #tpu.memory_space<vmem>>) target(%dma_start3A_222 : memref<416x32xf32, #tpu.memory_space<hbm>>) target_semaphore(%arg18 : memref<!tpu.dma_semaphore, #tpu.memory_space<semaphore_mem>>)
    %dma_wait3A_227 = arith.constant 2 : i32
    %dma_wait3A_228 = arith.constant 0 : i32
    %dma_wait3A_229 = arith.constant 0 : i32
    %dma_wait3A_230 = tpu.memref_slice %arg6[%dma_wait3A_227, %dma_wait3A_228, %dma_wait3A_229] : memref<8x416x32xf32, #tpu.memory_space<vmem>> -> memref<1x416x32xf32, #tpu.memory_space<vmem>>
    %dma_wait3A_231 = tpu.memref_squeeze %dma_wait3A_230 : memref<1x416x32xf32, #tpu.memory_space<vmem>> -> memref<416x32xf32, #tpu.memory_space<vmem>>
    %dma_wait3A_232 = arith.constant 0 : i32
    %dma_wait3A_233 = tpu.memref_slice %arg4[%add3A_165, %dma_wait3A_232] : memref<425984x32xf32, #tpu.memory_space<hbm>> -> memref<416x32xf32, #tpu.memory_space<hbm>>
    %dma_wait3A_234 = arith.constant 0 : i32
    %dma_wait3A_235 = tpu.memref_slice %arg4[%add3A_165, %dma_wait3A_234] : memref<425984x32xf32, #tpu.memory_space<hbm>> -> memref<416x32xf32, #tpu.memory_space<hbm>>
    %dma_wait3A_236 = arith.constant 0 : i32
    %dma_wait3A_237 = arith.constant 0 : i32
    %dma_wait3A_238 = tpu.memref_slice %arg6[%dma_wait3A_227, %dma_wait3A_236, %dma_wait3A_237] : memref<8x416x32xf32, #tpu.memory_space<vmem>> -> memref<1x416x32xf32, #tpu.memory_space<vmem>>
    %dma_wait3A_239 = tpu.memref_squeeze %dma_wait3A_238 : memref<1x416x32xf32, #tpu.memory_space<vmem>> -> memref<416x32xf32, #tpu.memory_space<vmem>>
    tpu.wait_dma2 semaphore(%arg17 : memref<!tpu.dma_semaphore, #tpu.memory_space<semaphore_mem>>) src(%dma_wait3A_239 : memref<416x32xf32, #tpu.memory_space<vmem>>) dst(%dma_wait3A_235 : memref<416x32xf32, #tpu.memory_space<hbm>>)
    %dma_start3A_240 = arith.constant 2 : i32
    %dma_start3A_241 = arith.constant 0 : i32
    %dma_start3A_242 = arith.constant 0 : i32
    %dma_start3A_243 = tpu.memref_slice %arg6[%dma_start3A_240, %dma_start3A_241, %dma_start3A_242] : memref<8x416x32xf32, #tpu.memory_space<vmem>> -> memref<1x416x32xf32, #tpu.memory_space<vmem>>
    %dma_start3A_244 = tpu.memref_squeeze %dma_start3A_243 : memref<1x416x32xf32, #tpu.memory_space<vmem>> -> memref<416x32xf32, #tpu.memory_space<vmem>>
    %dma_start3A_245 = arith.constant 4160 : i32
    %dma_start3A_246 = tpu.memref_slice %arg5[%dma_start3A_245] : memref<13312xi32, #tpu.memory_space<vmem>> -> memref<416xi32, #tpu.memory_space<vmem>>
    %dma_start3A_247 = arith.constant 0 : i32
    %dma_start3A_248 = arith.constant 0 : i32
    %dma_start3A_249 = tpu.memref_slice %arg2[%dma_start3A_247, %dma_start3A_248] : memref<1000000x32xf32, #tpu.memory_space<hbm>> -> memref<1000000x32xf32, #tpu.memory_space<hbm>>
    tpu.enqueue_indirect_dma source(%dma_start3A_249 : memref<1000000x32xf32, #tpu.memory_space<hbm>>) target(%dma_start3A_244 : memref<416x32xf32, #tpu.memory_space<vmem>>) offsets(%dma_start3A_246 : memref<416xi32, #tpu.memory_space<vmem>>) semaphore(%arg9 : memref<!tpu.dma_semaphore, #tpu.memory_space<semaphore_mem>>)
    %dma_wait3A_250 = arith.constant 4 : i32
    %dma_wait3A_251 = arith.constant 0 : i32
    %dma_wait3A_252 = arith.constant 0 : i32
    %dma_wait3A_253 = tpu.memref_slice %arg6[%dma_wait3A_250, %dma_wait3A_251, %dma_wait3A_252] : memref<8x416x32xf32, #tpu.memory_space<vmem>> -> memref<1x416x32xf32, #tpu.memory_space<vmem>>
    %dma_wait3A_254 = tpu.memref_squeeze %dma_wait3A_253 : memref<1x416x32xf32, #tpu.memory_space<vmem>> -> memref<416x32xf32, #tpu.memory_space<vmem>>
    %dma_wait3A_255 = arith.constant 1664 : i32
    %dma_wait3A_256 = tpu.memref_slice %arg5[%dma_wait3A_255] : memref<13312xi32, #tpu.memory_space<vmem>> -> memref<416xi32, #tpu.memory_space<vmem>>
    %dma_wait3A_257 = arith.constant 0 : i32
    %dma_wait3A_258 = arith.constant 0 : i32
    %dma_wait3A_259 = tpu.memref_slice %arg2[%dma_wait3A_257, %dma_wait3A_258] : memref<1000000x32xf32, #tpu.memory_space<hbm>> -> memref<1000000x32xf32, #tpu.memory_space<hbm>>
    tpu.wait_indirect_dma semaphore(%arg11 : memref<!tpu.dma_semaphore, #tpu.memory_space<semaphore_mem>>) src(%dma_wait3A_259 : memref<1000000x32xf32, #tpu.memory_space<hbm>>) dst(%dma_wait3A_254 : memref<416x32xf32, #tpu.memory_space<vmem>>)
    %add3A_260 = arith.constant 1664 : i32
    %add3A_261 = arith.addi %mul3A_2, %add3A_260 : i32
    %dma_start3A_262 = arith.constant 4 : i32
    %dma_start3A_263 = arith.constant 0 : i32
    %dma_start3A_264 = arith.constant 0 : i32
    %dma_start3A_265 = tpu.memref_slice %arg6[%dma_start3A_262, %dma_start3A_263, %dma_start3A_264] : memref<8x416x32xf32, #tpu.memory_space<vmem>> -> memref<1x416x32xf32, #tpu.memory_space<vmem>>
    %dma_start3A_266 = tpu.memref_squeeze %dma_start3A_265 : memref<1x416x32xf32, #tpu.memory_space<vmem>> -> memref<416x32xf32, #tpu.memory_space<vmem>>
    %dma_start3A_267 = arith.constant 0 : i32
    %dma_start3A_268 = tpu.memref_slice %arg4[%add3A_261, %dma_start3A_267] : memref<425984x32xf32, #tpu.memory_space<hbm>> -> memref<416x32xf32, #tpu.memory_space<hbm>>
    %dma_start3A_269 = arith.constant 0 : i32
    %dma_start3A_270 = tpu.memref_slice %arg4[%add3A_261, %dma_start3A_269] : memref<425984x32xf32, #tpu.memory_space<hbm>> -> memref<416x32xf32, #tpu.memory_space<hbm>>
    %dma_start3A_271 = arith.constant 0 : i32
    %dma_start3A_272 = arith.constant 0 : i32
    %dma_start3A_273 = tpu.memref_slice %arg6[%dma_start3A_262, %dma_start3A_271, %dma_start3A_272] : memref<8x416x32xf32, #tpu.memory_space<vmem>> -> memref<1x416x32xf32, #tpu.memory_space<vmem>>
    %dma_start3A_274 = tpu.memref_squeeze %dma_start3A_273 : memref<1x416x32xf32, #tpu.memory_space<vmem>> -> memref<416x32xf32, #tpu.memory_space<vmem>>
    tpu.enqueue_dma source(%dma_start3A_274 : memref<416x32xf32, #tpu.memory_space<vmem>>) target(%dma_start3A_270 : memref<416x32xf32, #tpu.memory_space<hbm>>) target_semaphore(%arg19 : memref<!tpu.dma_semaphore, #tpu.memory_space<semaphore_mem>>)
    %dma_wait3A_275 = arith.constant 3 : i32
    %dma_wait3A_276 = arith.constant 0 : i32
    %dma_wait3A_277 = arith.constant 0 : i32
    %dma_wait3A_278 = tpu.memref_slice %arg6[%dma_wait3A_275, %dma_wait3A_276, %dma_wait3A_277] : memref<8x416x32xf32, #tpu.memory_space<vmem>> -> memref<1x416x32xf32, #tpu.memory_space<vmem>>
    %dma_wait3A_279 = tpu.memref_squeeze %dma_wait3A_278 : memref<1x416x32xf32, #tpu.memory_space<vmem>> -> memref<416x32xf32, #tpu.memory_space<vmem>>
    %dma_wait3A_280 = arith.constant 0 : i32
    %dma_wait3A_281 = tpu.memref_slice %arg4[%add3A_213, %dma_wait3A_280] : memref<425984x32xf32, #tpu.memory_space<hbm>> -> memref<416x32xf32, #tpu.memory_space<hbm>>
    %dma_wait3A_282 = arith.constant 0 : i32
    %dma_wait3A_283 = tpu.memref_slice %arg4[%add3A_213, %dma_wait3A_282] : memref<425984x32xf32, #tpu.memory_space<hbm>> -> memref<416x32xf32, #tpu.memory_space<hbm>>
    %dma_wait3A_284 = arith.constant 0 : i32
    %dma_wait3A_285 = arith.constant 0 : i32
    %dma_wait3A_286 = tpu.memref_slice %arg6[%dma_wait3A_275, %dma_wait3A_284, %dma_wait3A_285] : memref<8x416x32xf32, #tpu.memory_space<vmem>> -> memref<1x416x32xf32, #tpu.memory_space<vmem>>
    %dma_wait3A_287 = tpu.memref_squeeze %dma_wait3A_286 : memref<1x416x32xf32, #tpu.memory_space<vmem>> -> memref<416x32xf32, #tpu.memory_space<vmem>>
    tpu.wait_dma2 semaphore(%arg18 : memref<!tpu.dma_semaphore, #tpu.memory_space<semaphore_mem>>) src(%dma_wait3A_287 : memref<416x32xf32, #tpu.memory_space<vmem>>) dst(%dma_wait3A_283 : memref<416x32xf32, #tpu.memory_space<hbm>>)
    %dma_start3A_288 = arith.constant 3 : i32
    %dma_start3A_289 = arith.constant 0 : i32
    %dma_start3A_290 = arith.constant 0 : i32
    %dma_start3A_291 = tpu.memref_slice %arg6[%dma_start3A_288, %dma_start3A_289, %dma_start3A_290] : memref<8x416x32xf32, #tpu.memory_space<vmem>> -> memref<1x416x32xf32, #tpu.memory_space<vmem>>
    %dma_start3A_292 = tpu.memref_squeeze %dma_start3A_291 : memref<1x416x32xf32, #tpu.memory_space<vmem>> -> memref<416x32xf32, #tpu.memory_space<vmem>>
    %dma_start3A_293 = arith.constant 4576 : i32
    %dma_start3A_294 = tpu.memref_slice %arg5[%dma_start3A_293] : memref<13312xi32, #tpu.memory_space<vmem>> -> memref<416xi32, #tpu.memory_space<vmem>>
    %dma_start3A_295 = arith.constant 0 : i32
    %dma_start3A_296 = arith.constant 0 : i32
    %dma_start3A_297 = tpu.memref_slice %arg2[%dma_start3A_295, %dma_start3A_296] : memref<1000000x32xf32, #tpu.memory_space<hbm>> -> memref<1000000x32xf32, #tpu.memory_space<hbm>>
    tpu.enqueue_indirect_dma source(%dma_start3A_297 : memref<1000000x32xf32, #tpu.memory_space<hbm>>) target(%dma_start3A_292 : memref<416x32xf32, #tpu.memory_space<vmem>>) offsets(%dma_start3A_294 : memref<416xi32, #tpu.memory_space<vmem>>) semaphore(%arg10 : memref<!tpu.dma_semaphore, #tpu.memory_space<semaphore_mem>>)
    %dma_wait3A_298 = arith.constant 5 : i32
    %dma_wait3A_299 = arith.constant 0 : i32
    %dma_wait3A_300 = arith.constant 0 : i32
    %dma_wait3A_301 = tpu.memref_slice %arg6[%dma_wait3A_298, %dma_wait3A_299, %dma_wait3A_300] : memref<8x416x32xf32, #tpu.memory_space<vmem>> -> memref<1x416x32xf32, #tpu.memory_space<vmem>>
    %dma_wait3A_302 = tpu.memref_squeeze %dma_wait3A_301 : memref<1x416x32xf32, #tpu.memory_space<vmem>> -> memref<416x32xf32, #tpu.memory_space<vmem>>
    %dma_wait3A_303 = arith.constant 2080 : i32
    %dma_wait3A_304 = tpu.memref_slice %arg5[%dma_wait3A_303] : memref<13312xi32, #tpu.memory_space<vmem>> -> memref<416xi32, #tpu.memory_space<vmem>>
    %dma_wait3A_305 = arith.constant 0 : i32
    %dma_wait3A_306 = arith.constant 0 : i32
    %dma_wait3A_307 = tpu.memref_slice %arg2[%dma_wait3A_305, %dma_wait3A_306] : memref<1000000x32xf32, #tpu.memory_space<hbm>> -> memref<1000000x32xf32, #tpu.memory_space<hbm>>
    tpu.wait_indirect_dma semaphore(%arg12 : memref<!tpu.dma_semaphore, #tpu.memory_space<semaphore_mem>>) src(%dma_wait3A_307 : memref<1000000x32xf32, #tpu.memory_space<hbm>>) dst(%dma_wait3A_302 : memref<416x32xf32, #tpu.memory_space<vmem>>)
    %add3A_308 = arith.constant 2080 : i32
    %add3A_309 = arith.addi %mul3A_2, %add3A_308 : i32
    %dma_start3A_310 = arith.constant 5 : i32
    %dma_start3A_311 = arith.constant 0 : i32
    %dma_start3A_312 = arith.constant 0 : i32
    %dma_start3A_313 = tpu.memref_slice %arg6[%dma_start3A_310, %dma_start3A_311, %dma_start3A_312] : memref<8x416x32xf32, #tpu.memory_space<vmem>> -> memref<1x416x32xf32, #tpu.memory_space<vmem>>
    %dma_start3A_314 = tpu.memref_squeeze %dma_start3A_313 : memref<1x416x32xf32, #tpu.memory_space<vmem>> -> memref<416x32xf32, #tpu.memory_space<vmem>>
    %dma_start3A_315 = arith.constant 0 : i32
    %dma_start3A_316 = tpu.memref_slice %arg4[%add3A_309, %dma_start3A_315] : memref<425984x32xf32, #tpu.memory_space<hbm>> -> memref<416x32xf32, #tpu.memory_space<hbm>>
    %dma_start3A_317 = arith.constant 0 : i32
    %dma_start3A_318 = tpu.memref_slice %arg4[%add3A_309, %dma_start3A_317] : memref<425984x32xf32, #tpu.memory_space<hbm>> -> memref<416x32xf32, #tpu.memory_space<hbm>>
    %dma_start3A_319 = arith.constant 0 : i32
    %dma_start3A_320 = arith.constant 0 : i32
    %dma_start3A_321 = tpu.memref_slice %arg6[%dma_start3A_310, %dma_start3A_319, %dma_start3A_320] : memref<8x416x32xf32, #tpu.memory_space<vmem>> -> memref<1x416x32xf32, #tpu.memory_space<vmem>>
    %dma_start3A_322 = tpu.memref_squeeze %dma_start3A_321 : memref<1x416x32xf32, #tpu.memory_space<vmem>> -> memref<416x32xf32, #tpu.memory_space<vmem>>
    tpu.enqueue_dma source(%dma_start3A_322 : memref<416x32xf32, #tpu.memory_space<vmem>>) target(%dma_start3A_318 : memref<416x32xf32, #tpu.memory_space<hbm>>) target_semaphore(%arg20 : memref<!tpu.dma_semaphore, #tpu.memory_space<semaphore_mem>>)
    %dma_wait3A_323 = arith.constant 4 : i32
    %dma_wait3A_324 = arith.constant 0 : i32
    %dma_wait3A_325 = arith.constant 0 : i32
    %dma_wait3A_326 = tpu.memref_slice %arg6[%dma_wait3A_323, %dma_wait3A_324, %dma_wait3A_325] : memref<8x416x32xf32, #tpu.memory_space<vmem>> -> memref<1x416x32xf32, #tpu.memory_space<vmem>>
    %dma_wait3A_327 = tpu.memref_squeeze %dma_wait3A_326 : memref<1x416x32xf32, #tpu.memory_space<vmem>> -> memref<416x32xf32, #tpu.memory_space<vmem>>
    %dma_wait3A_328 = arith.constant 0 : i32
    %dma_wait3A_329 = tpu.memref_slice %arg4[%add3A_261, %dma_wait3A_328] : memref<425984x32xf32, #tpu.memory_space<hbm>> -> memref<416x32xf32, #tpu.memory_space<hbm>>
    %dma_wait3A_330 = arith.constant 0 : i32
    %dma_wait3A_331 = tpu.memref_slice %arg4[%add3A_261, %dma_wait3A_330] : memref<425984x32xf32, #tpu.memory_space<hbm>> -> memref<416x32xf32, #tpu.memory_space<hbm>>
    %dma_wait3A_332 = arith.constant 0 : i32
    %dma_wait3A_333 = arith.constant 0 : i32
    %dma_wait3A_334 = tpu.memref_slice %arg6[%dma_wait3A_323, %dma_wait3A_332, %dma_wait3A_333] : memref<8x416x32xf32, #tpu.memory_space<vmem>> -> memref<1x416x32xf32, #tpu.memory_space<vmem>>
    %dma_wait3A_335 = tpu.memref_squeeze %dma_wait3A_334 : memref<1x416x32xf32, #tpu.memory_space<vmem>> -> memref<416x32xf32, #tpu.memory_space<vmem>>
    tpu.wait_dma2 semaphore(%arg19 : memref<!tpu.dma_semaphore, #tpu.memory_space<semaphore_mem>>) src(%dma_wait3A_335 : memref<416x32xf32, #tpu.memory_space<vmem>>) dst(%dma_wait3A_331 : memref<416x32xf32, #tpu.memory_space<hbm>>)
    %dma_start3A_336 = arith.constant 4 : i32
    %dma_start3A_337 = arith.constant 0 : i32
    %dma_start3A_338 = arith.constant 0 : i32
    %dma_start3A_339 = tpu.memref_slice %arg6[%dma_start3A_336, %dma_start3A_337, %dma_start3A_338] : memref<8x416x32xf32, #tpu.memory_space<vmem>> -> memref<1x416x32xf32, #tpu.memory_space<vmem>>
    %dma_start3A_340 = tpu.memref_squeeze %dma_start3A_339 : memref<1x416x32xf32, #tpu.memory_space<vmem>> -> memref<416x32xf32, #tpu.memory_space<vmem>>
    %dma_start3A_341 = arith.constant 4992 : i32
    %dma_start3A_342 = tpu.memref_slice %arg5[%dma_start3A_341] : memref<13312xi32, #tpu.memory_space<vmem>> -> memref<416xi32, #tpu.memory_space<vmem>>
    %dma_start3A_343 = arith.constant 0 : i32
    %dma_start3A_344 = arith.constant 0 : i32
    %dma_start3A_345 = tpu.memref_slice %arg2[%dma_start3A_343, %dma_start3A_344] : memref<1000000x32xf32, #tpu.memory_space<hbm>> -> memref<1000000x32xf32, #tpu.memory_space<hbm>>
    tpu.enqueue_indirect_dma source(%dma_start3A_345 : memref<1000000x32xf32, #tpu.memory_space<hbm>>) target(%dma_start3A_340 : memref<416x32xf32, #tpu.memory_space<vmem>>) offsets(%dma_start3A_342 : memref<416xi32, #tpu.memory_space<vmem>>) semaphore(%arg11 : memref<!tpu.dma_semaphore, #tpu.memory_space<semaphore_mem>>)
    %dma_wait3A_346 = arith.constant 6 : i32
    %dma_wait3A_347 = arith.constant 0 : i32
    %dma_wait3A_348 = arith.constant 0 : i32
    %dma_wait3A_349 = tpu.memref_slice %arg6[%dma_wait3A_346, %dma_wait3A_347, %dma_wait3A_348] : memref<8x416x32xf32, #tpu.memory_space<vmem>> -> memref<1x416x32xf32, #tpu.memory_space<vmem>>
    %dma_wait3A_350 = tpu.memref_squeeze %dma_wait3A_349 : memref<1x416x32xf32, #tpu.memory_space<vmem>> -> memref<416x32xf32, #tpu.memory_space<vmem>>
    %dma_wait3A_351 = arith.constant 2496 : i32
    %dma_wait3A_352 = tpu.memref_slice %arg5[%dma_wait3A_351] : memref<13312xi32, #tpu.memory_space<vmem>> -> memref<416xi32, #tpu.memory_space<vmem>>
    %dma_wait3A_353 = arith.constant 0 : i32
    %dma_wait3A_354 = arith.constant 0 : i32
    %dma_wait3A_355 = tpu.memref_slice %arg2[%dma_wait3A_353, %dma_wait3A_354] : memref<1000000x32xf32, #tpu.memory_space<hbm>> -> memref<1000000x32xf32, #tpu.memory_space<hbm>>
    tpu.wait_indirect_dma semaphore(%arg13 : memref<!tpu.dma_semaphore, #tpu.memory_space<semaphore_mem>>) src(%dma_wait3A_355 : memref<1000000x32xf32, #tpu.memory_space<hbm>>) dst(%dma_wait3A_350 : memref<416x32xf32, #tpu.memory_space<vmem>>)
    %add3A_356 = arith.constant 2496 : i32
    %add3A_357 = arith.addi %mul3A_2, %add3A_356 : i32
    %dma_start3A_358 = arith.constant 6 : i32
    %dma_start3A_359 = arith.constant 0 : i32
    %dma_start3A_360 = arith.constant 0 : i32
    %dma_start3A_361 = tpu.memref_slice %arg6[%dma_start3A_358, %dma_start3A_359, %dma_start3A_360] : memref<8x416x32xf32, #tpu.memory_space<vmem>> -> memref<1x416x32xf32, #tpu.memory_space<vmem>>
    %dma_start3A_362 = tpu.memref_squeeze %dma_start3A_361 : memref<1x416x32xf32, #tpu.memory_space<vmem>> -> memref<416x32xf32, #tpu.memory_space<vmem>>
    %dma_start3A_363 = arith.constant 0 : i32
    %dma_start3A_364 = tpu.memref_slice %arg4[%add3A_357, %dma_start3A_363] : memref<425984x32xf32, #tpu.memory_space<hbm>> -> memref<416x32xf32, #tpu.memory_space<hbm>>
    %dma_start3A_365 = arith.constant 0 : i32
    %dma_start3A_366 = tpu.memref_slice %arg4[%add3A_357, %dma_start3A_365] : memref<425984x32xf32, #tpu.memory_space<hbm>> -> memref<416x32xf32, #tpu.memory_space<hbm>>
    %dma_start3A_367 = arith.constant 0 : i32
    %dma_start3A_368 = arith.constant 0 : i32
    %dma_start3A_369 = tpu.memref_slice %arg6[%dma_start3A_358, %dma_start3A_367, %dma_start3A_368] : memref<8x416x32xf32, #tpu.memory_space<vmem>> -> memref<1x416x32xf32, #tpu.memory_space<vmem>>
    %dma_start3A_370 = tpu.memref_squeeze %dma_start3A_369 : memref<1x416x32xf32, #tpu.memory_space<vmem>> -> memref<416x32xf32, #tpu.memory_space<vmem>>
    tpu.enqueue_dma source(%dma_start3A_370 : memref<416x32xf32, #tpu.memory_space<vmem>>) target(%dma_start3A_366 : memref<416x32xf32, #tpu.memory_space<hbm>>) target_semaphore(%arg21 : memref<!tpu.dma_semaphore, #tpu.memory_space<semaphore_mem>>)
    %dma_wait3A_371 = arith.constant 5 : i32
    %dma_wait3A_372 = arith.constant 0 : i32
    %dma_wait3A_373 = arith.constant 0 : i32
    %dma_wait3A_374 = tpu.memref_slice %arg6[%dma_wait3A_371, %dma_wait3A_372, %dma_wait3A_373] : memref<8x416x32xf32, #tpu.memory_space<vmem>> -> memref<1x416x32xf32, #tpu.memory_space<vmem>>
    %dma_wait3A_375 = tpu.memref_squeeze %dma_wait3A_374 : memref<1x416x32xf32, #tpu.memory_space<vmem>> -> memref<416x32xf32, #tpu.memory_space<vmem>>
    %dma_wait3A_376 = arith.constant 0 : i32
    %dma_wait3A_377 = tpu.memref_slice %arg4[%add3A_309, %dma_wait3A_376] : memref<425984x32xf32, #tpu.memory_space<hbm>> -> memref<416x32xf32, #tpu.memory_space<hbm>>
    %dma_wait3A_378 = arith.constant 0 : i32
    %dma_wait3A_379 = tpu.memref_slice %arg4[%add3A_309, %dma_wait3A_378] : memref<425984x32xf32, #tpu.memory_space<hbm>> -> memref<416x32xf32, #tpu.memory_space<hbm>>
    %dma_wait3A_380 = arith.constant 0 : i32
    %dma_wait3A_381 = arith.constant 0 : i32
    %dma_wait3A_382 = tpu.memref_slice %arg6[%dma_wait3A_371, %dma_wait3A_380, %dma_wait3A_381] : memref<8x416x32xf32, #tpu.memory_space<vmem>> -> memref<1x416x32xf32, #tpu.memory_space<vmem>>
    %dma_wait3A_383 = tpu.memref_squeeze %dma_wait3A_382 : memref<1x416x32xf32, #tpu.memory_space<vmem>> -> memref<416x32xf32, #tpu.memory_space<vmem>>
    tpu.wait_dma2 semaphore(%arg20 : memref<!tpu.dma_semaphore, #tpu.memory_space<semaphore_mem>>) src(%dma_wait3A_383 : memref<416x32xf32, #tpu.memory_space<vmem>>) dst(%dma_wait3A_379 : memref<416x32xf32, #tpu.memory_space<hbm>>)
    %dma_start3A_384 = arith.constant 5 : i32
    %dma_start3A_385 = arith.constant 0 : i32
    %dma_start3A_386 = arith.constant 0 : i32
    %dma_start3A_387 = tpu.memref_slice %arg6[%dma_start3A_384, %dma_start3A_385, %dma_start3A_386] : memref<8x416x32xf32, #tpu.memory_space<vmem>> -> memref<1x416x32xf32, #tpu.memory_space<vmem>>
    %dma_start3A_388 = tpu.memref_squeeze %dma_start3A_387 : memref<1x416x32xf32, #tpu.memory_space<vmem>> -> memref<416x32xf32, #tpu.memory_space<vmem>>
    %dma_start3A_389 = arith.constant 5408 : i32
    %dma_start3A_390 = tpu.memref_slice %arg5[%dma_start3A_389] : memref<13312xi32, #tpu.memory_space<vmem>> -> memref<416xi32, #tpu.memory_space<vmem>>
    %dma_start3A_391 = arith.constant 0 : i32
    %dma_start3A_392 = arith.constant 0 : i32
    %dma_start3A_393 = tpu.memref_slice %arg2[%dma_start3A_391, %dma_start3A_392] : memref<1000000x32xf32, #tpu.memory_space<hbm>> -> memref<1000000x32xf32, #tpu.memory_space<hbm>>
    tpu.enqueue_indirect_dma source(%dma_start3A_393 : memref<1000000x32xf32, #tpu.memory_space<hbm>>) target(%dma_start3A_388 : memref<416x32xf32, #tpu.memory_space<vmem>>) offsets(%dma_start3A_390 : memref<416xi32, #tpu.memory_space<vmem>>) semaphore(%arg12 : memref<!tpu.dma_semaphore, #tpu.memory_space<semaphore_mem>>)
    %dma_wait3A_394 = arith.constant 7 : i32
    %dma_wait3A_395 = arith.constant 0 : i32
    %dma_wait3A_396 = arith.constant 0 : i32
    %dma_wait3A_397 = tpu.memref_slice %arg6[%dma_wait3A_394, %dma_wait3A_395, %dma_wait3A_396] : memref<8x416x32xf32, #tpu.memory_space<vmem>> -> memref<1x416x32xf32, #tpu.memory_space<vmem>>
    %dma_wait3A_398 = tpu.memref_squeeze %dma_wait3A_397 : memref<1x416x32xf32, #tpu.memory_space<vmem>> -> memref<416x32xf32, #tpu.memory_space<vmem>>
    %dma_wait3A_399 = arith.constant 2912 : i32
    %dma_wait3A_400 = tpu.memref_slice %arg5[%dma_wait3A_399] : memref<13312xi32, #tpu.memory_space<vmem>> -> memref<416xi32, #tpu.memory_space<vmem>>
    %dma_wait3A_401 = arith.constant 0 : i32
    %dma_wait3A_402 = arith.constant 0 : i32
    %dma_wait3A_403 = tpu.memref_slice %arg2[%dma_wait3A_401, %dma_wait3A_402] : memref<1000000x32xf32, #tpu.memory_space<hbm>> -> memref<1000000x32xf32, #tpu.memory_space<hbm>>
    tpu.wait_indirect_dma semaphore(%arg14 : memref<!tpu.dma_semaphore, #tpu.memory_space<semaphore_mem>>) src(%dma_wait3A_403 : memref<1000000x32xf32, #tpu.memory_space<hbm>>) dst(%dma_wait3A_398 : memref<416x32xf32, #tpu.memory_space<vmem>>)
    %add3A_404 = arith.constant 2912 : i32
    %add3A_405 = arith.addi %mul3A_2, %add3A_404 : i32
    %dma_start3A_406 = arith.constant 7 : i32
    %dma_start3A_407 = arith.constant 0 : i32
    %dma_start3A_408 = arith.constant 0 : i32
    %dma_start3A_409 = tpu.memref_slice %arg6[%dma_start3A_406, %dma_start3A_407, %dma_start3A_408] : memref<8x416x32xf32, #tpu.memory_space<vmem>> -> memref<1x416x32xf32, #tpu.memory_space<vmem>>
    %dma_start3A_410 = tpu.memref_squeeze %dma_start3A_409 : memref<1x416x32xf32, #tpu.memory_space<vmem>> -> memref<416x32xf32, #tpu.memory_space<vmem>>
    %dma_start3A_411 = arith.constant 0 : i32
    %dma_start3A_412 = tpu.memref_slice %arg4[%add3A_405, %dma_start3A_411] : memref<425984x32xf32, #tpu.memory_space<hbm>> -> memref<416x32xf32, #tpu.memory_space<hbm>>
    %dma_start3A_413 = arith.constant 0 : i32
    %dma_start3A_414 = tpu.memref_slice %arg4[%add3A_405, %dma_start3A_413] : memref<425984x32xf32, #tpu.memory_space<hbm>> -> memref<416x32xf32, #tpu.memory_space<hbm>>
    %dma_start3A_415 = arith.constant 0 : i32
    %dma_start3A_416 = arith.constant 0 : i32
    %dma_start3A_417 = tpu.memref_slice %arg6[%dma_start3A_406, %dma_start3A_415, %dma_start3A_416] : memref<8x416x32xf32, #tpu.memory_space<vmem>> -> memref<1x416x32xf32, #tpu.memory_space<vmem>>
    %dma_start3A_418 = tpu.memref_squeeze %dma_start3A_417 : memref<1x416x32xf32, #tpu.memory_space<vmem>> -> memref<416x32xf32, #tpu.memory_space<vmem>>
    tpu.enqueue_dma source(%dma_start3A_418 : memref<416x32xf32, #tpu.memory_space<vmem>>) target(%dma_start3A_414 : memref<416x32xf32, #tpu.memory_space<hbm>>) target_semaphore(%arg22 : memref<!tpu.dma_semaphore, #tpu.memory_space<semaphore_mem>>)
    %dma_wait3A_419 = arith.constant 6 : i32
    %dma_wait3A_420 = arith.constant 0 : i32
    %dma_wait3A_421 = arith.constant 0 : i32
    %dma_wait3A_422 = tpu.memref_slice %arg6[%dma_wait3A_419, %dma_wait3A_420, %dma_wait3A_421] : memref<8x416x32xf32, #tpu.memory_space<vmem>> -> memref<1x416x32xf32, #tpu.memory_space<vmem>>
    %dma_wait3A_423 = tpu.memref_squeeze %dma_wait3A_422 : memref<1x416x32xf32, #tpu.memory_space<vmem>> -> memref<416x32xf32, #tpu.memory_space<vmem>>
    %dma_wait3A_424 = arith.constant 0 : i32
    %dma_wait3A_425 = tpu.memref_slice %arg4[%add3A_357, %dma_wait3A_424] : memref<425984x32xf32, #tpu.memory_space<hbm>> -> memref<416x32xf32, #tpu.memory_space<hbm>>
    %dma_wait3A_426 = arith.constant 0 : i32
    %dma_wait3A_427 = tpu.memref_slice %arg4[%add3A_357, %dma_wait3A_426] : memref<425984x32xf32, #tpu.memory_space<hbm>> -> memref<416x32xf32, #tpu.memory_space<hbm>>
    %dma_wait3A_428 = arith.constant 0 : i32
    %dma_wait3A_429 = arith.constant 0 : i32
    %dma_wait3A_430 = tpu.memref_slice %arg6[%dma_wait3A_419, %dma_wait3A_428, %dma_wait3A_429] : memref<8x416x32xf32, #tpu.memory_space<vmem>> -> memref<1x416x32xf32, #tpu.memory_space<vmem>>
    %dma_wait3A_431 = tpu.memref_squeeze %dma_wait3A_430 : memref<1x416x32xf32, #tpu.memory_space<vmem>> -> memref<416x32xf32, #tpu.memory_space<vmem>>
    tpu.wait_dma2 semaphore(%arg21 : memref<!tpu.dma_semaphore, #tpu.memory_space<semaphore_mem>>) src(%dma_wait3A_431 : memref<416x32xf32, #tpu.memory_space<vmem>>) dst(%dma_wait3A_427 : memref<416x32xf32, #tpu.memory_space<hbm>>)
    %dma_start3A_432 = arith.constant 6 : i32
    %dma_start3A_433 = arith.constant 0 : i32
    %dma_start3A_434 = arith.constant 0 : i32
    %dma_start3A_435 = tpu.memref_slice %arg6[%dma_start3A_432, %dma_start3A_433, %dma_start3A_434] : memref<8x416x32xf32, #tpu.memory_space<vmem>> -> memref<1x416x32xf32, #tpu.memory_space<vmem>>
    %dma_start3A_436 = tpu.memref_squeeze %dma_start3A_435 : memref<1x416x32xf32, #tpu.memory_space<vmem>> -> memref<416x32xf32, #tpu.memory_space<vmem>>
    %dma_start3A_437 = arith.constant 5824 : i32
    %dma_start3A_438 = tpu.memref_slice %arg5[%dma_start3A_437] : memref<13312xi32, #tpu.memory_space<vmem>> -> memref<416xi32, #tpu.memory_space<vmem>>
    %dma_start3A_439 = arith.constant 0 : i32
    %dma_start3A_440 = arith.constant 0 : i32
    %dma_start3A_441 = tpu.memref_slice %arg2[%dma_start3A_439, %dma_start3A_440] : memref<1000000x32xf32, #tpu.memory_space<hbm>> -> memref<1000000x32xf32, #tpu.memory_space<hbm>>
    tpu.enqueue_indirect_dma source(%dma_start3A_441 : memref<1000000x32xf32, #tpu.memory_space<hbm>>) target(%dma_start3A_436 : memref<416x32xf32, #tpu.memory_space<vmem>>) offsets(%dma_start3A_438 : memref<416xi32, #tpu.memory_space<vmem>>) semaphore(%arg13 : memref<!tpu.dma_semaphore, #tpu.memory_space<semaphore_mem>>)
    %dma_wait3A_442 = arith.constant 0 : i32
    %dma_wait3A_443 = arith.constant 0 : i32
    %dma_wait3A_444 = arith.constant 0 : i32
    %dma_wait3A_445 = tpu.memref_slice %arg6[%dma_wait3A_442, %dma_wait3A_443, %dma_wait3A_444] : memref<8x416x32xf32, #tpu.memory_space<vmem>> -> memref<1x416x32xf32, #tpu.memory_space<vmem>>
    %dma_wait3A_446 = tpu.memref_squeeze %dma_wait3A_445 : memref<1x416x32xf32, #tpu.memory_space<vmem>> -> memref<416x32xf32, #tpu.memory_space<vmem>>
    %dma_wait3A_447 = arith.constant 3328 : i32
    %dma_wait3A_448 = tpu.memref_slice %arg5[%dma_wait3A_447] : memref<13312xi32, #tpu.memory_space<vmem>> -> memref<416xi32, #tpu.memory_space<vmem>>
    %dma_wait3A_449 = arith.constant 0 : i32
    %dma_wait3A_450 = arith.constant 0 : i32
    %dma_wait3A_451 = tpu.memref_slice %arg2[%dma_wait3A_449, %dma_wait3A_450] : memref<1000000x32xf32, #tpu.memory_space<hbm>> -> memref<1000000x32xf32, #tpu.memory_space<hbm>>
    tpu.wait_indirect_dma semaphore(%arg7 : memref<!tpu.dma_semaphore, #tpu.memory_space<semaphore_mem>>) src(%dma_wait3A_451 : memref<1000000x32xf32, #tpu.memory_space<hbm>>) dst(%dma_wait3A_446 : memref<416x32xf32, #tpu.memory_space<vmem>>)
    %add3A_452 = arith.constant 3328 : i32
    %add3A_453 = arith.addi %mul3A_2, %add3A_452 : i32
    %dma_start3A_454 = arith.constant 0 : i32
    %dma_start3A_455 = arith.constant 0 : i32
    %dma_start3A_456 = arith.constant 0 : i32
    %dma_start3A_457 = tpu.memref_slice %arg6[%dma_start3A_454, %dma_start3A_455, %dma_start3A_456] : memref<8x416x32xf32, #tpu.memory_space<vmem>> -> memref<1x416x32xf32, #tpu.memory_space<vmem>>
    %dma_start3A_458 = tpu.memref_squeeze %dma_start3A_457 : memref<1x416x32xf32, #tpu.memory_space<vmem>> -> memref<416x32xf32, #tpu.memory_space<vmem>>
    %dma_start3A_459 = arith.constant 0 : i32
    %dma_start3A_460 = tpu.memref_slice %arg4[%add3A_453, %dma_start3A_459] : memref<425984x32xf32, #tpu.memory_space<hbm>> -> memref<416x32xf32, #tpu.memory_space<hbm>>
    %dma_start3A_461 = arith.constant 0 : i32
    %dma_start3A_462 = tpu.memref_slice %arg4[%add3A_453, %dma_start3A_461] : memref<425984x32xf32, #tpu.memory_space<hbm>> -> memref<416x32xf32, #tpu.memory_space<hbm>>
    %dma_start3A_463 = arith.constant 0 : i32
    %dma_start3A_464 = arith.constant 0 : i32
    %dma_start3A_465 = tpu.memref_slice %arg6[%dma_start3A_454, %dma_start3A_463, %dma_start3A_464] : memref<8x416x32xf32, #tpu.memory_space<vmem>> -> memref<1x416x32xf32, #tpu.memory_space<vmem>>
    %dma_start3A_466 = tpu.memref_squeeze %dma_start3A_465 : memref<1x416x32xf32, #tpu.memory_space<vmem>> -> memref<416x32xf32, #tpu.memory_space<vmem>>
    tpu.enqueue_dma source(%dma_start3A_466 : memref<416x32xf32, #tpu.memory_space<vmem>>) target(%dma_start3A_462 : memref<416x32xf32, #tpu.memory_space<hbm>>) target_semaphore(%arg15 : memref<!tpu.dma_semaphore, #tpu.memory_space<semaphore_mem>>)
    %dma_wait3A_467 = arith.constant 7 : i32
    %dma_wait3A_468 = arith.constant 0 : i32
    %dma_wait3A_469 = arith.constant 0 : i32
    %dma_wait3A_470 = tpu.memref_slice %arg6[%dma_wait3A_467, %dma_wait3A_468, %dma_wait3A_469] : memref<8x416x32xf32, #tpu.memory_space<vmem>> -> memref<1x416x32xf32, #tpu.memory_space<vmem>>
    %dma_wait3A_471 = tpu.memref_squeeze %dma_wait3A_470 : memref<1x416x32xf32, #tpu.memory_space<vmem>> -> memref<416x32xf32, #tpu.memory_space<vmem>>
    %dma_wait3A_472 = arith.constant 0 : i32
    %dma_wait3A_473 = tpu.memref_slice %arg4[%add3A_405, %dma_wait3A_472] : memref<425984x32xf32, #tpu.memory_space<hbm>> -> memref<416x32xf32, #tpu.memory_space<hbm>>
    %dma_wait3A_474 = arith.constant 0 : i32
    %dma_wait3A_475 = tpu.memref_slice %arg4[%add3A_405, %dma_wait3A_474] : memref<425984x32xf32, #tpu.memory_space<hbm>> -> memref<416x32xf32, #tpu.memory_space<hbm>>
    %dma_wait3A_476 = arith.constant 0 : i32
    %dma_wait3A_477 = arith.constant 0 : i32
    %dma_wait3A_478 = tpu.memref_slice %arg6[%dma_wait3A_467, %dma_wait3A_476, %dma_wait3A_477] : memref<8x416x32xf32, #tpu.memory_space<vmem>> -> memref<1x416x32xf32, #tpu.memory_space<vmem>>
    %dma_wait3A_479 = tpu.memref_squeeze %dma_wait3A_478 : memref<1x416x32xf32, #tpu.memory_space<vmem>> -> memref<416x32xf32, #tpu.memory_space<vmem>>
    tpu.wait_dma2 semaphore(%arg22 : memref<!tpu.dma_semaphore, #tpu.memory_space<semaphore_mem>>) src(%dma_wait3A_479 : memref<416x32xf32, #tpu.memory_space<vmem>>) dst(%dma_wait3A_475 : memref<416x32xf32, #tpu.memory_space<hbm>>)
    %dma_start3A_480 = arith.constant 7 : i32
    %dma_start3A_481 = arith.constant 0 : i32
    %dma_start3A_482 = arith.constant 0 : i32
    %dma_start3A_483 = tpu.memref_slice %arg6[%dma_start3A_480, %dma_start3A_481, %dma_start3A_482] : memref<8x416x32xf32, #tpu.memory_space<vmem>> -> memref<1x416x32xf32, #tpu.memory_space<vmem>>
    %dma_start3A_484 = tpu.memref_squeeze %dma_start3A_483 : memref<1x416x32xf32, #tpu.memory_space<vmem>> -> memref<416x32xf32, #tpu.memory_space<vmem>>
    %dma_start3A_485 = arith.constant 6240 : i32
    %dma_start3A_486 = tpu.memref_slice %arg5[%dma_start3A_485] : memref<13312xi32, #tpu.memory_space<vmem>> -> memref<416xi32, #tpu.memory_space<vmem>>
    %dma_start3A_487 = arith.constant 0 : i32
    %dma_start3A_488 = arith.constant 0 : i32
    %dma_start3A_489 = tpu.memref_slice %arg2[%dma_start3A_487, %dma_start3A_488] : memref<1000000x32xf32, #tpu.memory_space<hbm>> -> memref<1000000x32xf32, #tpu.memory_space<hbm>>
    tpu.enqueue_indirect_dma source(%dma_start3A_489 : memref<1000000x32xf32, #tpu.memory_space<hbm>>) target(%dma_start3A_484 : memref<416x32xf32, #tpu.memory_space<vmem>>) offsets(%dma_start3A_486 : memref<416xi32, #tpu.memory_space<vmem>>) semaphore(%arg14 : memref<!tpu.dma_semaphore, #tpu.memory_space<semaphore_mem>>)
    %dma_wait3A_490 = arith.constant 1 : i32
    %dma_wait3A_491 = arith.constant 0 : i32
    %dma_wait3A_492 = arith.constant 0 : i32
    %dma_wait3A_493 = tpu.memref_slice %arg6[%dma_wait3A_490, %dma_wait3A_491, %dma_wait3A_492] : memref<8x416x32xf32, #tpu.memory_space<vmem>> -> memref<1x416x32xf32, #tpu.memory_space<vmem>>
    %dma_wait3A_494 = tpu.memref_squeeze %dma_wait3A_493 : memref<1x416x32xf32, #tpu.memory_space<vmem>> -> memref<416x32xf32, #tpu.memory_space<vmem>>
    %dma_wait3A_495 = arith.constant 3744 : i32
    %dma_wait3A_496 = tpu.memref_slice %arg5[%dma_wait3A_495] : memref<13312xi32, #tpu.memory_space<vmem>> -> memref<416xi32, #tpu.memory_space<vmem>>
    %dma_wait3A_497 = arith.constant 0 : i32
    %dma_wait3A_498 = arith.constant 0 : i32
    %dma_wait3A_499 = tpu.memref_slice %arg2[%dma_wait3A_497, %dma_wait3A_498] : memref<1000000x32xf32, #tpu.memory_space<hbm>> -> memref<1000000x32xf32, #tpu.memory_space<hbm>>
    tpu.wait_indirect_dma semaphore(%arg8 : memref<!tpu.dma_semaphore, #tpu.memory_space<semaphore_mem>>) src(%dma_wait3A_499 : memref<1000000x32xf32, #tpu.memory_space<hbm>>) dst(%dma_wait3A_494 : memref<416x32xf32, #tpu.memory_space<vmem>>)
    %add3A_500 = arith.constant 3744 : i32
    %add3A_501 = arith.addi %mul3A_2, %add3A_500 : i32
    %dma_start3A_502 = arith.constant 1 : i32
    %dma_start3A_503 = arith.constant 0 : i32
    %dma_start3A_504 = arith.constant 0 : i32
    %dma_start3A_505 = tpu.memref_slice %arg6[%dma_start3A_502, %dma_start3A_503, %dma_start3A_504] : memref<8x416x32xf32, #tpu.memory_space<vmem>> -> memref<1x416x32xf32, #tpu.memory_space<vmem>>
    %dma_start3A_506 = tpu.memref_squeeze %dma_start3A_505 : memref<1x416x32xf32, #tpu.memory_space<vmem>> -> memref<416x32xf32, #tpu.memory_space<vmem>>
    %dma_start3A_507 = arith.constant 0 : i32
    %dma_start3A_508 = tpu.memref_slice %arg4[%add3A_501, %dma_start3A_507] : memref<425984x32xf32, #tpu.memory_space<hbm>> -> memref<416x32xf32, #tpu.memory_space<hbm>>
    %dma_start3A_509 = arith.constant 0 : i32
    %dma_start3A_510 = tpu.memref_slice %arg4[%add3A_501, %dma_start3A_509] : memref<425984x32xf32, #tpu.memory_space<hbm>> -> memref<416x32xf32, #tpu.memory_space<hbm>>
    %dma_start3A_511 = arith.constant 0 : i32
    %dma_start3A_512 = arith.constant 0 : i32
    %dma_start3A_513 = tpu.memref_slice %arg6[%dma_start3A_502, %dma_start3A_511, %dma_start3A_512] : memref<8x416x32xf32, #tpu.memory_space<vmem>> -> memref<1x416x32xf32, #tpu.memory_space<vmem>>
    %dma_start3A_514 = tpu.memref_squeeze %dma_start3A_513 : memref<1x416x32xf32, #tpu.memory_space<vmem>> -> memref<416x32xf32, #tpu.memory_space<vmem>>
    tpu.enqueue_dma source(%dma_start3A_514 : memref<416x32xf32, #tpu.memory_space<vmem>>) target(%dma_start3A_510 : memref<416x32xf32, #tpu.memory_space<hbm>>) target_semaphore(%arg16 : memref<!tpu.dma_semaphore, #tpu.memory_space<semaphore_mem>>)
    %dma_wait3A_515 = arith.constant 0 : i32
    %dma_wait3A_516 = arith.constant 0 : i32
    %dma_wait3A_517 = arith.constant 0 : i32
    %dma_wait3A_518 = tpu.memref_slice %arg6[%dma_wait3A_515, %dma_wait3A_516, %dma_wait3A_517] : memref<8x416x32xf32, #tpu.memory_space<vmem>> -> memref<1x416x32xf32, #tpu.memory_space<vmem>>
    %dma_wait3A_519 = tpu.memref_squeeze %dma_wait3A_518 : memref<1x416x32xf32, #tpu.memory_space<vmem>> -> memref<416x32xf32, #tpu.memory_space<vmem>>
    %dma_wait3A_520 = arith.constant 0 : i32
    %dma_wait3A_521 = tpu.memref_slice %arg4[%add3A_453, %dma_wait3A_520] : memref<425984x32xf32, #tpu.memory_space<hbm>> -> memref<416x32xf32, #tpu.memory_space<hbm>>
    %dma_wait3A_522 = arith.constant 0 : i32
    %dma_wait3A_523 = tpu.memref_slice %arg4[%add3A_453, %dma_wait3A_522] : memref<425984x32xf32, #tpu.memory_space<hbm>> -> memref<416x32xf32, #tpu.memory_space<hbm>>
    %dma_wait3A_524 = arith.constant 0 : i32
    %dma_wait3A_525 = arith.constant 0 : i32
    %dma_wait3A_526 = tpu.memref_slice %arg6[%dma_wait3A_515, %dma_wait3A_524, %dma_wait3A_525] : memref<8x416x32xf32, #tpu.memory_space<vmem>> -> memref<1x416x32xf32, #tpu.memory_space<vmem>>
    %dma_wait3A_527 = tpu.memref_squeeze %dma_wait3A_526 : memref<1x416x32xf32, #tpu.memory_space<vmem>> -> memref<416x32xf32, #tpu.memory_space<vmem>>
    tpu.wait_dma2 semaphore(%arg15 : memref<!tpu.dma_semaphore, #tpu.memory_space<semaphore_mem>>) src(%dma_wait3A_527 : memref<416x32xf32, #tpu.memory_space<vmem>>) dst(%dma_wait3A_523 : memref<416x32xf32, #tpu.memory_space<hbm>>)
    %dma_start3A_528 = arith.constant 0 : i32
    %dma_start3A_529 = arith.constant 0 : i32
    %dma_start3A_530 = arith.constant 0 : i32
    %dma_start3A_531 = tpu.memref_slice %arg6[%dma_start3A_528, %dma_start3A_529, %dma_start3A_530] : memref<8x416x32xf32, #tpu.memory_space<vmem>> -> memref<1x416x32xf32, #tpu.memory_space<vmem>>
    %dma_start3A_532 = tpu.memref_squeeze %dma_start3A_531 : memref<1x416x32xf32, #tpu.memory_space<vmem>> -> memref<416x32xf32, #tpu.memory_space<vmem>>
    %dma_start3A_533 = arith.constant 6656 : i32
    %dma_start3A_534 = tpu.memref_slice %arg5[%dma_start3A_533] : memref<13312xi32, #tpu.memory_space<vmem>> -> memref<416xi32, #tpu.memory_space<vmem>>
    %dma_start3A_535 = arith.constant 0 : i32
    %dma_start3A_536 = arith.constant 0 : i32
    %dma_start3A_537 = tpu.memref_slice %arg2[%dma_start3A_535, %dma_start3A_536] : memref<1000000x32xf32, #tpu.memory_space<hbm>> -> memref<1000000x32xf32, #tpu.memory_space<hbm>>
    tpu.enqueue_indirect_dma source(%dma_start3A_537 : memref<1000000x32xf32, #tpu.memory_space<hbm>>) target(%dma_start3A_532 : memref<416x32xf32, #tpu.memory_space<vmem>>) offsets(%dma_start3A_534 : memref<416xi32, #tpu.memory_space<vmem>>) semaphore(%arg7 : memref<!tpu.dma_semaphore, #tpu.memory_space<semaphore_mem>>)
    %dma_wait3A_538 = arith.constant 2 : i32
    %dma_wait3A_539 = arith.constant 0 : i32
    %dma_wait3A_540 = arith.constant 0 : i32
    %dma_wait3A_541 = tpu.memref_slice %arg6[%dma_wait3A_538, %dma_wait3A_539, %dma_wait3A_540] : memref<8x416x32xf32, #tpu.memory_space<vmem>> -> memref<1x416x32xf32, #tpu.memory_space<vmem>>
    %dma_wait3A_542 = tpu.memref_squeeze %dma_wait3A_541 : memref<1x416x32xf32, #tpu.memory_space<vmem>> -> memref<416x32xf32, #tpu.memory_space<vmem>>
    %dma_wait3A_543 = arith.constant 4160 : i32
    %dma_wait3A_544 = tpu.memref_slice %arg5[%dma_wait3A_543] : memref<13312xi32, #tpu.memory_space<vmem>> -> memref<416xi32, #tpu.memory_space<vmem>>
    %dma_wait3A_545 = arith.constant 0 : i32
    %dma_wait3A_546 = arith.constant 0 : i32
    %dma_wait3A_547 = tpu.memref_slice %arg2[%dma_wait3A_545, %dma_wait3A_546] : memref<1000000x32xf32, #tpu.memory_space<hbm>> -> memref<1000000x32xf32, #tpu.memory_space<hbm>>
    tpu.wait_indirect_dma semaphore(%arg9 : memref<!tpu.dma_semaphore, #tpu.memory_space<semaphore_mem>>) src(%dma_wait3A_547 : memref<1000000x32xf32, #tpu.memory_space<hbm>>) dst(%dma_wait3A_542 : memref<416x32xf32, #tpu.memory_space<vmem>>)
    %add3A_548 = arith.constant 4160 : i32
    %add3A_549 = arith.addi %mul3A_2, %add3A_548 : i32
    %dma_start3A_550 = arith.constant 2 : i32
    %dma_start3A_551 = arith.constant 0 : i32
    %dma_start3A_552 = arith.constant 0 : i32
    %dma_start3A_553 = tpu.memref_slice %arg6[%dma_start3A_550, %dma_start3A_551, %dma_start3A_552] : memref<8x416x32xf32, #tpu.memory_space<vmem>> -> memref<1x416x32xf32, #tpu.memory_space<vmem>>
    %dma_start3A_554 = tpu.memref_squeeze %dma_start3A_553 : memref<1x416x32xf32, #tpu.memory_space<vmem>> -> memref<416x32xf32, #tpu.memory_space<vmem>>
    %dma_start3A_555 = arith.constant 0 : i32
    %dma_start3A_556 = tpu.memref_slice %arg4[%add3A_549, %dma_start3A_555] : memref<425984x32xf32, #tpu.memory_space<hbm>> -> memref<416x32xf32, #tpu.memory_space<hbm>>
    %dma_start3A_557 = arith.constant 0 : i32
    %dma_start3A_558 = tpu.memref_slice %arg4[%add3A_549, %dma_start3A_557] : memref<425984x32xf32, #tpu.memory_space<hbm>> -> memref<416x32xf32, #tpu.memory_space<hbm>>
    %dma_start3A_559 = arith.constant 0 : i32
    %dma_start3A_560 = arith.constant 0 : i32
    %dma_start3A_561 = tpu.memref_slice %arg6[%dma_start3A_550, %dma_start3A_559, %dma_start3A_560] : memref<8x416x32xf32, #tpu.memory_space<vmem>> -> memref<1x416x32xf32, #tpu.memory_space<vmem>>
    %dma_start3A_562 = tpu.memref_squeeze %dma_start3A_561 : memref<1x416x32xf32, #tpu.memory_space<vmem>> -> memref<416x32xf32, #tpu.memory_space<vmem>>
    tpu.enqueue_dma source(%dma_start3A_562 : memref<416x32xf32, #tpu.memory_space<vmem>>) target(%dma_start3A_558 : memref<416x32xf32, #tpu.memory_space<hbm>>) target_semaphore(%arg17 : memref<!tpu.dma_semaphore, #tpu.memory_space<semaphore_mem>>)
    %dma_wait3A_563 = arith.constant 1 : i32
    %dma_wait3A_564 = arith.constant 0 : i32
    %dma_wait3A_565 = arith.constant 0 : i32
    %dma_wait3A_566 = tpu.memref_slice %arg6[%dma_wait3A_563, %dma_wait3A_564, %dma_wait3A_565] : memref<8x416x32xf32, #tpu.memory_space<vmem>> -> memref<1x416x32xf32, #tpu.memory_space<vmem>>
    %dma_wait3A_567 = tpu.memref_squeeze %dma_wait3A_566 : memref<1x416x32xf32, #tpu.memory_space<vmem>> -> memref<416x32xf32, #tpu.memory_space<vmem>>
    %dma_wait3A_568 = arith.constant 0 : i32
    %dma_wait3A_569 = tpu.memref_slice %arg4[%add3A_501, %dma_wait3A_568] : memref<425984x32xf32, #tpu.memory_space<hbm>> -> memref<416x32xf32, #tpu.memory_space<hbm>>
    %dma_wait3A_570 = arith.constant 0 : i32
    %dma_wait3A_571 = tpu.memref_slice %arg4[%add3A_501, %dma_wait3A_570] : memref<425984x32xf32, #tpu.memory_space<hbm>> -> memref<416x32xf32, #tpu.memory_space<hbm>>
    %dma_wait3A_572 = arith.constant 0 : i32
    %dma_wait3A_573 = arith.constant 0 : i32
    %dma_wait3A_574 = tpu.memref_slice %arg6[%dma_wait3A_563, %dma_wait3A_572, %dma_wait3A_573] : memref<8x416x32xf32, #tpu.memory_space<vmem>> -> memref<1x416x32xf32, #tpu.memory_space<vmem>>
    %dma_wait3A_575 = tpu.memref_squeeze %dma_wait3A_574 : memref<1x416x32xf32, #tpu.memory_space<vmem>> -> memref<416x32xf32, #tpu.memory_space<vmem>>
    tpu.wait_dma2 semaphore(%arg16 : memref<!tpu.dma_semaphore, #tpu.memory_space<semaphore_mem>>) src(%dma_wait3A_575 : memref<416x32xf32, #tpu.memory_space<vmem>>) dst(%dma_wait3A_571 : memref<416x32xf32, #tpu.memory_space<hbm>>)
    %dma_start3A_576 = arith.constant 1 : i32
    %dma_start3A_577 = arith.constant 0 : i32
    %dma_start3A_578 = arith.constant 0 : i32
    %dma_start3A_579 = tpu.memref_slice %arg6[%dma_start3A_576, %dma_start3A_577, %dma_start3A_578] : memref<8x416x32xf32, #tpu.memory_space<vmem>> -> memref<1x416x32xf32, #tpu.memory_space<vmem>>
    %dma_start3A_580 = tpu.memref_squeeze %dma_start3A_579 : memref<1x416x32xf32, #tpu.memory_space<vmem>> -> memref<416x32xf32, #tpu.memory_space<vmem>>
    %dma_start3A_581 = arith.constant 7072 : i32
    %dma_start3A_582 = tpu.memref_slice %arg5[%dma_start3A_581] : memref<13312xi32, #tpu.memory_space<vmem>> -> memref<416xi32, #tpu.memory_space<vmem>>
    %dma_start3A_583 = arith.constant 0 : i32
    %dma_start3A_584 = arith.constant 0 : i32
    %dma_start3A_585 = tpu.memref_slice %arg2[%dma_start3A_583, %dma_start3A_584] : memref<1000000x32xf32, #tpu.memory_space<hbm>> -> memref<1000000x32xf32, #tpu.memory_space<hbm>>
    tpu.enqueue_indirect_dma source(%dma_start3A_585 : memref<1000000x32xf32, #tpu.memory_space<hbm>>) target(%dma_start3A_580 : memref<416x32xf32, #tpu.memory_space<vmem>>) offsets(%dma_start3A_582 : memref<416xi32, #tpu.memory_space<vmem>>) semaphore(%arg8 : memref<!tpu.dma_semaphore, #tpu.memory_space<semaphore_mem>>)
    %dma_wait3A_586 = arith.constant 3 : i32
    %dma_wait3A_587 = arith.constant 0 : i32
    %dma_wait3A_588 = arith.constant 0 : i32
    %dma_wait3A_589 = tpu.memref_slice %arg6[%dma_wait3A_586, %dma_wait3A_587, %dma_wait3A_588] : memref<8x416x32xf32, #tpu.memory_space<vmem>> -> memref<1x416x32xf32, #tpu.memory_space<vmem>>
    %dma_wait3A_590 = tpu.memref_squeeze %dma_wait3A_589 : memref<1x416x32xf32, #tpu.memory_space<vmem>> -> memref<416x32xf32, #tpu.memory_space<vmem>>
    %dma_wait3A_591 = arith.constant 4576 : i32
    %dma_wait3A_592 = tpu.memref_slice %arg5[%dma_wait3A_591] : memref<13312xi32, #tpu.memory_space<vmem>> -> memref<416xi32, #tpu.memory_space<vmem>>
    %dma_wait3A_593 = arith.constant 0 : i32
    %dma_wait3A_594 = arith.constant 0 : i32
    %dma_wait3A_595 = tpu.memref_slice %arg2[%dma_wait3A_593, %dma_wait3A_594] : memref<1000000x32xf32, #tpu.memory_space<hbm>> -> memref<1000000x32xf32, #tpu.memory_space<hbm>>
    tpu.wait_indirect_dma semaphore(%arg10 : memref<!tpu.dma_semaphore, #tpu.memory_space<semaphore_mem>>) src(%dma_wait3A_595 : memref<1000000x32xf32, #tpu.memory_space<hbm>>) dst(%dma_wait3A_590 : memref<416x32xf32, #tpu.memory_space<vmem>>)
    %add3A_596 = arith.constant 4576 : i32
    %add3A_597 = arith.addi %mul3A_2, %add3A_596 : i32
    %dma_start3A_598 = arith.constant 3 : i32
    %dma_start3A_599 = arith.constant 0 : i32
    %dma_start3A_600 = arith.constant 0 : i32
    %dma_start3A_601 = tpu.memref_slice %arg6[%dma_start3A_598, %dma_start3A_599, %dma_start3A_600] : memref<8x416x32xf32, #tpu.memory_space<vmem>> -> memref<1x416x32xf32, #tpu.memory_space<vmem>>
    %dma_start3A_602 = tpu.memref_squeeze %dma_start3A_601 : memref<1x416x32xf32, #tpu.memory_space<vmem>> -> memref<416x32xf32, #tpu.memory_space<vmem>>
    %dma_start3A_603 = arith.constant 0 : i32
    %dma_start3A_604 = tpu.memref_slice %arg4[%add3A_597, %dma_start3A_603] : memref<425984x32xf32, #tpu.memory_space<hbm>> -> memref<416x32xf32, #tpu.memory_space<hbm>>
    %dma_start3A_605 = arith.constant 0 : i32
    %dma_start3A_606 = tpu.memref_slice %arg4[%add3A_597, %dma_start3A_605] : memref<425984x32xf32, #tpu.memory_space<hbm>> -> memref<416x32xf32, #tpu.memory_space<hbm>>
    %dma_start3A_607 = arith.constant 0 : i32
    %dma_start3A_608 = arith.constant 0 : i32
    %dma_start3A_609 = tpu.memref_slice %arg6[%dma_start3A_598, %dma_start3A_607, %dma_start3A_608] : memref<8x416x32xf32, #tpu.memory_space<vmem>> -> memref<1x416x32xf32, #tpu.memory_space<vmem>>
    %dma_start3A_610 = tpu.memref_squeeze %dma_start3A_609 : memref<1x416x32xf32, #tpu.memory_space<vmem>> -> memref<416x32xf32, #tpu.memory_space<vmem>>
    tpu.enqueue_dma source(%dma_start3A_610 : memref<416x32xf32, #tpu.memory_space<vmem>>) target(%dma_start3A_606 : memref<416x32xf32, #tpu.memory_space<hbm>>) target_semaphore(%arg18 : memref<!tpu.dma_semaphore, #tpu.memory_space<semaphore_mem>>)
    %dma_wait3A_611 = arith.constant 2 : i32
    %dma_wait3A_612 = arith.constant 0 : i32
    %dma_wait3A_613 = arith.constant 0 : i32
    %dma_wait3A_614 = tpu.memref_slice %arg6[%dma_wait3A_611, %dma_wait3A_612, %dma_wait3A_613] : memref<8x416x32xf32, #tpu.memory_space<vmem>> -> memref<1x416x32xf32, #tpu.memory_space<vmem>>
    %dma_wait3A_615 = tpu.memref_squeeze %dma_wait3A_614 : memref<1x416x32xf32, #tpu.memory_space<vmem>> -> memref<416x32xf32, #tpu.memory_space<vmem>>
    %dma_wait3A_616 = arith.constant 0 : i32
    %dma_wait3A_617 = tpu.memref_slice %arg4[%add3A_549, %dma_wait3A_616] : memref<425984x32xf32, #tpu.memory_space<hbm>> -> memref<416x32xf32, #tpu.memory_space<hbm>>
    %dma_wait3A_618 = arith.constant 0 : i32
    %dma_wait3A_619 = tpu.memref_slice %arg4[%add3A_549, %dma_wait3A_618] : memref<425984x32xf32, #tpu.memory_space<hbm>> -> memref<416x32xf32, #tpu.memory_space<hbm>>
    %dma_wait3A_620 = arith.constant 0 : i32
    %dma_wait3A_621 = arith.constant 0 : i32
    %dma_wait3A_622 = tpu.memref_slice %arg6[%dma_wait3A_611, %dma_wait3A_620, %dma_wait3A_621] : memref<8x416x32xf32, #tpu.memory_space<vmem>> -> memref<1x416x32xf32, #tpu.memory_space<vmem>>
    %dma_wait3A_623 = tpu.memref_squeeze %dma_wait3A_622 : memref<1x416x32xf32, #tpu.memory_space<vmem>> -> memref<416x32xf32, #tpu.memory_space<vmem>>
    tpu.wait_dma2 semaphore(%arg17 : memref<!tpu.dma_semaphore, #tpu.memory_space<semaphore_mem>>) src(%dma_wait3A_623 : memref<416x32xf32, #tpu.memory_space<vmem>>) dst(%dma_wait3A_619 : memref<416x32xf32, #tpu.memory_space<hbm>>)
    %dma_start3A_624 = arith.constant 2 : i32
    %dma_start3A_625 = arith.constant 0 : i32
    %dma_start3A_626 = arith.constant 0 : i32
    %dma_start3A_627 = tpu.memref_slice %arg6[%dma_start3A_624, %dma_start3A_625, %dma_start3A_626] : memref<8x416x32xf32, #tpu.memory_space<vmem>> -> memref<1x416x32xf32, #tpu.memory_space<vmem>>
    %dma_start3A_628 = tpu.memref_squeeze %dma_start3A_627 : memref<1x416x32xf32, #tpu.memory_space<vmem>> -> memref<416x32xf32, #tpu.memory_space<vmem>>
    %dma_start3A_629 = arith.constant 7488 : i32
    %dma_start3A_630 = tpu.memref_slice %arg5[%dma_start3A_629] : memref<13312xi32, #tpu.memory_space<vmem>> -> memref<416xi32, #tpu.memory_space<vmem>>
    %dma_start3A_631 = arith.constant 0 : i32
    %dma_start3A_632 = arith.constant 0 : i32
    %dma_start3A_633 = tpu.memref_slice %arg2[%dma_start3A_631, %dma_start3A_632] : memref<1000000x32xf32, #tpu.memory_space<hbm>> -> memref<1000000x32xf32, #tpu.memory_space<hbm>>
    tpu.enqueue_indirect_dma source(%dma_start3A_633 : memref<1000000x32xf32, #tpu.memory_space<hbm>>) target(%dma_start3A_628 : memref<416x32xf32, #tpu.memory_space<vmem>>) offsets(%dma_start3A_630 : memref<416xi32, #tpu.memory_space<vmem>>) semaphore(%arg9 : memref<!tpu.dma_semaphore, #tpu.memory_space<semaphore_mem>>)
    %dma_wait3A_634 = arith.constant 4 : i32
    %dma_wait3A_635 = arith.constant 0 : i32
    %dma_wait3A_636 = arith.constant 0 : i32
    %dma_wait3A_637 = tpu.memref_slice %arg6[%dma_wait3A_634, %dma_wait3A_635, %dma_wait3A_636] : memref<8x416x32xf32, #tpu.memory_space<vmem>> -> memref<1x416x32xf32, #tpu.memory_space<vmem>>
    %dma_wait3A_638 = tpu.memref_squeeze %dma_wait3A_637 : memref<1x416x32xf32, #tpu.memory_space<vmem>> -> memref<416x32xf32, #tpu.memory_space<vmem>>
    %dma_wait3A_639 = arith.constant 4992 : i32
    %dma_wait3A_640 = tpu.memref_slice %arg5[%dma_wait3A_639] : memref<13312xi32, #tpu.memory_space<vmem>> -> memref<416xi32, #tpu.memory_space<vmem>>
    %dma_wait3A_641 = arith.constant 0 : i32
    %dma_wait3A_642 = arith.constant 0 : i32
    %dma_wait3A_643 = tpu.memref_slice %arg2[%dma_wait3A_641, %dma_wait3A_642] : memref<1000000x32xf32, #tpu.memory_space<hbm>> -> memref<1000000x32xf32, #tpu.memory_space<hbm>>
    tpu.wait_indirect_dma semaphore(%arg11 : memref<!tpu.dma_semaphore, #tpu.memory_space<semaphore_mem>>) src(%dma_wait3A_643 : memref<1000000x32xf32, #tpu.memory_space<hbm>>) dst(%dma_wait3A_638 : memref<416x32xf32, #tpu.memory_space<vmem>>)
    %add3A_644 = arith.constant 4992 : i32
    %add3A_645 = arith.addi %mul3A_2, %add3A_644 : i32
    %dma_start3A_646 = arith.constant 4 : i32
    %dma_start3A_647 = arith.constant 0 : i32
    %dma_start3A_648 = arith.constant 0 : i32
    %dma_start3A_649 = tpu.memref_slice %arg6[%dma_start3A_646, %dma_start3A_647, %dma_start3A_648] : memref<8x416x32xf32, #tpu.memory_space<vmem>> -> memref<1x416x32xf32, #tpu.memory_space<vmem>>
    %dma_start3A_650 = tpu.memref_squeeze %dma_start3A_649 : memref<1x416x32xf32, #tpu.memory_space<vmem>> -> memref<416x32xf32, #tpu.memory_space<vmem>>
    %dma_start3A_651 = arith.constant 0 : i32
    %dma_start3A_652 = tpu.memref_slice %arg4[%add3A_645, %dma_start3A_651] : memref<425984x32xf32, #tpu.memory_space<hbm>> -> memref<416x32xf32, #tpu.memory_space<hbm>>
    %dma_start3A_653 = arith.constant 0 : i32
    %dma_start3A_654 = tpu.memref_slice %arg4[%add3A_645, %dma_start3A_653] : memref<425984x32xf32, #tpu.memory_space<hbm>> -> memref<416x32xf32, #tpu.memory_space<hbm>>
    %dma_start3A_655 = arith.constant 0 : i32
    %dma_start3A_656 = arith.constant 0 : i32
    %dma_start3A_657 = tpu.memref_slice %arg6[%dma_start3A_646, %dma_start3A_655, %dma_start3A_656] : memref<8x416x32xf32, #tpu.memory_space<vmem>> -> memref<1x416x32xf32, #tpu.memory_space<vmem>>
    %dma_start3A_658 = tpu.memref_squeeze %dma_start3A_657 : memref<1x416x32xf32, #tpu.memory_space<vmem>> -> memref<416x32xf32, #tpu.memory_space<vmem>>
    tpu.enqueue_dma source(%dma_start3A_658 : memref<416x32xf32, #tpu.memory_space<vmem>>) target(%dma_start3A_654 : memref<416x32xf32, #tpu.memory_space<hbm>>) target_semaphore(%arg19 : memref<!tpu.dma_semaphore, #tpu.memory_space<semaphore_mem>>)
    %dma_wait3A_659 = arith.constant 3 : i32
    %dma_wait3A_660 = arith.constant 0 : i32
    %dma_wait3A_661 = arith.constant 0 : i32
    %dma_wait3A_662 = tpu.memref_slice %arg6[%dma_wait3A_659, %dma_wait3A_660, %dma_wait3A_661] : memref<8x416x32xf32, #tpu.memory_space<vmem>> -> memref<1x416x32xf32, #tpu.memory_space<vmem>>
    %dma_wait3A_663 = tpu.memref_squeeze %dma_wait3A_662 : memref<1x416x32xf32, #tpu.memory_space<vmem>> -> memref<416x32xf32, #tpu.memory_space<vmem>>
    %dma_wait3A_664 = arith.constant 0 : i32
    %dma_wait3A_665 = tpu.memref_slice %arg4[%add3A_597, %dma_wait3A_664] : memref<425984x32xf32, #tpu.memory_space<hbm>> -> memref<416x32xf32, #tpu.memory_space<hbm>>
    %dma_wait3A_666 = arith.constant 0 : i32
    %dma_wait3A_667 = tpu.memref_slice %arg4[%add3A_597, %dma_wait3A_666] : memref<425984x32xf32, #tpu.memory_space<hbm>> -> memref<416x32xf32, #tpu.memory_space<hbm>>
    %dma_wait3A_668 = arith.constant 0 : i32
    %dma_wait3A_669 = arith.constant 0 : i32
    %dma_wait3A_670 = tpu.memref_slice %arg6[%dma_wait3A_659, %dma_wait3A_668, %dma_wait3A_669] : memref<8x416x32xf32, #tpu.memory_space<vmem>> -> memref<1x416x32xf32, #tpu.memory_space<vmem>>
    %dma_wait3A_671 = tpu.memref_squeeze %dma_wait3A_670 : memref<1x416x32xf32, #tpu.memory_space<vmem>> -> memref<416x32xf32, #tpu.memory_space<vmem>>
    tpu.wait_dma2 semaphore(%arg18 : memref<!tpu.dma_semaphore, #tpu.memory_space<semaphore_mem>>) src(%dma_wait3A_671 : memref<416x32xf32, #tpu.memory_space<vmem>>) dst(%dma_wait3A_667 : memref<416x32xf32, #tpu.memory_space<hbm>>)
    %dma_start3A_672 = arith.constant 3 : i32
    %dma_start3A_673 = arith.constant 0 : i32
    %dma_start3A_674 = arith.constant 0 : i32
    %dma_start3A_675 = tpu.memref_slice %arg6[%dma_start3A_672, %dma_start3A_673, %dma_start3A_674] : memref<8x416x32xf32, #tpu.memory_space<vmem>> -> memref<1x416x32xf32, #tpu.memory_space<vmem>>
    %dma_start3A_676 = tpu.memref_squeeze %dma_start3A_675 : memref<1x416x32xf32, #tpu.memory_space<vmem>> -> memref<416x32xf32, #tpu.memory_space<vmem>>
    %dma_start3A_677 = arith.constant 7904 : i32
    %dma_start3A_678 = tpu.memref_slice %arg5[%dma_start3A_677] : memref<13312xi32, #tpu.memory_space<vmem>> -> memref<416xi32, #tpu.memory_space<vmem>>
    %dma_start3A_679 = arith.constant 0 : i32
    %dma_start3A_680 = arith.constant 0 : i32
    %dma_start3A_681 = tpu.memref_slice %arg2[%dma_start3A_679, %dma_start3A_680] : memref<1000000x32xf32, #tpu.memory_space<hbm>> -> memref<1000000x32xf32, #tpu.memory_space<hbm>>
    tpu.enqueue_indirect_dma source(%dma_start3A_681 : memref<1000000x32xf32, #tpu.memory_space<hbm>>) target(%dma_start3A_676 : memref<416x32xf32, #tpu.memory_space<vmem>>) offsets(%dma_start3A_678 : memref<416xi32, #tpu.memory_space<vmem>>) semaphore(%arg10 : memref<!tpu.dma_semaphore, #tpu.memory_space<semaphore_mem>>)
    %dma_wait3A_682 = arith.constant 5 : i32
    %dma_wait3A_683 = arith.constant 0 : i32
    %dma_wait3A_684 = arith.constant 0 : i32
    %dma_wait3A_685 = tpu.memref_slice %arg6[%dma_wait3A_682, %dma_wait3A_683, %dma_wait3A_684] : memref<8x416x32xf32, #tpu.memory_space<vmem>> -> memref<1x416x32xf32, #tpu.memory_space<vmem>>
    %dma_wait3A_686 = tpu.memref_squeeze %dma_wait3A_685 : memref<1x416x32xf32, #tpu.memory_space<vmem>> -> memref<416x32xf32, #tpu.memory_space<vmem>>
    %dma_wait3A_687 = arith.constant 5408 : i32
    %dma_wait3A_688 = tpu.memref_slice %arg5[%dma_wait3A_687] : memref<13312xi32, #tpu.memory_space<vmem>> -> memref<416xi32, #tpu.memory_space<vmem>>
    %dma_wait3A_689 = arith.constant 0 : i32
    %dma_wait3A_690 = arith.constant 0 : i32
    %dma_wait3A_691 = tpu.memref_slice %arg2[%dma_wait3A_689, %dma_wait3A_690] : memref<1000000x32xf32, #tpu.memory_space<hbm>> -> memref<1000000x32xf32, #tpu.memory_space<hbm>>
    tpu.wait_indirect_dma semaphore(%arg12 : memref<!tpu.dma_semaphore, #tpu.memory_space<semaphore_mem>>) src(%dma_wait3A_691 : memref<1000000x32xf32, #tpu.memory_space<hbm>>) dst(%dma_wait3A_686 : memref<416x32xf32, #tpu.memory_space<vmem>>)
    %add3A_692 = arith.constant 5408 : i32
    %add3A_693 = arith.addi %mul3A_2, %add3A_692 : i32
    %dma_start3A_694 = arith.constant 5 : i32
    %dma_start3A_695 = arith.constant 0 : i32
    %dma_start3A_696 = arith.constant 0 : i32
    %dma_start3A_697 = tpu.memref_slice %arg6[%dma_start3A_694, %dma_start3A_695, %dma_start3A_696] : memref<8x416x32xf32, #tpu.memory_space<vmem>> -> memref<1x416x32xf32, #tpu.memory_space<vmem>>
    %dma_start3A_698 = tpu.memref_squeeze %dma_start3A_697 : memref<1x416x32xf32, #tpu.memory_space<vmem>> -> memref<416x32xf32, #tpu.memory_space<vmem>>
    %dma_start3A_699 = arith.constant 0 : i32
    %dma_start3A_700 = tpu.memref_slice %arg4[%add3A_693, %dma_start3A_699] : memref<425984x32xf32, #tpu.memory_space<hbm>> -> memref<416x32xf32, #tpu.memory_space<hbm>>
    %dma_start3A_701 = arith.constant 0 : i32
    %dma_start3A_702 = tpu.memref_slice %arg4[%add3A_693, %dma_start3A_701] : memref<425984x32xf32, #tpu.memory_space<hbm>> -> memref<416x32xf32, #tpu.memory_space<hbm>>
    %dma_start3A_703 = arith.constant 0 : i32
    %dma_start3A_704 = arith.constant 0 : i32
    %dma_start3A_705 = tpu.memref_slice %arg6[%dma_start3A_694, %dma_start3A_703, %dma_start3A_704] : memref<8x416x32xf32, #tpu.memory_space<vmem>> -> memref<1x416x32xf32, #tpu.memory_space<vmem>>
    %dma_start3A_706 = tpu.memref_squeeze %dma_start3A_705 : memref<1x416x32xf32, #tpu.memory_space<vmem>> -> memref<416x32xf32, #tpu.memory_space<vmem>>
    tpu.enqueue_dma source(%dma_start3A_706 : memref<416x32xf32, #tpu.memory_space<vmem>>) target(%dma_start3A_702 : memref<416x32xf32, #tpu.memory_space<hbm>>) target_semaphore(%arg20 : memref<!tpu.dma_semaphore, #tpu.memory_space<semaphore_mem>>)
    %dma_wait3A_707 = arith.constant 4 : i32
    %dma_wait3A_708 = arith.constant 0 : i32
    %dma_wait3A_709 = arith.constant 0 : i32
    %dma_wait3A_710 = tpu.memref_slice %arg6[%dma_wait3A_707, %dma_wait3A_708, %dma_wait3A_709] : memref<8x416x32xf32, #tpu.memory_space<vmem>> -> memref<1x416x32xf32, #tpu.memory_space<vmem>>
    %dma_wait3A_711 = tpu.memref_squeeze %dma_wait3A_710 : memref<1x416x32xf32, #tpu.memory_space<vmem>> -> memref<416x32xf32, #tpu.memory_space<vmem>>
    %dma_wait3A_712 = arith.constant 0 : i32
    %dma_wait3A_713 = tpu.memref_slice %arg4[%add3A_645, %dma_wait3A_712] : memref<425984x32xf32, #tpu.memory_space<hbm>> -> memref<416x32xf32, #tpu.memory_space<hbm>>
    %dma_wait3A_714 = arith.constant 0 : i32
    %dma_wait3A_715 = tpu.memref_slice %arg4[%add3A_645, %dma_wait3A_714] : memref<425984x32xf32, #tpu.memory_space<hbm>> -> memref<416x32xf32, #tpu.memory_space<hbm>>
    %dma_wait3A_716 = arith.constant 0 : i32
    %dma_wait3A_717 = arith.constant 0 : i32
    %dma_wait3A_718 = tpu.memref_slice %arg6[%dma_wait3A_707, %dma_wait3A_716, %dma_wait3A_717] : memref<8x416x32xf32, #tpu.memory_space<vmem>> -> memref<1x416x32xf32, #tpu.memory_space<vmem>>
    %dma_wait3A_719 = tpu.memref_squeeze %dma_wait3A_718 : memref<1x416x32xf32, #tpu.memory_space<vmem>> -> memref<416x32xf32, #tpu.memory_space<vmem>>
    tpu.wait_dma2 semaphore(%arg19 : memref<!tpu.dma_semaphore, #tpu.memory_space<semaphore_mem>>) src(%dma_wait3A_719 : memref<416x32xf32, #tpu.memory_space<vmem>>) dst(%dma_wait3A_715 : memref<416x32xf32, #tpu.memory_space<hbm>>)
    %dma_start3A_720 = arith.constant 4 : i32
    %dma_start3A_721 = arith.constant 0 : i32
    %dma_start3A_722 = arith.constant 0 : i32
    %dma_start3A_723 = tpu.memref_slice %arg6[%dma_start3A_720, %dma_start3A_721, %dma_start3A_722] : memref<8x416x32xf32, #tpu.memory_space<vmem>> -> memref<1x416x32xf32, #tpu.memory_space<vmem>>
    %dma_start3A_724 = tpu.memref_squeeze %dma_start3A_723 : memref<1x416x32xf32, #tpu.memory_space<vmem>> -> memref<416x32xf32, #tpu.memory_space<vmem>>
    %dma_start3A_725 = arith.constant 8320 : i32
    %dma_start3A_726 = tpu.memref_slice %arg5[%dma_start3A_725] : memref<13312xi32, #tpu.memory_space<vmem>> -> memref<416xi32, #tpu.memory_space<vmem>>
    %dma_start3A_727 = arith.constant 0 : i32
    %dma_start3A_728 = arith.constant 0 : i32
    %dma_start3A_729 = tpu.memref_slice %arg2[%dma_start3A_727, %dma_start3A_728] : memref<1000000x32xf32, #tpu.memory_space<hbm>> -> memref<1000000x32xf32, #tpu.memory_space<hbm>>
    tpu.enqueue_indirect_dma source(%dma_start3A_729 : memref<1000000x32xf32, #tpu.memory_space<hbm>>) target(%dma_start3A_724 : memref<416x32xf32, #tpu.memory_space<vmem>>) offsets(%dma_start3A_726 : memref<416xi32, #tpu.memory_space<vmem>>) semaphore(%arg11 : memref<!tpu.dma_semaphore, #tpu.memory_space<semaphore_mem>>)
    %dma_wait3A_730 = arith.constant 6 : i32
    %dma_wait3A_731 = arith.constant 0 : i32
    %dma_wait3A_732 = arith.constant 0 : i32
    %dma_wait3A_733 = tpu.memref_slice %arg6[%dma_wait3A_730, %dma_wait3A_731, %dma_wait3A_732] : memref<8x416x32xf32, #tpu.memory_space<vmem>> -> memref<1x416x32xf32, #tpu.memory_space<vmem>>
    %dma_wait3A_734 = tpu.memref_squeeze %dma_wait3A_733 : memref<1x416x32xf32, #tpu.memory_space<vmem>> -> memref<416x32xf32, #tpu.memory_space<vmem>>
    %dma_wait3A_735 = arith.constant 5824 : i32
    %dma_wait3A_736 = tpu.memref_slice %arg5[%dma_wait3A_735] : memref<13312xi32, #tpu.memory_space<vmem>> -> memref<416xi32, #tpu.memory_space<vmem>>
    %dma_wait3A_737 = arith.constant 0 : i32
    %dma_wait3A_738 = arith.constant 0 : i32
    %dma_wait3A_739 = tpu.memref_slice %arg2[%dma_wait3A_737, %dma_wait3A_738] : memref<1000000x32xf32, #tpu.memory_space<hbm>> -> memref<1000000x32xf32, #tpu.memory_space<hbm>>
    tpu.wait_indirect_dma semaphore(%arg13 : memref<!tpu.dma_semaphore, #tpu.memory_space<semaphore_mem>>) src(%dma_wait3A_739 : memref<1000000x32xf32, #tpu.memory_space<hbm>>) dst(%dma_wait3A_734 : memref<416x32xf32, #tpu.memory_space<vmem>>)
    %add3A_740 = arith.constant 5824 : i32
    %add3A_741 = arith.addi %mul3A_2, %add3A_740 : i32
    %dma_start3A_742 = arith.constant 6 : i32
    %dma_start3A_743 = arith.constant 0 : i32
    %dma_start3A_744 = arith.constant 0 : i32
    %dma_start3A_745 = tpu.memref_slice %arg6[%dma_start3A_742, %dma_start3A_743, %dma_start3A_744] : memref<8x416x32xf32, #tpu.memory_space<vmem>> -> memref<1x416x32xf32, #tpu.memory_space<vmem>>
    %dma_start3A_746 = tpu.memref_squeeze %dma_start3A_745 : memref<1x416x32xf32, #tpu.memory_space<vmem>> -> memref<416x32xf32, #tpu.memory_space<vmem>>
    %dma_start3A_747 = arith.constant 0 : i32
    %dma_start3A_748 = tpu.memref_slice %arg4[%add3A_741, %dma_start3A_747] : memref<425984x32xf32, #tpu.memory_space<hbm>> -> memref<416x32xf32, #tpu.memory_space<hbm>>
    %dma_start3A_749 = arith.constant 0 : i32
    %dma_start3A_750 = tpu.memref_slice %arg4[%add3A_741, %dma_start3A_749] : memref<425984x32xf32, #tpu.memory_space<hbm>> -> memref<416x32xf32, #tpu.memory_space<hbm>>
    %dma_start3A_751 = arith.constant 0 : i32
    %dma_start3A_752 = arith.constant 0 : i32
    %dma_start3A_753 = tpu.memref_slice %arg6[%dma_start3A_742, %dma_start3A_751, %dma_start3A_752] : memref<8x416x32xf32, #tpu.memory_space<vmem>> -> memref<1x416x32xf32, #tpu.memory_space<vmem>>
    %dma_start3A_754 = tpu.memref_squeeze %dma_start3A_753 : memref<1x416x32xf32, #tpu.memory_space<vmem>> -> memref<416x32xf32, #tpu.memory_space<vmem>>
    tpu.enqueue_dma source(%dma_start3A_754 : memref<416x32xf32, #tpu.memory_space<vmem>>) target(%dma_start3A_750 : memref<416x32xf32, #tpu.memory_space<hbm>>) target_semaphore(%arg21 : memref<!tpu.dma_semaphore, #tpu.memory_space<semaphore_mem>>)
    %dma_wait3A_755 = arith.constant 5 : i32
    %dma_wait3A_756 = arith.constant 0 : i32
    %dma_wait3A_757 = arith.constant 0 : i32
    %dma_wait3A_758 = tpu.memref_slice %arg6[%dma_wait3A_755, %dma_wait3A_756, %dma_wait3A_757] : memref<8x416x32xf32, #tpu.memory_space<vmem>> -> memref<1x416x32xf32, #tpu.memory_space<vmem>>
    %dma_wait3A_759 = tpu.memref_squeeze %dma_wait3A_758 : memref<1x416x32xf32, #tpu.memory_space<vmem>> -> memref<416x32xf32, #tpu.memory_space<vmem>>
    %dma_wait3A_760 = arith.constant 0 : i32
    %dma_wait3A_761 = tpu.memref_slice %arg4[%add3A_693, %dma_wait3A_760] : memref<425984x32xf32, #tpu.memory_space<hbm>> -> memref<416x32xf32, #tpu.memory_space<hbm>>
    %dma_wait3A_762 = arith.constant 0 : i32
    %dma_wait3A_763 = tpu.memref_slice %arg4[%add3A_693, %dma_wait3A_762] : memref<425984x32xf32, #tpu.memory_space<hbm>> -> memref<416x32xf32, #tpu.memory_space<hbm>>
    %dma_wait3A_764 = arith.constant 0 : i32
    %dma_wait3A_765 = arith.constant 0 : i32
    %dma_wait3A_766 = tpu.memref_slice %arg6[%dma_wait3A_755, %dma_wait3A_764, %dma_wait3A_765] : memref<8x416x32xf32, #tpu.memory_space<vmem>> -> memref<1x416x32xf32, #tpu.memory_space<vmem>>
    %dma_wait3A_767 = tpu.memref_squeeze %dma_wait3A_766 : memref<1x416x32xf32, #tpu.memory_space<vmem>> -> memref<416x32xf32, #tpu.memory_space<vmem>>
    tpu.wait_dma2 semaphore(%arg20 : memref<!tpu.dma_semaphore, #tpu.memory_space<semaphore_mem>>) src(%dma_wait3A_767 : memref<416x32xf32, #tpu.memory_space<vmem>>) dst(%dma_wait3A_763 : memref<416x32xf32, #tpu.memory_space<hbm>>)
    %dma_start3A_768 = arith.constant 5 : i32
    %dma_start3A_769 = arith.constant 0 : i32
    %dma_start3A_770 = arith.constant 0 : i32
    %dma_start3A_771 = tpu.memref_slice %arg6[%dma_start3A_768, %dma_start3A_769, %dma_start3A_770] : memref<8x416x32xf32, #tpu.memory_space<vmem>> -> memref<1x416x32xf32, #tpu.memory_space<vmem>>
    %dma_start3A_772 = tpu.memref_squeeze %dma_start3A_771 : memref<1x416x32xf32, #tpu.memory_space<vmem>> -> memref<416x32xf32, #tpu.memory_space<vmem>>
    %dma_start3A_773 = arith.constant 8736 : i32
    %dma_start3A_774 = tpu.memref_slice %arg5[%dma_start3A_773] : memref<13312xi32, #tpu.memory_space<vmem>> -> memref<416xi32, #tpu.memory_space<vmem>>
    %dma_start3A_775 = arith.constant 0 : i32
    %dma_start3A_776 = arith.constant 0 : i32
    %dma_start3A_777 = tpu.memref_slice %arg2[%dma_start3A_775, %dma_start3A_776] : memref<1000000x32xf32, #tpu.memory_space<hbm>> -> memref<1000000x32xf32, #tpu.memory_space<hbm>>
    tpu.enqueue_indirect_dma source(%dma_start3A_777 : memref<1000000x32xf32, #tpu.memory_space<hbm>>) target(%dma_start3A_772 : memref<416x32xf32, #tpu.memory_space<vmem>>) offsets(%dma_start3A_774 : memref<416xi32, #tpu.memory_space<vmem>>) semaphore(%arg12 : memref<!tpu.dma_semaphore, #tpu.memory_space<semaphore_mem>>)
    %dma_wait3A_778 = arith.constant 7 : i32
    %dma_wait3A_779 = arith.constant 0 : i32
    %dma_wait3A_780 = arith.constant 0 : i32
    %dma_wait3A_781 = tpu.memref_slice %arg6[%dma_wait3A_778, %dma_wait3A_779, %dma_wait3A_780] : memref<8x416x32xf32, #tpu.memory_space<vmem>> -> memref<1x416x32xf32, #tpu.memory_space<vmem>>
    %dma_wait3A_782 = tpu.memref_squeeze %dma_wait3A_781 : memref<1x416x32xf32, #tpu.memory_space<vmem>> -> memref<416x32xf32, #tpu.memory_space<vmem>>
    %dma_wait3A_783 = arith.constant 6240 : i32
    %dma_wait3A_784 = tpu.memref_slice %arg5[%dma_wait3A_783] : memref<13312xi32, #tpu.memory_space<vmem>> -> memref<416xi32, #tpu.memory_space<vmem>>
    %dma_wait3A_785 = arith.constant 0 : i32
    %dma_wait3A_786 = arith.constant 0 : i32
    %dma_wait3A_787 = tpu.memref_slice %arg2[%dma_wait3A_785, %dma_wait3A_786] : memref<1000000x32xf32, #tpu.memory_space<hbm>> -> memref<1000000x32xf32, #tpu.memory_space<hbm>>
    tpu.wait_indirect_dma semaphore(%arg14 : memref<!tpu.dma_semaphore, #tpu.memory_space<semaphore_mem>>) src(%dma_wait3A_787 : memref<1000000x32xf32, #tpu.memory_space<hbm>>) dst(%dma_wait3A_782 : memref<416x32xf32, #tpu.memory_space<vmem>>)
    %add3A_788 = arith.constant 6240 : i32
    %add3A_789 = arith.addi %mul3A_2, %add3A_788 : i32
    %dma_start3A_790 = arith.constant 7 : i32
    %dma_start3A_791 = arith.constant 0 : i32
    %dma_start3A_792 = arith.constant 0 : i32
    %dma_start3A_793 = tpu.memref_slice %arg6[%dma_start3A_790, %dma_start3A_791, %dma_start3A_792] : memref<8x416x32xf32, #tpu.memory_space<vmem>> -> memref<1x416x32xf32, #tpu.memory_space<vmem>>
    %dma_start3A_794 = tpu.memref_squeeze %dma_start3A_793 : memref<1x416x32xf32, #tpu.memory_space<vmem>> -> memref<416x32xf32, #tpu.memory_space<vmem>>
    %dma_start3A_795 = arith.constant 0 : i32
    %dma_start3A_796 = tpu.memref_slice %arg4[%add3A_789, %dma_start3A_795] : memref<425984x32xf32, #tpu.memory_space<hbm>> -> memref<416x32xf32, #tpu.memory_space<hbm>>
    %dma_start3A_797 = arith.constant 0 : i32
    %dma_start3A_798 = tpu.memref_slice %arg4[%add3A_789, %dma_start3A_797] : memref<425984x32xf32, #tpu.memory_space<hbm>> -> memref<416x32xf32, #tpu.memory_space<hbm>>
    %dma_start3A_799 = arith.constant 0 : i32
    %dma_start3A_800 = arith.constant 0 : i32
    %dma_start3A_801 = tpu.memref_slice %arg6[%dma_start3A_790, %dma_start3A_799, %dma_start3A_800] : memref<8x416x32xf32, #tpu.memory_space<vmem>> -> memref<1x416x32xf32, #tpu.memory_space<vmem>>
    %dma_start3A_802 = tpu.memref_squeeze %dma_start3A_801 : memref<1x416x32xf32, #tpu.memory_space<vmem>> -> memref<416x32xf32, #tpu.memory_space<vmem>>
    tpu.enqueue_dma source(%dma_start3A_802 : memref<416x32xf32, #tpu.memory_space<vmem>>) target(%dma_start3A_798 : memref<416x32xf32, #tpu.memory_space<hbm>>) target_semaphore(%arg22 : memref<!tpu.dma_semaphore, #tpu.memory_space<semaphore_mem>>)
    %dma_wait3A_803 = arith.constant 6 : i32
    %dma_wait3A_804 = arith.constant 0 : i32
    %dma_wait3A_805 = arith.constant 0 : i32
    %dma_wait3A_806 = tpu.memref_slice %arg6[%dma_wait3A_803, %dma_wait3A_804, %dma_wait3A_805] : memref<8x416x32xf32, #tpu.memory_space<vmem>> -> memref<1x416x32xf32, #tpu.memory_space<vmem>>
    %dma_wait3A_807 = tpu.memref_squeeze %dma_wait3A_806 : memref<1x416x32xf32, #tpu.memory_space<vmem>> -> memref<416x32xf32, #tpu.memory_space<vmem>>
    %dma_wait3A_808 = arith.constant 0 : i32
    %dma_wait3A_809 = tpu.memref_slice %arg4[%add3A_741, %dma_wait3A_808] : memref<425984x32xf32, #tpu.memory_space<hbm>> -> memref<416x32xf32, #tpu.memory_space<hbm>>
    %dma_wait3A_810 = arith.constant 0 : i32
    %dma_wait3A_811 = tpu.memref_slice %arg4[%add3A_741, %dma_wait3A_810] : memref<425984x32xf32, #tpu.memory_space<hbm>> -> memref<416x32xf32, #tpu.memory_space<hbm>>
    %dma_wait3A_812 = arith.constant 0 : i32
    %dma_wait3A_813 = arith.constant 0 : i32
    %dma_wait3A_814 = tpu.memref_slice %arg6[%dma_wait3A_803, %dma_wait3A_812, %dma_wait3A_813] : memref<8x416x32xf32, #tpu.memory_space<vmem>> -> memref<1x416x32xf32, #tpu.memory_space<vmem>>
    %dma_wait3A_815 = tpu.memref_squeeze %dma_wait3A_814 : memref<1x416x32xf32, #tpu.memory_space<vmem>> -> memref<416x32xf32, #tpu.memory_space<vmem>>
    tpu.wait_dma2 semaphore(%arg21 : memref<!tpu.dma_semaphore, #tpu.memory_space<semaphore_mem>>) src(%dma_wait3A_815 : memref<416x32xf32, #tpu.memory_space<vmem>>) dst(%dma_wait3A_811 : memref<416x32xf32, #tpu.memory_space<hbm>>)
    %dma_start3A_816 = arith.constant 6 : i32
    %dma_start3A_817 = arith.constant 0 : i32
    %dma_start3A_818 = arith.constant 0 : i32
    %dma_start3A_819 = tpu.memref_slice %arg6[%dma_start3A_816, %dma_start3A_817, %dma_start3A_818] : memref<8x416x32xf32, #tpu.memory_space<vmem>> -> memref<1x416x32xf32, #tpu.memory_space<vmem>>
    %dma_start3A_820 = tpu.memref_squeeze %dma_start3A_819 : memref<1x416x32xf32, #tpu.memory_space<vmem>> -> memref<416x32xf32, #tpu.memory_space<vmem>>
    %dma_start3A_821 = arith.constant 9152 : i32
    %dma_start3A_822 = tpu.memref_slice %arg5[%dma_start3A_821] : memref<13312xi32, #tpu.memory_space<vmem>> -> memref<416xi32, #tpu.memory_space<vmem>>
    %dma_start3A_823 = arith.constant 0 : i32
    %dma_start3A_824 = arith.constant 0 : i32
    %dma_start3A_825 = tpu.memref_slice %arg2[%dma_start3A_823, %dma_start3A_824] : memref<1000000x32xf32, #tpu.memory_space<hbm>> -> memref<1000000x32xf32, #tpu.memory_space<hbm>>
    tpu.enqueue_indirect_dma source(%dma_start3A_825 : memref<1000000x32xf32, #tpu.memory_space<hbm>>) target(%dma_start3A_820 : memref<416x32xf32, #tpu.memory_space<vmem>>) offsets(%dma_start3A_822 : memref<416xi32, #tpu.memory_space<vmem>>) semaphore(%arg13 : memref<!tpu.dma_semaphore, #tpu.memory_space<semaphore_mem>>)
    %dma_wait3A_826 = arith.constant 0 : i32
    %dma_wait3A_827 = arith.constant 0 : i32
    %dma_wait3A_828 = arith.constant 0 : i32
    %dma_wait3A_829 = tpu.memref_slice %arg6[%dma_wait3A_826, %dma_wait3A_827, %dma_wait3A_828] : memref<8x416x32xf32, #tpu.memory_space<vmem>> -> memref<1x416x32xf32, #tpu.memory_space<vmem>>
    %dma_wait3A_830 = tpu.memref_squeeze %dma_wait3A_829 : memref<1x416x32xf32, #tpu.memory_space<vmem>> -> memref<416x32xf32, #tpu.memory_space<vmem>>
    %dma_wait3A_831 = arith.constant 6656 : i32
    %dma_wait3A_832 = tpu.memref_slice %arg5[%dma_wait3A_831] : memref<13312xi32, #tpu.memory_space<vmem>> -> memref<416xi32, #tpu.memory_space<vmem>>
    %dma_wait3A_833 = arith.constant 0 : i32
    %dma_wait3A_834 = arith.constant 0 : i32
    %dma_wait3A_835 = tpu.memref_slice %arg2[%dma_wait3A_833, %dma_wait3A_834] : memref<1000000x32xf32, #tpu.memory_space<hbm>> -> memref<1000000x32xf32, #tpu.memory_space<hbm>>
    tpu.wait_indirect_dma semaphore(%arg7 : memref<!tpu.dma_semaphore, #tpu.memory_space<semaphore_mem>>) src(%dma_wait3A_835 : memref<1000000x32xf32, #tpu.memory_space<hbm>>) dst(%dma_wait3A_830 : memref<416x32xf32, #tpu.memory_space<vmem>>)
    %add3A_836 = arith.constant 6656 : i32
    %add3A_837 = arith.addi %mul3A_2, %add3A_836 : i32
    %dma_start3A_838 = arith.constant 0 : i32
    %dma_start3A_839 = arith.constant 0 : i32
    %dma_start3A_840 = arith.constant 0 : i32
    %dma_start3A_841 = tpu.memref_slice %arg6[%dma_start3A_838, %dma_start3A_839, %dma_start3A_840] : memref<8x416x32xf32, #tpu.memory_space<vmem>> -> memref<1x416x32xf32, #tpu.memory_space<vmem>>
    %dma_start3A_842 = tpu.memref_squeeze %dma_start3A_841 : memref<1x416x32xf32, #tpu.memory_space<vmem>> -> memref<416x32xf32, #tpu.memory_space<vmem>>
    %dma_start3A_843 = arith.constant 0 : i32
    %dma_start3A_844 = tpu.memref_slice %arg4[%add3A_837, %dma_start3A_843] : memref<425984x32xf32, #tpu.memory_space<hbm>> -> memref<416x32xf32, #tpu.memory_space<hbm>>
    %dma_start3A_845 = arith.constant 0 : i32
    %dma_start3A_846 = tpu.memref_slice %arg4[%add3A_837, %dma_start3A_845] : memref<425984x32xf32, #tpu.memory_space<hbm>> -> memref<416x32xf32, #tpu.memory_space<hbm>>
    %dma_start3A_847 = arith.constant 0 : i32
    %dma_start3A_848 = arith.constant 0 : i32
    %dma_start3A_849 = tpu.memref_slice %arg6[%dma_start3A_838, %dma_start3A_847, %dma_start3A_848] : memref<8x416x32xf32, #tpu.memory_space<vmem>> -> memref<1x416x32xf32, #tpu.memory_space<vmem>>
    %dma_start3A_850 = tpu.memref_squeeze %dma_start3A_849 : memref<1x416x32xf32, #tpu.memory_space<vmem>> -> memref<416x32xf32, #tpu.memory_space<vmem>>
    tpu.enqueue_dma source(%dma_start3A_850 : memref<416x32xf32, #tpu.memory_space<vmem>>) target(%dma_start3A_846 : memref<416x32xf32, #tpu.memory_space<hbm>>) target_semaphore(%arg15 : memref<!tpu.dma_semaphore, #tpu.memory_space<semaphore_mem>>)
    %dma_wait3A_851 = arith.constant 7 : i32
    %dma_wait3A_852 = arith.constant 0 : i32
    %dma_wait3A_853 = arith.constant 0 : i32
    %dma_wait3A_854 = tpu.memref_slice %arg6[%dma_wait3A_851, %dma_wait3A_852, %dma_wait3A_853] : memref<8x416x32xf32, #tpu.memory_space<vmem>> -> memref<1x416x32xf32, #tpu.memory_space<vmem>>
    %dma_wait3A_855 = tpu.memref_squeeze %dma_wait3A_854 : memref<1x416x32xf32, #tpu.memory_space<vmem>> -> memref<416x32xf32, #tpu.memory_space<vmem>>
    %dma_wait3A_856 = arith.constant 0 : i32
    %dma_wait3A_857 = tpu.memref_slice %arg4[%add3A_789, %dma_wait3A_856] : memref<425984x32xf32, #tpu.memory_space<hbm>> -> memref<416x32xf32, #tpu.memory_space<hbm>>
    %dma_wait3A_858 = arith.constant 0 : i32
    %dma_wait3A_859 = tpu.memref_slice %arg4[%add3A_789, %dma_wait3A_858] : memref<425984x32xf32, #tpu.memory_space<hbm>> -> memref<416x32xf32, #tpu.memory_space<hbm>>
    %dma_wait3A_860 = arith.constant 0 : i32
    %dma_wait3A_861 = arith.constant 0 : i32
    %dma_wait3A_862 = tpu.memref_slice %arg6[%dma_wait3A_851, %dma_wait3A_860, %dma_wait3A_861] : memref<8x416x32xf32, #tpu.memory_space<vmem>> -> memref<1x416x32xf32, #tpu.memory_space<vmem>>
    %dma_wait3A_863 = tpu.memref_squeeze %dma_wait3A_862 : memref<1x416x32xf32, #tpu.memory_space<vmem>> -> memref<416x32xf32, #tpu.memory_space<vmem>>
    tpu.wait_dma2 semaphore(%arg22 : memref<!tpu.dma_semaphore, #tpu.memory_space<semaphore_mem>>) src(%dma_wait3A_863 : memref<416x32xf32, #tpu.memory_space<vmem>>) dst(%dma_wait3A_859 : memref<416x32xf32, #tpu.memory_space<hbm>>)
    %dma_start3A_864 = arith.constant 7 : i32
    %dma_start3A_865 = arith.constant 0 : i32
    %dma_start3A_866 = arith.constant 0 : i32
    %dma_start3A_867 = tpu.memref_slice %arg6[%dma_start3A_864, %dma_start3A_865, %dma_start3A_866] : memref<8x416x32xf32, #tpu.memory_space<vmem>> -> memref<1x416x32xf32, #tpu.memory_space<vmem>>
    %dma_start3A_868 = tpu.memref_squeeze %dma_start3A_867 : memref<1x416x32xf32, #tpu.memory_space<vmem>> -> memref<416x32xf32, #tpu.memory_space<vmem>>
    %dma_start3A_869 = arith.constant 9568 : i32
    %dma_start3A_870 = tpu.memref_slice %arg5[%dma_start3A_869] : memref<13312xi32, #tpu.memory_space<vmem>> -> memref<416xi32, #tpu.memory_space<vmem>>
    %dma_start3A_871 = arith.constant 0 : i32
    %dma_start3A_872 = arith.constant 0 : i32
    %dma_start3A_873 = tpu.memref_slice %arg2[%dma_start3A_871, %dma_start3A_872] : memref<1000000x32xf32, #tpu.memory_space<hbm>> -> memref<1000000x32xf32, #tpu.memory_space<hbm>>
    tpu.enqueue_indirect_dma source(%dma_start3A_873 : memref<1000000x32xf32, #tpu.memory_space<hbm>>) target(%dma_start3A_868 : memref<416x32xf32, #tpu.memory_space<vmem>>) offsets(%dma_start3A_870 : memref<416xi32, #tpu.memory_space<vmem>>) semaphore(%arg14 : memref<!tpu.dma_semaphore, #tpu.memory_space<semaphore_mem>>)
    %dma_wait3A_874 = arith.constant 1 : i32
    %dma_wait3A_875 = arith.constant 0 : i32
    %dma_wait3A_876 = arith.constant 0 : i32
    %dma_wait3A_877 = tpu.memref_slice %arg6[%dma_wait3A_874, %dma_wait3A_875, %dma_wait3A_876] : memref<8x416x32xf32, #tpu.memory_space<vmem>> -> memref<1x416x32xf32, #tpu.memory_space<vmem>>
    %dma_wait3A_878 = tpu.memref_squeeze %dma_wait3A_877 : memref<1x416x32xf32, #tpu.memory_space<vmem>> -> memref<416x32xf32, #tpu.memory_space<vmem>>
    %dma_wait3A_879 = arith.constant 7072 : i32
    %dma_wait3A_880 = tpu.memref_slice %arg5[%dma_wait3A_879] : memref<13312xi32, #tpu.memory_space<vmem>> -> memref<416xi32, #tpu.memory_space<vmem>>
    %dma_wait3A_881 = arith.constant 0 : i32
    %dma_wait3A_882 = arith.constant 0 : i32
    %dma_wait3A_883 = tpu.memref_slice %arg2[%dma_wait3A_881, %dma_wait3A_882] : memref<1000000x32xf32, #tpu.memory_space<hbm>> -> memref<1000000x32xf32, #tpu.memory_space<hbm>>
    tpu.wait_indirect_dma semaphore(%arg8 : memref<!tpu.dma_semaphore, #tpu.memory_space<semaphore_mem>>) src(%dma_wait3A_883 : memref<1000000x32xf32, #tpu.memory_space<hbm>>) dst(%dma_wait3A_878 : memref<416x32xf32, #tpu.memory_space<vmem>>)
    %add3A_884 = arith.constant 7072 : i32
    %add3A_885 = arith.addi %mul3A_2, %add3A_884 : i32
    %dma_start3A_886 = arith.constant 1 : i32
    %dma_start3A_887 = arith.constant 0 : i32
    %dma_start3A_888 = arith.constant 0 : i32
    %dma_start3A_889 = tpu.memref_slice %arg6[%dma_start3A_886, %dma_start3A_887, %dma_start3A_888] : memref<8x416x32xf32, #tpu.memory_space<vmem>> -> memref<1x416x32xf32, #tpu.memory_space<vmem>>
    %dma_start3A_890 = tpu.memref_squeeze %dma_start3A_889 : memref<1x416x32xf32, #tpu.memory_space<vmem>> -> memref<416x32xf32, #tpu.memory_space<vmem>>
    %dma_start3A_891 = arith.constant 0 : i32
    %dma_start3A_892 = tpu.memref_slice %arg4[%add3A_885, %dma_start3A_891] : memref<425984x32xf32, #tpu.memory_space<hbm>> -> memref<416x32xf32, #tpu.memory_space<hbm>>
    %dma_start3A_893 = arith.constant 0 : i32
    %dma_start3A_894 = tpu.memref_slice %arg4[%add3A_885, %dma_start3A_893] : memref<425984x32xf32, #tpu.memory_space<hbm>> -> memref<416x32xf32, #tpu.memory_space<hbm>>
    %dma_start3A_895 = arith.constant 0 : i32
    %dma_start3A_896 = arith.constant 0 : i32
    %dma_start3A_897 = tpu.memref_slice %arg6[%dma_start3A_886, %dma_start3A_895, %dma_start3A_896] : memref<8x416x32xf32, #tpu.memory_space<vmem>> -> memref<1x416x32xf32, #tpu.memory_space<vmem>>
    %dma_start3A_898 = tpu.memref_squeeze %dma_start3A_897 : memref<1x416x32xf32, #tpu.memory_space<vmem>> -> memref<416x32xf32, #tpu.memory_space<vmem>>
    tpu.enqueue_dma source(%dma_start3A_898 : memref<416x32xf32, #tpu.memory_space<vmem>>) target(%dma_start3A_894 : memref<416x32xf32, #tpu.memory_space<hbm>>) target_semaphore(%arg16 : memref<!tpu.dma_semaphore, #tpu.memory_space<semaphore_mem>>)
    %dma_wait3A_899 = arith.constant 0 : i32
    %dma_wait3A_900 = arith.constant 0 : i32
    %dma_wait3A_901 = arith.constant 0 : i32
    %dma_wait3A_902 = tpu.memref_slice %arg6[%dma_wait3A_899, %dma_wait3A_900, %dma_wait3A_901] : memref<8x416x32xf32, #tpu.memory_space<vmem>> -> memref<1x416x32xf32, #tpu.memory_space<vmem>>
    %dma_wait3A_903 = tpu.memref_squeeze %dma_wait3A_902 : memref<1x416x32xf32, #tpu.memory_space<vmem>> -> memref<416x32xf32, #tpu.memory_space<vmem>>
    %dma_wait3A_904 = arith.constant 0 : i32
    %dma_wait3A_905 = tpu.memref_slice %arg4[%add3A_837, %dma_wait3A_904] : memref<425984x32xf32, #tpu.memory_space<hbm>> -> memref<416x32xf32, #tpu.memory_space<hbm>>
    %dma_wait3A_906 = arith.constant 0 : i32
    %dma_wait3A_907 = tpu.memref_slice %arg4[%add3A_837, %dma_wait3A_906] : memref<425984x32xf32, #tpu.memory_space<hbm>> -> memref<416x32xf32, #tpu.memory_space<hbm>>
    %dma_wait3A_908 = arith.constant 0 : i32
    %dma_wait3A_909 = arith.constant 0 : i32
    %dma_wait3A_910 = tpu.memref_slice %arg6[%dma_wait3A_899, %dma_wait3A_908, %dma_wait3A_909] : memref<8x416x32xf32, #tpu.memory_space<vmem>> -> memref<1x416x32xf32, #tpu.memory_space<vmem>>
    %dma_wait3A_911 = tpu.memref_squeeze %dma_wait3A_910 : memref<1x416x32xf32, #tpu.memory_space<vmem>> -> memref<416x32xf32, #tpu.memory_space<vmem>>
    tpu.wait_dma2 semaphore(%arg15 : memref<!tpu.dma_semaphore, #tpu.memory_space<semaphore_mem>>) src(%dma_wait3A_911 : memref<416x32xf32, #tpu.memory_space<vmem>>) dst(%dma_wait3A_907 : memref<416x32xf32, #tpu.memory_space<hbm>>)
    %dma_start3A_912 = arith.constant 0 : i32
    %dma_start3A_913 = arith.constant 0 : i32
    %dma_start3A_914 = arith.constant 0 : i32
    %dma_start3A_915 = tpu.memref_slice %arg6[%dma_start3A_912, %dma_start3A_913, %dma_start3A_914] : memref<8x416x32xf32, #tpu.memory_space<vmem>> -> memref<1x416x32xf32, #tpu.memory_space<vmem>>
    %dma_start3A_916 = tpu.memref_squeeze %dma_start3A_915 : memref<1x416x32xf32, #tpu.memory_space<vmem>> -> memref<416x32xf32, #tpu.memory_space<vmem>>
    %dma_start3A_917 = arith.constant 9984 : i32
    %dma_start3A_918 = tpu.memref_slice %arg5[%dma_start3A_917] : memref<13312xi32, #tpu.memory_space<vmem>> -> memref<416xi32, #tpu.memory_space<vmem>>
    %dma_start3A_919 = arith.constant 0 : i32
    %dma_start3A_920 = arith.constant 0 : i32
    %dma_start3A_921 = tpu.memref_slice %arg2[%dma_start3A_919, %dma_start3A_920] : memref<1000000x32xf32, #tpu.memory_space<hbm>> -> memref<1000000x32xf32, #tpu.memory_space<hbm>>
    tpu.enqueue_indirect_dma source(%dma_start3A_921 : memref<1000000x32xf32, #tpu.memory_space<hbm>>) target(%dma_start3A_916 : memref<416x32xf32, #tpu.memory_space<vmem>>) offsets(%dma_start3A_918 : memref<416xi32, #tpu.memory_space<vmem>>) semaphore(%arg7 : memref<!tpu.dma_semaphore, #tpu.memory_space<semaphore_mem>>)
    %dma_wait3A_922 = arith.constant 2 : i32
    %dma_wait3A_923 = arith.constant 0 : i32
    %dma_wait3A_924 = arith.constant 0 : i32
    %dma_wait3A_925 = tpu.memref_slice %arg6[%dma_wait3A_922, %dma_wait3A_923, %dma_wait3A_924] : memref<8x416x32xf32, #tpu.memory_space<vmem>> -> memref<1x416x32xf32, #tpu.memory_space<vmem>>
    %dma_wait3A_926 = tpu.memref_squeeze %dma_wait3A_925 : memref<1x416x32xf32, #tpu.memory_space<vmem>> -> memref<416x32xf32, #tpu.memory_space<vmem>>
    %dma_wait3A_927 = arith.constant 7488 : i32
    %dma_wait3A_928 = tpu.memref_slice %arg5[%dma_wait3A_927] : memref<13312xi32, #tpu.memory_space<vmem>> -> memref<416xi32, #tpu.memory_space<vmem>>
    %dma_wait3A_929 = arith.constant 0 : i32
    %dma_wait3A_930 = arith.constant 0 : i32
    %dma_wait3A_931 = tpu.memref_slice %arg2[%dma_wait3A_929, %dma_wait3A_930] : memref<1000000x32xf32, #tpu.memory_space<hbm>> -> memref<1000000x32xf32, #tpu.memory_space<hbm>>
    tpu.wait_indirect_dma semaphore(%arg9 : memref<!tpu.dma_semaphore, #tpu.memory_space<semaphore_mem>>) src(%dma_wait3A_931 : memref<1000000x32xf32, #tpu.memory_space<hbm>>) dst(%dma_wait3A_926 : memref<416x32xf32, #tpu.memory_space<vmem>>)
    %add3A_932 = arith.constant 7488 : i32
    %add3A_933 = arith.addi %mul3A_2, %add3A_932 : i32
    %dma_start3A_934 = arith.constant 2 : i32
    %dma_start3A_935 = arith.constant 0 : i32
    %dma_start3A_936 = arith.constant 0 : i32
    %dma_start3A_937 = tpu.memref_slice %arg6[%dma_start3A_934, %dma_start3A_935, %dma_start3A_936] : memref<8x416x32xf32, #tpu.memory_space<vmem>> -> memref<1x416x32xf32, #tpu.memory_space<vmem>>
    %dma_start3A_938 = tpu.memref_squeeze %dma_start3A_937 : memref<1x416x32xf32, #tpu.memory_space<vmem>> -> memref<416x32xf32, #tpu.memory_space<vmem>>
    %dma_start3A_939 = arith.constant 0 : i32
    %dma_start3A_940 = tpu.memref_slice %arg4[%add3A_933, %dma_start3A_939] : memref<425984x32xf32, #tpu.memory_space<hbm>> -> memref<416x32xf32, #tpu.memory_space<hbm>>
    %dma_start3A_941 = arith.constant 0 : i32
    %dma_start3A_942 = tpu.memref_slice %arg4[%add3A_933, %dma_start3A_941] : memref<425984x32xf32, #tpu.memory_space<hbm>> -> memref<416x32xf32, #tpu.memory_space<hbm>>
    %dma_start3A_943 = arith.constant 0 : i32
    %dma_start3A_944 = arith.constant 0 : i32
    %dma_start3A_945 = tpu.memref_slice %arg6[%dma_start3A_934, %dma_start3A_943, %dma_start3A_944] : memref<8x416x32xf32, #tpu.memory_space<vmem>> -> memref<1x416x32xf32, #tpu.memory_space<vmem>>
    %dma_start3A_946 = tpu.memref_squeeze %dma_start3A_945 : memref<1x416x32xf32, #tpu.memory_space<vmem>> -> memref<416x32xf32, #tpu.memory_space<vmem>>
    tpu.enqueue_dma source(%dma_start3A_946 : memref<416x32xf32, #tpu.memory_space<vmem>>) target(%dma_start3A_942 : memref<416x32xf32, #tpu.memory_space<hbm>>) target_semaphore(%arg17 : memref<!tpu.dma_semaphore, #tpu.memory_space<semaphore_mem>>)
    %dma_wait3A_947 = arith.constant 1 : i32
    %dma_wait3A_948 = arith.constant 0 : i32
    %dma_wait3A_949 = arith.constant 0 : i32
    %dma_wait3A_950 = tpu.memref_slice %arg6[%dma_wait3A_947, %dma_wait3A_948, %dma_wait3A_949] : memref<8x416x32xf32, #tpu.memory_space<vmem>> -> memref<1x416x32xf32, #tpu.memory_space<vmem>>
    %dma_wait3A_951 = tpu.memref_squeeze %dma_wait3A_950 : memref<1x416x32xf32, #tpu.memory_space<vmem>> -> memref<416x32xf32, #tpu.memory_space<vmem>>
    %dma_wait3A_952 = arith.constant 0 : i32
    %dma_wait3A_953 = tpu.memref_slice %arg4[%add3A_885, %dma_wait3A_952] : memref<425984x32xf32, #tpu.memory_space<hbm>> -> memref<416x32xf32, #tpu.memory_space<hbm>>
    %dma_wait3A_954 = arith.constant 0 : i32
    %dma_wait3A_955 = tpu.memref_slice %arg4[%add3A_885, %dma_wait3A_954] : memref<425984x32xf32, #tpu.memory_space<hbm>> -> memref<416x32xf32, #tpu.memory_space<hbm>>
    %dma_wait3A_956 = arith.constant 0 : i32
    %dma_wait3A_957 = arith.constant 0 : i32
    %dma_wait3A_958 = tpu.memref_slice %arg6[%dma_wait3A_947, %dma_wait3A_956, %dma_wait3A_957] : memref<8x416x32xf32, #tpu.memory_space<vmem>> -> memref<1x416x32xf32, #tpu.memory_space<vmem>>
    %dma_wait3A_959 = tpu.memref_squeeze %dma_wait3A_958 : memref<1x416x32xf32, #tpu.memory_space<vmem>> -> memref<416x32xf32, #tpu.memory_space<vmem>>
    tpu.wait_dma2 semaphore(%arg16 : memref<!tpu.dma_semaphore, #tpu.memory_space<semaphore_mem>>) src(%dma_wait3A_959 : memref<416x32xf32, #tpu.memory_space<vmem>>) dst(%dma_wait3A_955 : memref<416x32xf32, #tpu.memory_space<hbm>>)
    %dma_start3A_960 = arith.constant 1 : i32
    %dma_start3A_961 = arith.constant 0 : i32
    %dma_start3A_962 = arith.constant 0 : i32
    %dma_start3A_963 = tpu.memref_slice %arg6[%dma_start3A_960, %dma_start3A_961, %dma_start3A_962] : memref<8x416x32xf32, #tpu.memory_space<vmem>> -> memref<1x416x32xf32, #tpu.memory_space<vmem>>
    %dma_start3A_964 = tpu.memref_squeeze %dma_start3A_963 : memref<1x416x32xf32, #tpu.memory_space<vmem>> -> memref<416x32xf32, #tpu.memory_space<vmem>>
    %dma_start3A_965 = arith.constant 10400 : i32
    %dma_start3A_966 = tpu.memref_slice %arg5[%dma_start3A_965] : memref<13312xi32, #tpu.memory_space<vmem>> -> memref<416xi32, #tpu.memory_space<vmem>>
    %dma_start3A_967 = arith.constant 0 : i32
    %dma_start3A_968 = arith.constant 0 : i32
    %dma_start3A_969 = tpu.memref_slice %arg2[%dma_start3A_967, %dma_start3A_968] : memref<1000000x32xf32, #tpu.memory_space<hbm>> -> memref<1000000x32xf32, #tpu.memory_space<hbm>>
    tpu.enqueue_indirect_dma source(%dma_start3A_969 : memref<1000000x32xf32, #tpu.memory_space<hbm>>) target(%dma_start3A_964 : memref<416x32xf32, #tpu.memory_space<vmem>>) offsets(%dma_start3A_966 : memref<416xi32, #tpu.memory_space<vmem>>) semaphore(%arg8 : memref<!tpu.dma_semaphore, #tpu.memory_space<semaphore_mem>>)
    %dma_wait3A_970 = arith.constant 3 : i32
    %dma_wait3A_971 = arith.constant 0 : i32
    %dma_wait3A_972 = arith.constant 0 : i32
    %dma_wait3A_973 = tpu.memref_slice %arg6[%dma_wait3A_970, %dma_wait3A_971, %dma_wait3A_972] : memref<8x416x32xf32, #tpu.memory_space<vmem>> -> memref<1x416x32xf32, #tpu.memory_space<vmem>>
    %dma_wait3A_974 = tpu.memref_squeeze %dma_wait3A_973 : memref<1x416x32xf32, #tpu.memory_space<vmem>> -> memref<416x32xf32, #tpu.memory_space<vmem>>
    %dma_wait3A_975 = arith.constant 7904 : i32
    %dma_wait3A_976 = tpu.memref_slice %arg5[%dma_wait3A_975] : memref<13312xi32, #tpu.memory_space<vmem>> -> memref<416xi32, #tpu.memory_space<vmem>>
    %dma_wait3A_977 = arith.constant 0 : i32
    %dma_wait3A_978 = arith.constant 0 : i32
    %dma_wait3A_979 = tpu.memref_slice %arg2[%dma_wait3A_977, %dma_wait3A_978] : memref<1000000x32xf32, #tpu.memory_space<hbm>> -> memref<1000000x32xf32, #tpu.memory_space<hbm>>
    tpu.wait_indirect_dma semaphore(%arg10 : memref<!tpu.dma_semaphore, #tpu.memory_space<semaphore_mem>>) src(%dma_wait3A_979 : memref<1000000x32xf32, #tpu.memory_space<hbm>>) dst(%dma_wait3A_974 : memref<416x32xf32, #tpu.memory_space<vmem>>)
    %add3A_980 = arith.constant 7904 : i32
    %add3A_981 = arith.addi %mul3A_2, %add3A_980 : i32
    %dma_start3A_982 = arith.constant 3 : i32
    %dma_start3A_983 = arith.constant 0 : i32
    %dma_start3A_984 = arith.constant 0 : i32
    %dma_start3A_985 = tpu.memref_slice %arg6[%dma_start3A_982, %dma_start3A_983, %dma_start3A_984] : memref<8x416x32xf32, #tpu.memory_space<vmem>> -> memref<1x416x32xf32, #tpu.memory_space<vmem>>
    %dma_start3A_986 = tpu.memref_squeeze %dma_start3A_985 : memref<1x416x32xf32, #tpu.memory_space<vmem>> -> memref<416x32xf32, #tpu.memory_space<vmem>>
    %dma_start3A_987 = arith.constant 0 : i32
    %dma_start3A_988 = tpu.memref_slice %arg4[%add3A_981, %dma_start3A_987] : memref<425984x32xf32, #tpu.memory_space<hbm>> -> memref<416x32xf32, #tpu.memory_space<hbm>>
    %dma_start3A_989 = arith.constant 0 : i32
    %dma_start3A_990 = tpu.memref_slice %arg4[%add3A_981, %dma_start3A_989] : memref<425984x32xf32, #tpu.memory_space<hbm>> -> memref<416x32xf32, #tpu.memory_space<hbm>>
    %dma_start3A_991 = arith.constant 0 : i32
    %dma_start3A_992 = arith.constant 0 : i32
    %dma_start3A_993 = tpu.memref_slice %arg6[%dma_start3A_982, %dma_start3A_991, %dma_start3A_992] : memref<8x416x32xf32, #tpu.memory_space<vmem>> -> memref<1x416x32xf32, #tpu.memory_space<vmem>>
    %dma_start3A_994 = tpu.memref_squeeze %dma_start3A_993 : memref<1x416x32xf32, #tpu.memory_space<vmem>> -> memref<416x32xf32, #tpu.memory_space<vmem>>
    tpu.enqueue_dma source(%dma_start3A_994 : memref<416x32xf32, #tpu.memory_space<vmem>>) target(%dma_start3A_990 : memref<416x32xf32, #tpu.memory_space<hbm>>) target_semaphore(%arg18 : memref<!tpu.dma_semaphore, #tpu.memory_space<semaphore_mem>>)
    %dma_wait3A_995 = arith.constant 2 : i32
    %dma_wait3A_996 = arith.constant 0 : i32
    %dma_wait3A_997 = arith.constant 0 : i32
    %dma_wait3A_998 = tpu.memref_slice %arg6[%dma_wait3A_995, %dma_wait3A_996, %dma_wait3A_997] : memref<8x416x32xf32, #tpu.memory_space<vmem>> -> memref<1x416x32xf32, #tpu.memory_space<vmem>>
    %dma_wait3A_999 = tpu.memref_squeeze %dma_wait3A_998 : memref<1x416x32xf32, #tpu.memory_space<vmem>> -> memref<416x32xf32, #tpu.memory_space<vmem>>
    %dma_wait3A_1000 = arith.constant 0 : i32
    %dma_wait3A_1001 = tpu.memref_slice %arg4[%add3A_933, %dma_wait3A_1000] : memref<425984x32xf32, #tpu.memory_space<hbm>> -> memref<416x32xf32, #tpu.memory_space<hbm>>
    %dma_wait3A_1002 = arith.constant 0 : i32
    %dma_wait3A_1003 = tpu.memref_slice %arg4[%add3A_933, %dma_wait3A_1002] : memref<425984x32xf32, #tpu.memory_space<hbm>> -> memref<416x32xf32, #tpu.memory_space<hbm>>
    %dma_wait3A_1004 = arith.constant 0 : i32
    %dma_wait3A_1005 = arith.constant 0 : i32
    %dma_wait3A_1006 = tpu.memref_slice %arg6[%dma_wait3A_995, %dma_wait3A_1004, %dma_wait3A_1005] : memref<8x416x32xf32, #tpu.memory_space<vmem>> -> memref<1x416x32xf32, #tpu.memory_space<vmem>>
    %dma_wait3A_1007 = tpu.memref_squeeze %dma_wait3A_1006 : memref<1x416x32xf32, #tpu.memory_space<vmem>> -> memref<416x32xf32, #tpu.memory_space<vmem>>
    tpu.wait_dma2 semaphore(%arg17 : memref<!tpu.dma_semaphore, #tpu.memory_space<semaphore_mem>>) src(%dma_wait3A_1007 : memref<416x32xf32, #tpu.memory_space<vmem>>) dst(%dma_wait3A_1003 : memref<416x32xf32, #tpu.memory_space<hbm>>)
    %dma_start3A_1008 = arith.constant 2 : i32
    %dma_start3A_1009 = arith.constant 0 : i32
    %dma_start3A_1010 = arith.constant 0 : i32
    %dma_start3A_1011 = tpu.memref_slice %arg6[%dma_start3A_1008, %dma_start3A_1009, %dma_start3A_1010] : memref<8x416x32xf32, #tpu.memory_space<vmem>> -> memref<1x416x32xf32, #tpu.memory_space<vmem>>
    %dma_start3A_1012 = tpu.memref_squeeze %dma_start3A_1011 : memref<1x416x32xf32, #tpu.memory_space<vmem>> -> memref<416x32xf32, #tpu.memory_space<vmem>>
    %dma_start3A_1013 = arith.constant 10816 : i32
    %dma_start3A_1014 = tpu.memref_slice %arg5[%dma_start3A_1013] : memref<13312xi32, #tpu.memory_space<vmem>> -> memref<416xi32, #tpu.memory_space<vmem>>
    %dma_start3A_1015 = arith.constant 0 : i32
    %dma_start3A_1016 = arith.constant 0 : i32
    %dma_start3A_1017 = tpu.memref_slice %arg2[%dma_start3A_1015, %dma_start3A_1016] : memref<1000000x32xf32, #tpu.memory_space<hbm>> -> memref<1000000x32xf32, #tpu.memory_space<hbm>>
    tpu.enqueue_indirect_dma source(%dma_start3A_1017 : memref<1000000x32xf32, #tpu.memory_space<hbm>>) target(%dma_start3A_1012 : memref<416x32xf32, #tpu.memory_space<vmem>>) offsets(%dma_start3A_1014 : memref<416xi32, #tpu.memory_space<vmem>>) semaphore(%arg9 : memref<!tpu.dma_semaphore, #tpu.memory_space<semaphore_mem>>)
    %dma_wait3A_1018 = arith.constant 4 : i32
    %dma_wait3A_1019 = arith.constant 0 : i32
    %dma_wait3A_1020 = arith.constant 0 : i32
    %dma_wait3A_1021 = tpu.memref_slice %arg6[%dma_wait3A_1018, %dma_wait3A_1019, %dma_wait3A_1020] : memref<8x416x32xf32, #tpu.memory_space<vmem>> -> memref<1x416x32xf32, #tpu.memory_space<vmem>>
    %dma_wait3A_1022 = tpu.memref_squeeze %dma_wait3A_1021 : memref<1x416x32xf32, #tpu.memory_space<vmem>> -> memref<416x32xf32, #tpu.memory_space<vmem>>
    %dma_wait3A_1023 = arith.constant 8320 : i32
    %dma_wait3A_1024 = tpu.memref_slice %arg5[%dma_wait3A_1023] : memref<13312xi32, #tpu.memory_space<vmem>> -> memref<416xi32, #tpu.memory_space<vmem>>
    %dma_wait3A_1025 = arith.constant 0 : i32
    %dma_wait3A_1026 = arith.constant 0 : i32
    %dma_wait3A_1027 = tpu.memref_slice %arg2[%dma_wait3A_1025, %dma_wait3A_1026] : memref<1000000x32xf32, #tpu.memory_space<hbm>> -> memref<1000000x32xf32, #tpu.memory_space<hbm>>
    tpu.wait_indirect_dma semaphore(%arg11 : memref<!tpu.dma_semaphore, #tpu.memory_space<semaphore_mem>>) src(%dma_wait3A_1027 : memref<1000000x32xf32, #tpu.memory_space<hbm>>) dst(%dma_wait3A_1022 : memref<416x32xf32, #tpu.memory_space<vmem>>)
    %add3A_1028 = arith.constant 8320 : i32
    %add3A_1029 = arith.addi %mul3A_2, %add3A_1028 : i32
    %dma_start3A_1030 = arith.constant 4 : i32
    %dma_start3A_1031 = arith.constant 0 : i32
    %dma_start3A_1032 = arith.constant 0 : i32
    %dma_start3A_1033 = tpu.memref_slice %arg6[%dma_start3A_1030, %dma_start3A_1031, %dma_start3A_1032] : memref<8x416x32xf32, #tpu.memory_space<vmem>> -> memref<1x416x32xf32, #tpu.memory_space<vmem>>
    %dma_start3A_1034 = tpu.memref_squeeze %dma_start3A_1033 : memref<1x416x32xf32, #tpu.memory_space<vmem>> -> memref<416x32xf32, #tpu.memory_space<vmem>>
    %dma_start3A_1035 = arith.constant 0 : i32
    %dma_start3A_1036 = tpu.memref_slice %arg4[%add3A_1029, %dma_start3A_1035] : memref<425984x32xf32, #tpu.memory_space<hbm>> -> memref<416x32xf32, #tpu.memory_space<hbm>>
    %dma_start3A_1037 = arith.constant 0 : i32
    %dma_start3A_1038 = tpu.memref_slice %arg4[%add3A_1029, %dma_start3A_1037] : memref<425984x32xf32, #tpu.memory_space<hbm>> -> memref<416x32xf32, #tpu.memory_space<hbm>>
    %dma_start3A_1039 = arith.constant 0 : i32
    %dma_start3A_1040 = arith.constant 0 : i32
    %dma_start3A_1041 = tpu.memref_slice %arg6[%dma_start3A_1030, %dma_start3A_1039, %dma_start3A_1040] : memref<8x416x32xf32, #tpu.memory_space<vmem>> -> memref<1x416x32xf32, #tpu.memory_space<vmem>>
    %dma_start3A_1042 = tpu.memref_squeeze %dma_start3A_1041 : memref<1x416x32xf32, #tpu.memory_space<vmem>> -> memref<416x32xf32, #tpu.memory_space<vmem>>
    tpu.enqueue_dma source(%dma_start3A_1042 : memref<416x32xf32, #tpu.memory_space<vmem>>) target(%dma_start3A_1038 : memref<416x32xf32, #tpu.memory_space<hbm>>) target_semaphore(%arg19 : memref<!tpu.dma_semaphore, #tpu.memory_space<semaphore_mem>>)
    %dma_wait3A_1043 = arith.constant 3 : i32
    %dma_wait3A_1044 = arith.constant 0 : i32
    %dma_wait3A_1045 = arith.constant 0 : i32
    %dma_wait3A_1046 = tpu.memref_slice %arg6[%dma_wait3A_1043, %dma_wait3A_1044, %dma_wait3A_1045] : memref<8x416x32xf32, #tpu.memory_space<vmem>> -> memref<1x416x32xf32, #tpu.memory_space<vmem>>
    %dma_wait3A_1047 = tpu.memref_squeeze %dma_wait3A_1046 : memref<1x416x32xf32, #tpu.memory_space<vmem>> -> memref<416x32xf32, #tpu.memory_space<vmem>>
    %dma_wait3A_1048 = arith.constant 0 : i32
    %dma_wait3A_1049 = tpu.memref_slice %arg4[%add3A_981, %dma_wait3A_1048] : memref<425984x32xf32, #tpu.memory_space<hbm>> -> memref<416x32xf32, #tpu.memory_space<hbm>>
    %dma_wait3A_1050 = arith.constant 0 : i32
    %dma_wait3A_1051 = tpu.memref_slice %arg4[%add3A_981, %dma_wait3A_1050] : memref<425984x32xf32, #tpu.memory_space<hbm>> -> memref<416x32xf32, #tpu.memory_space<hbm>>
    %dma_wait3A_1052 = arith.constant 0 : i32
    %dma_wait3A_1053 = arith.constant 0 : i32
    %dma_wait3A_1054 = tpu.memref_slice %arg6[%dma_wait3A_1043, %dma_wait3A_1052, %dma_wait3A_1053] : memref<8x416x32xf32, #tpu.memory_space<vmem>> -> memref<1x416x32xf32, #tpu.memory_space<vmem>>
    %dma_wait3A_1055 = tpu.memref_squeeze %dma_wait3A_1054 : memref<1x416x32xf32, #tpu.memory_space<vmem>> -> memref<416x32xf32, #tpu.memory_space<vmem>>
    tpu.wait_dma2 semaphore(%arg18 : memref<!tpu.dma_semaphore, #tpu.memory_space<semaphore_mem>>) src(%dma_wait3A_1055 : memref<416x32xf32, #tpu.memory_space<vmem>>) dst(%dma_wait3A_1051 : memref<416x32xf32, #tpu.memory_space<hbm>>)
    %dma_start3A_1056 = arith.constant 3 : i32
    %dma_start3A_1057 = arith.constant 0 : i32
    %dma_start3A_1058 = arith.constant 0 : i32
    %dma_start3A_1059 = tpu.memref_slice %arg6[%dma_start3A_1056, %dma_start3A_1057, %dma_start3A_1058] : memref<8x416x32xf32, #tpu.memory_space<vmem>> -> memref<1x416x32xf32, #tpu.memory_space<vmem>>
    %dma_start3A_1060 = tpu.memref_squeeze %dma_start3A_1059 : memref<1x416x32xf32, #tpu.memory_space<vmem>> -> memref<416x32xf32, #tpu.memory_space<vmem>>
    %dma_start3A_1061 = arith.constant 11232 : i32
    %dma_start3A_1062 = tpu.memref_slice %arg5[%dma_start3A_1061] : memref<13312xi32, #tpu.memory_space<vmem>> -> memref<416xi32, #tpu.memory_space<vmem>>
    %dma_start3A_1063 = arith.constant 0 : i32
    %dma_start3A_1064 = arith.constant 0 : i32
    %dma_start3A_1065 = tpu.memref_slice %arg2[%dma_start3A_1063, %dma_start3A_1064] : memref<1000000x32xf32, #tpu.memory_space<hbm>> -> memref<1000000x32xf32, #tpu.memory_space<hbm>>
    tpu.enqueue_indirect_dma source(%dma_start3A_1065 : memref<1000000x32xf32, #tpu.memory_space<hbm>>) target(%dma_start3A_1060 : memref<416x32xf32, #tpu.memory_space<vmem>>) offsets(%dma_start3A_1062 : memref<416xi32, #tpu.memory_space<vmem>>) semaphore(%arg10 : memref<!tpu.dma_semaphore, #tpu.memory_space<semaphore_mem>>)
    %dma_wait3A_1066 = arith.constant 5 : i32
    %dma_wait3A_1067 = arith.constant 0 : i32
    %dma_wait3A_1068 = arith.constant 0 : i32
    %dma_wait3A_1069 = tpu.memref_slice %arg6[%dma_wait3A_1066, %dma_wait3A_1067, %dma_wait3A_1068] : memref<8x416x32xf32, #tpu.memory_space<vmem>> -> memref<1x416x32xf32, #tpu.memory_space<vmem>>
    %dma_wait3A_1070 = tpu.memref_squeeze %dma_wait3A_1069 : memref<1x416x32xf32, #tpu.memory_space<vmem>> -> memref<416x32xf32, #tpu.memory_space<vmem>>
    %dma_wait3A_1071 = arith.constant 8736 : i32
    %dma_wait3A_1072 = tpu.memref_slice %arg5[%dma_wait3A_1071] : memref<13312xi32, #tpu.memory_space<vmem>> -> memref<416xi32, #tpu.memory_space<vmem>>
    %dma_wait3A_1073 = arith.constant 0 : i32
    %dma_wait3A_1074 = arith.constant 0 : i32
    %dma_wait3A_1075 = tpu.memref_slice %arg2[%dma_wait3A_1073, %dma_wait3A_1074] : memref<1000000x32xf32, #tpu.memory_space<hbm>> -> memref<1000000x32xf32, #tpu.memory_space<hbm>>
    tpu.wait_indirect_dma semaphore(%arg12 : memref<!tpu.dma_semaphore, #tpu.memory_space<semaphore_mem>>) src(%dma_wait3A_1075 : memref<1000000x32xf32, #tpu.memory_space<hbm>>) dst(%dma_wait3A_1070 : memref<416x32xf32, #tpu.memory_space<vmem>>)
    %add3A_1076 = arith.constant 8736 : i32
    %add3A_1077 = arith.addi %mul3A_2, %add3A_1076 : i32
    %dma_start3A_1078 = arith.constant 5 : i32
    %dma_start3A_1079 = arith.constant 0 : i32
    %dma_start3A_1080 = arith.constant 0 : i32
    %dma_start3A_1081 = tpu.memref_slice %arg6[%dma_start3A_1078, %dma_start3A_1079, %dma_start3A_1080] : memref<8x416x32xf32, #tpu.memory_space<vmem>> -> memref<1x416x32xf32, #tpu.memory_space<vmem>>
    %dma_start3A_1082 = tpu.memref_squeeze %dma_start3A_1081 : memref<1x416x32xf32, #tpu.memory_space<vmem>> -> memref<416x32xf32, #tpu.memory_space<vmem>>
    %dma_start3A_1083 = arith.constant 0 : i32
    %dma_start3A_1084 = tpu.memref_slice %arg4[%add3A_1077, %dma_start3A_1083] : memref<425984x32xf32, #tpu.memory_space<hbm>> -> memref<416x32xf32, #tpu.memory_space<hbm>>
    %dma_start3A_1085 = arith.constant 0 : i32
    %dma_start3A_1086 = tpu.memref_slice %arg4[%add3A_1077, %dma_start3A_1085] : memref<425984x32xf32, #tpu.memory_space<hbm>> -> memref<416x32xf32, #tpu.memory_space<hbm>>
    %dma_start3A_1087 = arith.constant 0 : i32
    %dma_start3A_1088 = arith.constant 0 : i32
    %dma_start3A_1089 = tpu.memref_slice %arg6[%dma_start3A_1078, %dma_start3A_1087, %dma_start3A_1088] : memref<8x416x32xf32, #tpu.memory_space<vmem>> -> memref<1x416x32xf32, #tpu.memory_space<vmem>>
    %dma_start3A_1090 = tpu.memref_squeeze %dma_start3A_1089 : memref<1x416x32xf32, #tpu.memory_space<vmem>> -> memref<416x32xf32, #tpu.memory_space<vmem>>
    tpu.enqueue_dma source(%dma_start3A_1090 : memref<416x32xf32, #tpu.memory_space<vmem>>) target(%dma_start3A_1086 : memref<416x32xf32, #tpu.memory_space<hbm>>) target_semaphore(%arg20 : memref<!tpu.dma_semaphore, #tpu.memory_space<semaphore_mem>>)
    %dma_wait3A_1091 = arith.constant 4 : i32
    %dma_wait3A_1092 = arith.constant 0 : i32
    %dma_wait3A_1093 = arith.constant 0 : i32
    %dma_wait3A_1094 = tpu.memref_slice %arg6[%dma_wait3A_1091, %dma_wait3A_1092, %dma_wait3A_1093] : memref<8x416x32xf32, #tpu.memory_space<vmem>> -> memref<1x416x32xf32, #tpu.memory_space<vmem>>
    %dma_wait3A_1095 = tpu.memref_squeeze %dma_wait3A_1094 : memref<1x416x32xf32, #tpu.memory_space<vmem>> -> memref<416x32xf32, #tpu.memory_space<vmem>>
    %dma_wait3A_1096 = arith.constant 0 : i32
    %dma_wait3A_1097 = tpu.memref_slice %arg4[%add3A_1029, %dma_wait3A_1096] : memref<425984x32xf32, #tpu.memory_space<hbm>> -> memref<416x32xf32, #tpu.memory_space<hbm>>
    %dma_wait3A_1098 = arith.constant 0 : i32
    %dma_wait3A_1099 = tpu.memref_slice %arg4[%add3A_1029, %dma_wait3A_1098] : memref<425984x32xf32, #tpu.memory_space<hbm>> -> memref<416x32xf32, #tpu.memory_space<hbm>>
    %dma_wait3A_1100 = arith.constant 0 : i32
    %dma_wait3A_1101 = arith.constant 0 : i32
    %dma_wait3A_1102 = tpu.memref_slice %arg6[%dma_wait3A_1091, %dma_wait3A_1100, %dma_wait3A_1101] : memref<8x416x32xf32, #tpu.memory_space<vmem>> -> memref<1x416x32xf32, #tpu.memory_space<vmem>>
    %dma_wait3A_1103 = tpu.memref_squeeze %dma_wait3A_1102 : memref<1x416x32xf32, #tpu.memory_space<vmem>> -> memref<416x32xf32, #tpu.memory_space<vmem>>
    tpu.wait_dma2 semaphore(%arg19 : memref<!tpu.dma_semaphore, #tpu.memory_space<semaphore_mem>>) src(%dma_wait3A_1103 : memref<416x32xf32, #tpu.memory_space<vmem>>) dst(%dma_wait3A_1099 : memref<416x32xf32, #tpu.memory_space<hbm>>)
    %dma_start3A_1104 = arith.constant 4 : i32
    %dma_start3A_1105 = arith.constant 0 : i32
    %dma_start3A_1106 = arith.constant 0 : i32
    %dma_start3A_1107 = tpu.memref_slice %arg6[%dma_start3A_1104, %dma_start3A_1105, %dma_start3A_1106] : memref<8x416x32xf32, #tpu.memory_space<vmem>> -> memref<1x416x32xf32, #tpu.memory_space<vmem>>
    %dma_start3A_1108 = tpu.memref_squeeze %dma_start3A_1107 : memref<1x416x32xf32, #tpu.memory_space<vmem>> -> memref<416x32xf32, #tpu.memory_space<vmem>>
    %dma_start3A_1109 = arith.constant 11648 : i32
    %dma_start3A_1110 = tpu.memref_slice %arg5[%dma_start3A_1109] : memref<13312xi32, #tpu.memory_space<vmem>> -> memref<416xi32, #tpu.memory_space<vmem>>
    %dma_start3A_1111 = arith.constant 0 : i32
    %dma_start3A_1112 = arith.constant 0 : i32
    %dma_start3A_1113 = tpu.memref_slice %arg2[%dma_start3A_1111, %dma_start3A_1112] : memref<1000000x32xf32, #tpu.memory_space<hbm>> -> memref<1000000x32xf32, #tpu.memory_space<hbm>>
    tpu.enqueue_indirect_dma source(%dma_start3A_1113 : memref<1000000x32xf32, #tpu.memory_space<hbm>>) target(%dma_start3A_1108 : memref<416x32xf32, #tpu.memory_space<vmem>>) offsets(%dma_start3A_1110 : memref<416xi32, #tpu.memory_space<vmem>>) semaphore(%arg11 : memref<!tpu.dma_semaphore, #tpu.memory_space<semaphore_mem>>)
    %dma_wait3A_1114 = arith.constant 6 : i32
    %dma_wait3A_1115 = arith.constant 0 : i32
    %dma_wait3A_1116 = arith.constant 0 : i32
    %dma_wait3A_1117 = tpu.memref_slice %arg6[%dma_wait3A_1114, %dma_wait3A_1115, %dma_wait3A_1116] : memref<8x416x32xf32, #tpu.memory_space<vmem>> -> memref<1x416x32xf32, #tpu.memory_space<vmem>>
    %dma_wait3A_1118 = tpu.memref_squeeze %dma_wait3A_1117 : memref<1x416x32xf32, #tpu.memory_space<vmem>> -> memref<416x32xf32, #tpu.memory_space<vmem>>
    %dma_wait3A_1119 = arith.constant 9152 : i32
    %dma_wait3A_1120 = tpu.memref_slice %arg5[%dma_wait3A_1119] : memref<13312xi32, #tpu.memory_space<vmem>> -> memref<416xi32, #tpu.memory_space<vmem>>
    %dma_wait3A_1121 = arith.constant 0 : i32
    %dma_wait3A_1122 = arith.constant 0 : i32
    %dma_wait3A_1123 = tpu.memref_slice %arg2[%dma_wait3A_1121, %dma_wait3A_1122] : memref<1000000x32xf32, #tpu.memory_space<hbm>> -> memref<1000000x32xf32, #tpu.memory_space<hbm>>
    tpu.wait_indirect_dma semaphore(%arg13 : memref<!tpu.dma_semaphore, #tpu.memory_space<semaphore_mem>>) src(%dma_wait3A_1123 : memref<1000000x32xf32, #tpu.memory_space<hbm>>) dst(%dma_wait3A_1118 : memref<416x32xf32, #tpu.memory_space<vmem>>)
    %add3A_1124 = arith.constant 9152 : i32
    %add3A_1125 = arith.addi %mul3A_2, %add3A_1124 : i32
    %dma_start3A_1126 = arith.constant 6 : i32
    %dma_start3A_1127 = arith.constant 0 : i32
    %dma_start3A_1128 = arith.constant 0 : i32
    %dma_start3A_1129 = tpu.memref_slice %arg6[%dma_start3A_1126, %dma_start3A_1127, %dma_start3A_1128] : memref<8x416x32xf32, #tpu.memory_space<vmem>> -> memref<1x416x32xf32, #tpu.memory_space<vmem>>
    %dma_start3A_1130 = tpu.memref_squeeze %dma_start3A_1129 : memref<1x416x32xf32, #tpu.memory_space<vmem>> -> memref<416x32xf32, #tpu.memory_space<vmem>>
    %dma_start3A_1131 = arith.constant 0 : i32
    %dma_start3A_1132 = tpu.memref_slice %arg4[%add3A_1125, %dma_start3A_1131] : memref<425984x32xf32, #tpu.memory_space<hbm>> -> memref<416x32xf32, #tpu.memory_space<hbm>>
    %dma_start3A_1133 = arith.constant 0 : i32
    %dma_start3A_1134 = tpu.memref_slice %arg4[%add3A_1125, %dma_start3A_1133] : memref<425984x32xf32, #tpu.memory_space<hbm>> -> memref<416x32xf32, #tpu.memory_space<hbm>>
    %dma_start3A_1135 = arith.constant 0 : i32
    %dma_start3A_1136 = arith.constant 0 : i32
    %dma_start3A_1137 = tpu.memref_slice %arg6[%dma_start3A_1126, %dma_start3A_1135, %dma_start3A_1136] : memref<8x416x32xf32, #tpu.memory_space<vmem>> -> memref<1x416x32xf32, #tpu.memory_space<vmem>>
    %dma_start3A_1138 = tpu.memref_squeeze %dma_start3A_1137 : memref<1x416x32xf32, #tpu.memory_space<vmem>> -> memref<416x32xf32, #tpu.memory_space<vmem>>
    tpu.enqueue_dma source(%dma_start3A_1138 : memref<416x32xf32, #tpu.memory_space<vmem>>) target(%dma_start3A_1134 : memref<416x32xf32, #tpu.memory_space<hbm>>) target_semaphore(%arg21 : memref<!tpu.dma_semaphore, #tpu.memory_space<semaphore_mem>>)
    %dma_wait3A_1139 = arith.constant 5 : i32
    %dma_wait3A_1140 = arith.constant 0 : i32
    %dma_wait3A_1141 = arith.constant 0 : i32
    %dma_wait3A_1142 = tpu.memref_slice %arg6[%dma_wait3A_1139, %dma_wait3A_1140, %dma_wait3A_1141] : memref<8x416x32xf32, #tpu.memory_space<vmem>> -> memref<1x416x32xf32, #tpu.memory_space<vmem>>
    %dma_wait3A_1143 = tpu.memref_squeeze %dma_wait3A_1142 : memref<1x416x32xf32, #tpu.memory_space<vmem>> -> memref<416x32xf32, #tpu.memory_space<vmem>>
    %dma_wait3A_1144 = arith.constant 0 : i32
    %dma_wait3A_1145 = tpu.memref_slice %arg4[%add3A_1077, %dma_wait3A_1144] : memref<425984x32xf32, #tpu.memory_space<hbm>> -> memref<416x32xf32, #tpu.memory_space<hbm>>
    %dma_wait3A_1146 = arith.constant 0 : i32
    %dma_wait3A_1147 = tpu.memref_slice %arg4[%add3A_1077, %dma_wait3A_1146] : memref<425984x32xf32, #tpu.memory_space<hbm>> -> memref<416x32xf32, #tpu.memory_space<hbm>>
    %dma_wait3A_1148 = arith.constant 0 : i32
    %dma_wait3A_1149 = arith.constant 0 : i32
    %dma_wait3A_1150 = tpu.memref_slice %arg6[%dma_wait3A_1139, %dma_wait3A_1148, %dma_wait3A_1149] : memref<8x416x32xf32, #tpu.memory_space<vmem>> -> memref<1x416x32xf32, #tpu.memory_space<vmem>>
    %dma_wait3A_1151 = tpu.memref_squeeze %dma_wait3A_1150 : memref<1x416x32xf32, #tpu.memory_space<vmem>> -> memref<416x32xf32, #tpu.memory_space<vmem>>
    tpu.wait_dma2 semaphore(%arg20 : memref<!tpu.dma_semaphore, #tpu.memory_space<semaphore_mem>>) src(%dma_wait3A_1151 : memref<416x32xf32, #tpu.memory_space<vmem>>) dst(%dma_wait3A_1147 : memref<416x32xf32, #tpu.memory_space<hbm>>)
    %dma_start3A_1152 = arith.constant 5 : i32
    %dma_start3A_1153 = arith.constant 0 : i32
    %dma_start3A_1154 = arith.constant 0 : i32
    %dma_start3A_1155 = tpu.memref_slice %arg6[%dma_start3A_1152, %dma_start3A_1153, %dma_start3A_1154] : memref<8x416x32xf32, #tpu.memory_space<vmem>> -> memref<1x416x32xf32, #tpu.memory_space<vmem>>
    %dma_start3A_1156 = tpu.memref_squeeze %dma_start3A_1155 : memref<1x416x32xf32, #tpu.memory_space<vmem>> -> memref<416x32xf32, #tpu.memory_space<vmem>>
    %dma_start3A_1157 = arith.constant 12064 : i32
    %dma_start3A_1158 = tpu.memref_slice %arg5[%dma_start3A_1157] : memref<13312xi32, #tpu.memory_space<vmem>> -> memref<416xi32, #tpu.memory_space<vmem>>
    %dma_start3A_1159 = arith.constant 0 : i32
    %dma_start3A_1160 = arith.constant 0 : i32
    %dma_start3A_1161 = tpu.memref_slice %arg2[%dma_start3A_1159, %dma_start3A_1160] : memref<1000000x32xf32, #tpu.memory_space<hbm>> -> memref<1000000x32xf32, #tpu.memory_space<hbm>>
    tpu.enqueue_indirect_dma source(%dma_start3A_1161 : memref<1000000x32xf32, #tpu.memory_space<hbm>>) target(%dma_start3A_1156 : memref<416x32xf32, #tpu.memory_space<vmem>>) offsets(%dma_start3A_1158 : memref<416xi32, #tpu.memory_space<vmem>>) semaphore(%arg12 : memref<!tpu.dma_semaphore, #tpu.memory_space<semaphore_mem>>)
    %dma_wait3A_1162 = arith.constant 7 : i32
    %dma_wait3A_1163 = arith.constant 0 : i32
    %dma_wait3A_1164 = arith.constant 0 : i32
    %dma_wait3A_1165 = tpu.memref_slice %arg6[%dma_wait3A_1162, %dma_wait3A_1163, %dma_wait3A_1164] : memref<8x416x32xf32, #tpu.memory_space<vmem>> -> memref<1x416x32xf32, #tpu.memory_space<vmem>>
    %dma_wait3A_1166 = tpu.memref_squeeze %dma_wait3A_1165 : memref<1x416x32xf32, #tpu.memory_space<vmem>> -> memref<416x32xf32, #tpu.memory_space<vmem>>
    %dma_wait3A_1167 = arith.constant 9568 : i32
    %dma_wait3A_1168 = tpu.memref_slice %arg5[%dma_wait3A_1167] : memref<13312xi32, #tpu.memory_space<vmem>> -> memref<416xi32, #tpu.memory_space<vmem>>
    %dma_wait3A_1169 = arith.constant 0 : i32
    %dma_wait3A_1170 = arith.constant 0 : i32
    %dma_wait3A_1171 = tpu.memref_slice %arg2[%dma_wait3A_1169, %dma_wait3A_1170] : memref<1000000x32xf32, #tpu.memory_space<hbm>> -> memref<1000000x32xf32, #tpu.memory_space<hbm>>
    tpu.wait_indirect_dma semaphore(%arg14 : memref<!tpu.dma_semaphore, #tpu.memory_space<semaphore_mem>>) src(%dma_wait3A_1171 : memref<1000000x32xf32, #tpu.memory_space<hbm>>) dst(%dma_wait3A_1166 : memref<416x32xf32, #tpu.memory_space<vmem>>)
    %add3A_1172 = arith.constant 9568 : i32
    %add3A_1173 = arith.addi %mul3A_2, %add3A_1172 : i32
    %dma_start3A_1174 = arith.constant 7 : i32
    %dma_start3A_1175 = arith.constant 0 : i32
    %dma_start3A_1176 = arith.constant 0 : i32
    %dma_start3A_1177 = tpu.memref_slice %arg6[%dma_start3A_1174, %dma_start3A_1175, %dma_start3A_1176] : memref<8x416x32xf32, #tpu.memory_space<vmem>> -> memref<1x416x32xf32, #tpu.memory_space<vmem>>
    %dma_start3A_1178 = tpu.memref_squeeze %dma_start3A_1177 : memref<1x416x32xf32, #tpu.memory_space<vmem>> -> memref<416x32xf32, #tpu.memory_space<vmem>>
    %dma_start3A_1179 = arith.constant 0 : i32
    %dma_start3A_1180 = tpu.memref_slice %arg4[%add3A_1173, %dma_start3A_1179] : memref<425984x32xf32, #tpu.memory_space<hbm>> -> memref<416x32xf32, #tpu.memory_space<hbm>>
    %dma_start3A_1181 = arith.constant 0 : i32
    %dma_start3A_1182 = tpu.memref_slice %arg4[%add3A_1173, %dma_start3A_1181] : memref<425984x32xf32, #tpu.memory_space<hbm>> -> memref<416x32xf32, #tpu.memory_space<hbm>>
    %dma_start3A_1183 = arith.constant 0 : i32
    %dma_start3A_1184 = arith.constant 0 : i32
    %dma_start3A_1185 = tpu.memref_slice %arg6[%dma_start3A_1174, %dma_start3A_1183, %dma_start3A_1184] : memref<8x416x32xf32, #tpu.memory_space<vmem>> -> memref<1x416x32xf32, #tpu.memory_space<vmem>>
    %dma_start3A_1186 = tpu.memref_squeeze %dma_start3A_1185 : memref<1x416x32xf32, #tpu.memory_space<vmem>> -> memref<416x32xf32, #tpu.memory_space<vmem>>
    tpu.enqueue_dma source(%dma_start3A_1186 : memref<416x32xf32, #tpu.memory_space<vmem>>) target(%dma_start3A_1182 : memref<416x32xf32, #tpu.memory_space<hbm>>) target_semaphore(%arg22 : memref<!tpu.dma_semaphore, #tpu.memory_space<semaphore_mem>>)
    %dma_wait3A_1187 = arith.constant 6 : i32
    %dma_wait3A_1188 = arith.constant 0 : i32
    %dma_wait3A_1189 = arith.constant 0 : i32
    %dma_wait3A_1190 = tpu.memref_slice %arg6[%dma_wait3A_1187, %dma_wait3A_1188, %dma_wait3A_1189] : memref<8x416x32xf32, #tpu.memory_space<vmem>> -> memref<1x416x32xf32, #tpu.memory_space<vmem>>
    %dma_wait3A_1191 = tpu.memref_squeeze %dma_wait3A_1190 : memref<1x416x32xf32, #tpu.memory_space<vmem>> -> memref<416x32xf32, #tpu.memory_space<vmem>>
    %dma_wait3A_1192 = arith.constant 0 : i32
    %dma_wait3A_1193 = tpu.memref_slice %arg4[%add3A_1125, %dma_wait3A_1192] : memref<425984x32xf32, #tpu.memory_space<hbm>> -> memref<416x32xf32, #tpu.memory_space<hbm>>
    %dma_wait3A_1194 = arith.constant 0 : i32
    %dma_wait3A_1195 = tpu.memref_slice %arg4[%add3A_1125, %dma_wait3A_1194] : memref<425984x32xf32, #tpu.memory_space<hbm>> -> memref<416x32xf32, #tpu.memory_space<hbm>>
    %dma_wait3A_1196 = arith.constant 0 : i32
    %dma_wait3A_1197 = arith.constant 0 : i32
    %dma_wait3A_1198 = tpu.memref_slice %arg6[%dma_wait3A_1187, %dma_wait3A_1196, %dma_wait3A_1197] : memref<8x416x32xf32, #tpu.memory_space<vmem>> -> memref<1x416x32xf32, #tpu.memory_space<vmem>>
    %dma_wait3A_1199 = tpu.memref_squeeze %dma_wait3A_1198 : memref<1x416x32xf32, #tpu.memory_space<vmem>> -> memref<416x32xf32, #tpu.memory_space<vmem>>
    tpu.wait_dma2 semaphore(%arg21 : memref<!tpu.dma_semaphore, #tpu.memory_space<semaphore_mem>>) src(%dma_wait3A_1199 : memref<416x32xf32, #tpu.memory_space<vmem>>) dst(%dma_wait3A_1195 : memref<416x32xf32, #tpu.memory_space<hbm>>)
    %dma_start3A_1200 = arith.constant 6 : i32
    %dma_start3A_1201 = arith.constant 0 : i32
    %dma_start3A_1202 = arith.constant 0 : i32
    %dma_start3A_1203 = tpu.memref_slice %arg6[%dma_start3A_1200, %dma_start3A_1201, %dma_start3A_1202] : memref<8x416x32xf32, #tpu.memory_space<vmem>> -> memref<1x416x32xf32, #tpu.memory_space<vmem>>
    %dma_start3A_1204 = tpu.memref_squeeze %dma_start3A_1203 : memref<1x416x32xf32, #tpu.memory_space<vmem>> -> memref<416x32xf32, #tpu.memory_space<vmem>>
    %dma_start3A_1205 = arith.constant 12480 : i32
    %dma_start3A_1206 = tpu.memref_slice %arg5[%dma_start3A_1205] : memref<13312xi32, #tpu.memory_space<vmem>> -> memref<416xi32, #tpu.memory_space<vmem>>
    %dma_start3A_1207 = arith.constant 0 : i32
    %dma_start3A_1208 = arith.constant 0 : i32
    %dma_start3A_1209 = tpu.memref_slice %arg2[%dma_start3A_1207, %dma_start3A_1208] : memref<1000000x32xf32, #tpu.memory_space<hbm>> -> memref<1000000x32xf32, #tpu.memory_space<hbm>>
    tpu.enqueue_indirect_dma source(%dma_start3A_1209 : memref<1000000x32xf32, #tpu.memory_space<hbm>>) target(%dma_start3A_1204 : memref<416x32xf32, #tpu.memory_space<vmem>>) offsets(%dma_start3A_1206 : memref<416xi32, #tpu.memory_space<vmem>>) semaphore(%arg13 : memref<!tpu.dma_semaphore, #tpu.memory_space<semaphore_mem>>)
    %dma_wait3A_1210 = arith.constant 0 : i32
    %dma_wait3A_1211 = arith.constant 0 : i32
    %dma_wait3A_1212 = arith.constant 0 : i32
    %dma_wait3A_1213 = tpu.memref_slice %arg6[%dma_wait3A_1210, %dma_wait3A_1211, %dma_wait3A_1212] : memref<8x416x32xf32, #tpu.memory_space<vmem>> -> memref<1x416x32xf32, #tpu.memory_space<vmem>>
    %dma_wait3A_1214 = tpu.memref_squeeze %dma_wait3A_1213 : memref<1x416x32xf32, #tpu.memory_space<vmem>> -> memref<416x32xf32, #tpu.memory_space<vmem>>
    %dma_wait3A_1215 = arith.constant 9984 : i32
    %dma_wait3A_1216 = tpu.memref_slice %arg5[%dma_wait3A_1215] : memref<13312xi32, #tpu.memory_space<vmem>> -> memref<416xi32, #tpu.memory_space<vmem>>
    %dma_wait3A_1217 = arith.constant 0 : i32
    %dma_wait3A_1218 = arith.constant 0 : i32
    %dma_wait3A_1219 = tpu.memref_slice %arg2[%dma_wait3A_1217, %dma_wait3A_1218] : memref<1000000x32xf32, #tpu.memory_space<hbm>> -> memref<1000000x32xf32, #tpu.memory_space<hbm>>
    tpu.wait_indirect_dma semaphore(%arg7 : memref<!tpu.dma_semaphore, #tpu.memory_space<semaphore_mem>>) src(%dma_wait3A_1219 : memref<1000000x32xf32, #tpu.memory_space<hbm>>) dst(%dma_wait3A_1214 : memref<416x32xf32, #tpu.memory_space<vmem>>)
    %add3A_1220 = arith.constant 9984 : i32
    %add3A_1221 = arith.addi %mul3A_2, %add3A_1220 : i32
    %dma_start3A_1222 = arith.constant 0 : i32
    %dma_start3A_1223 = arith.constant 0 : i32
    %dma_start3A_1224 = arith.constant 0 : i32
    %dma_start3A_1225 = tpu.memref_slice %arg6[%dma_start3A_1222, %dma_start3A_1223, %dma_start3A_1224] : memref<8x416x32xf32, #tpu.memory_space<vmem>> -> memref<1x416x32xf32, #tpu.memory_space<vmem>>
    %dma_start3A_1226 = tpu.memref_squeeze %dma_start3A_1225 : memref<1x416x32xf32, #tpu.memory_space<vmem>> -> memref<416x32xf32, #tpu.memory_space<vmem>>
    %dma_start3A_1227 = arith.constant 0 : i32
    %dma_start3A_1228 = tpu.memref_slice %arg4[%add3A_1221, %dma_start3A_1227] : memref<425984x32xf32, #tpu.memory_space<hbm>> -> memref<416x32xf32, #tpu.memory_space<hbm>>
    %dma_start3A_1229 = arith.constant 0 : i32
    %dma_start3A_1230 = tpu.memref_slice %arg4[%add3A_1221, %dma_start3A_1229] : memref<425984x32xf32, #tpu.memory_space<hbm>> -> memref<416x32xf32, #tpu.memory_space<hbm>>
    %dma_start3A_1231 = arith.constant 0 : i32
    %dma_start3A_1232 = arith.constant 0 : i32
    %dma_start3A_1233 = tpu.memref_slice %arg6[%dma_start3A_1222, %dma_start3A_1231, %dma_start3A_1232] : memref<8x416x32xf32, #tpu.memory_space<vmem>> -> memref<1x416x32xf32, #tpu.memory_space<vmem>>
    %dma_start3A_1234 = tpu.memref_squeeze %dma_start3A_1233 : memref<1x416x32xf32, #tpu.memory_space<vmem>> -> memref<416x32xf32, #tpu.memory_space<vmem>>
    tpu.enqueue_dma source(%dma_start3A_1234 : memref<416x32xf32, #tpu.memory_space<vmem>>) target(%dma_start3A_1230 : memref<416x32xf32, #tpu.memory_space<hbm>>) target_semaphore(%arg15 : memref<!tpu.dma_semaphore, #tpu.memory_space<semaphore_mem>>)
    %dma_wait3A_1235 = arith.constant 7 : i32
    %dma_wait3A_1236 = arith.constant 0 : i32
    %dma_wait3A_1237 = arith.constant 0 : i32
    %dma_wait3A_1238 = tpu.memref_slice %arg6[%dma_wait3A_1235, %dma_wait3A_1236, %dma_wait3A_1237] : memref<8x416x32xf32, #tpu.memory_space<vmem>> -> memref<1x416x32xf32, #tpu.memory_space<vmem>>
    %dma_wait3A_1239 = tpu.memref_squeeze %dma_wait3A_1238 : memref<1x416x32xf32, #tpu.memory_space<vmem>> -> memref<416x32xf32, #tpu.memory_space<vmem>>
    %dma_wait3A_1240 = arith.constant 0 : i32
    %dma_wait3A_1241 = tpu.memref_slice %arg4[%add3A_1173, %dma_wait3A_1240] : memref<425984x32xf32, #tpu.memory_space<hbm>> -> memref<416x32xf32, #tpu.memory_space<hbm>>
    %dma_wait3A_1242 = arith.constant 0 : i32
    %dma_wait3A_1243 = tpu.memref_slice %arg4[%add3A_1173, %dma_wait3A_1242] : memref<425984x32xf32, #tpu.memory_space<hbm>> -> memref<416x32xf32, #tpu.memory_space<hbm>>
    %dma_wait3A_1244 = arith.constant 0 : i32
    %dma_wait3A_1245 = arith.constant 0 : i32
    %dma_wait3A_1246 = tpu.memref_slice %arg6[%dma_wait3A_1235, %dma_wait3A_1244, %dma_wait3A_1245] : memref<8x416x32xf32, #tpu.memory_space<vmem>> -> memref<1x416x32xf32, #tpu.memory_space<vmem>>
    %dma_wait3A_1247 = tpu.memref_squeeze %dma_wait3A_1246 : memref<1x416x32xf32, #tpu.memory_space<vmem>> -> memref<416x32xf32, #tpu.memory_space<vmem>>
    tpu.wait_dma2 semaphore(%arg22 : memref<!tpu.dma_semaphore, #tpu.memory_space<semaphore_mem>>) src(%dma_wait3A_1247 : memref<416x32xf32, #tpu.memory_space<vmem>>) dst(%dma_wait3A_1243 : memref<416x32xf32, #tpu.memory_space<hbm>>)
    %dma_start3A_1248 = arith.constant 7 : i32
    %dma_start3A_1249 = arith.constant 0 : i32
    %dma_start3A_1250 = arith.constant 0 : i32
    %dma_start3A_1251 = tpu.memref_slice %arg6[%dma_start3A_1248, %dma_start3A_1249, %dma_start3A_1250] : memref<8x416x32xf32, #tpu.memory_space<vmem>> -> memref<1x416x32xf32, #tpu.memory_space<vmem>>
    %dma_start3A_1252 = tpu.memref_squeeze %dma_start3A_1251 : memref<1x416x32xf32, #tpu.memory_space<vmem>> -> memref<416x32xf32, #tpu.memory_space<vmem>>
    %dma_start3A_1253 = arith.constant 12896 : i32
    %dma_start3A_1254 = tpu.memref_slice %arg5[%dma_start3A_1253] : memref<13312xi32, #tpu.memory_space<vmem>> -> memref<416xi32, #tpu.memory_space<vmem>>
    %dma_start3A_1255 = arith.constant 0 : i32
    %dma_start3A_1256 = arith.constant 0 : i32
    %dma_start3A_1257 = tpu.memref_slice %arg2[%dma_start3A_1255, %dma_start3A_1256] : memref<1000000x32xf32, #tpu.memory_space<hbm>> -> memref<1000000x32xf32, #tpu.memory_space<hbm>>
    tpu.enqueue_indirect_dma source(%dma_start3A_1257 : memref<1000000x32xf32, #tpu.memory_space<hbm>>) target(%dma_start3A_1252 : memref<416x32xf32, #tpu.memory_space<vmem>>) offsets(%dma_start3A_1254 : memref<416xi32, #tpu.memory_space<vmem>>) semaphore(%arg14 : memref<!tpu.dma_semaphore, #tpu.memory_space<semaphore_mem>>)
    %dma_wait3A_1258 = arith.constant 1 : i32
    %dma_wait3A_1259 = arith.constant 0 : i32
    %dma_wait3A_1260 = arith.constant 0 : i32
    %dma_wait3A_1261 = tpu.memref_slice %arg6[%dma_wait3A_1258, %dma_wait3A_1259, %dma_wait3A_1260] : memref<8x416x32xf32, #tpu.memory_space<vmem>> -> memref<1x416x32xf32, #tpu.memory_space<vmem>>
    %dma_wait3A_1262 = tpu.memref_squeeze %dma_wait3A_1261 : memref<1x416x32xf32, #tpu.memory_space<vmem>> -> memref<416x32xf32, #tpu.memory_space<vmem>>
    %dma_wait3A_1263 = arith.constant 10400 : i32
    %dma_wait3A_1264 = tpu.memref_slice %arg5[%dma_wait3A_1263] : memref<13312xi32, #tpu.memory_space<vmem>> -> memref<416xi32, #tpu.memory_space<vmem>>
    %dma_wait3A_1265 = arith.constant 0 : i32
    %dma_wait3A_1266 = arith.constant 0 : i32
    %dma_wait3A_1267 = tpu.memref_slice %arg2[%dma_wait3A_1265, %dma_wait3A_1266] : memref<1000000x32xf32, #tpu.memory_space<hbm>> -> memref<1000000x32xf32, #tpu.memory_space<hbm>>
    tpu.wait_indirect_dma semaphore(%arg8 : memref<!tpu.dma_semaphore, #tpu.memory_space<semaphore_mem>>) src(%dma_wait3A_1267 : memref<1000000x32xf32, #tpu.memory_space<hbm>>) dst(%dma_wait3A_1262 : memref<416x32xf32, #tpu.memory_space<vmem>>)
    %add3A_1268 = arith.constant 10400 : i32
    %add3A_1269 = arith.addi %mul3A_2, %add3A_1268 : i32
    %dma_start3A_1270 = arith.constant 1 : i32
    %dma_start3A_1271 = arith.constant 0 : i32
    %dma_start3A_1272 = arith.constant 0 : i32
    %dma_start3A_1273 = tpu.memref_slice %arg6[%dma_start3A_1270, %dma_start3A_1271, %dma_start3A_1272] : memref<8x416x32xf32, #tpu.memory_space<vmem>> -> memref<1x416x32xf32, #tpu.memory_space<vmem>>
    %dma_start3A_1274 = tpu.memref_squeeze %dma_start3A_1273 : memref<1x416x32xf32, #tpu.memory_space<vmem>> -> memref<416x32xf32, #tpu.memory_space<vmem>>
    %dma_start3A_1275 = arith.constant 0 : i32
    %dma_start3A_1276 = tpu.memref_slice %arg4[%add3A_1269, %dma_start3A_1275] : memref<425984x32xf32, #tpu.memory_space<hbm>> -> memref<416x32xf32, #tpu.memory_space<hbm>>
    %dma_start3A_1277 = arith.constant 0 : i32
    %dma_start3A_1278 = tpu.memref_slice %arg4[%add3A_1269, %dma_start3A_1277] : memref<425984x32xf32, #tpu.memory_space<hbm>> -> memref<416x32xf32, #tpu.memory_space<hbm>>
    %dma_start3A_1279 = arith.constant 0 : i32
    %dma_start3A_1280 = arith.constant 0 : i32
    %dma_start3A_1281 = tpu.memref_slice %arg6[%dma_start3A_1270, %dma_start3A_1279, %dma_start3A_1280] : memref<8x416x32xf32, #tpu.memory_space<vmem>> -> memref<1x416x32xf32, #tpu.memory_space<vmem>>
    %dma_start3A_1282 = tpu.memref_squeeze %dma_start3A_1281 : memref<1x416x32xf32, #tpu.memory_space<vmem>> -> memref<416x32xf32, #tpu.memory_space<vmem>>
    tpu.enqueue_dma source(%dma_start3A_1282 : memref<416x32xf32, #tpu.memory_space<vmem>>) target(%dma_start3A_1278 : memref<416x32xf32, #tpu.memory_space<hbm>>) target_semaphore(%arg16 : memref<!tpu.dma_semaphore, #tpu.memory_space<semaphore_mem>>)
    %dma_wait3A_1283 = arith.constant 2 : i32
    %dma_wait3A_1284 = arith.constant 0 : i32
    %dma_wait3A_1285 = arith.constant 0 : i32
    %dma_wait3A_1286 = tpu.memref_slice %arg6[%dma_wait3A_1283, %dma_wait3A_1284, %dma_wait3A_1285] : memref<8x416x32xf32, #tpu.memory_space<vmem>> -> memref<1x416x32xf32, #tpu.memory_space<vmem>>
    %dma_wait3A_1287 = tpu.memref_squeeze %dma_wait3A_1286 : memref<1x416x32xf32, #tpu.memory_space<vmem>> -> memref<416x32xf32, #tpu.memory_space<vmem>>
    %dma_wait3A_1288 = arith.constant 10816 : i32
    %dma_wait3A_1289 = tpu.memref_slice %arg5[%dma_wait3A_1288] : memref<13312xi32, #tpu.memory_space<vmem>> -> memref<416xi32, #tpu.memory_space<vmem>>
    %dma_wait3A_1290 = arith.constant 0 : i32
    %dma_wait3A_1291 = arith.constant 0 : i32
    %dma_wait3A_1292 = tpu.memref_slice %arg2[%dma_wait3A_1290, %dma_wait3A_1291] : memref<1000000x32xf32, #tpu.memory_space<hbm>> -> memref<1000000x32xf32, #tpu.memory_space<hbm>>
    tpu.wait_indirect_dma semaphore(%arg9 : memref<!tpu.dma_semaphore, #tpu.memory_space<semaphore_mem>>) src(%dma_wait3A_1292 : memref<1000000x32xf32, #tpu.memory_space<hbm>>) dst(%dma_wait3A_1287 : memref<416x32xf32, #tpu.memory_space<vmem>>)
    %add3A_1293 = arith.constant 10816 : i32
    %add3A_1294 = arith.addi %mul3A_2, %add3A_1293 : i32
    %dma_start3A_1295 = arith.constant 2 : i32
    %dma_start3A_1296 = arith.constant 0 : i32
    %dma_start3A_1297 = arith.constant 0 : i32
    %dma_start3A_1298 = tpu.memref_slice %arg6[%dma_start3A_1295, %dma_start3A_1296, %dma_start3A_1297] : memref<8x416x32xf32, #tpu.memory_space<vmem>> -> memref<1x416x32xf32, #tpu.memory_space<vmem>>
    %dma_start3A_1299 = tpu.memref_squeeze %dma_start3A_1298 : memref<1x416x32xf32, #tpu.memory_space<vmem>> -> memref<416x32xf32, #tpu.memory_space<vmem>>
    %dma_start3A_1300 = arith.constant 0 : i32
    %dma_start3A_1301 = tpu.memref_slice %arg4[%add3A_1294, %dma_start3A_1300] : memref<425984x32xf32, #tpu.memory_space<hbm>> -> memref<416x32xf32, #tpu.memory_space<hbm>>
    %dma_start3A_1302 = arith.constant 0 : i32
    %dma_start3A_1303 = tpu.memref_slice %arg4[%add3A_1294, %dma_start3A_1302] : memref<425984x32xf32, #tpu.memory_space<hbm>> -> memref<416x32xf32, #tpu.memory_space<hbm>>
    %dma_start3A_1304 = arith.constant 0 : i32
    %dma_start3A_1305 = arith.constant 0 : i32
    %dma_start3A_1306 = tpu.memref_slice %arg6[%dma_start3A_1295, %dma_start3A_1304, %dma_start3A_1305] : memref<8x416x32xf32, #tpu.memory_space<vmem>> -> memref<1x416x32xf32, #tpu.memory_space<vmem>>
    %dma_start3A_1307 = tpu.memref_squeeze %dma_start3A_1306 : memref<1x416x32xf32, #tpu.memory_space<vmem>> -> memref<416x32xf32, #tpu.memory_space<vmem>>
    tpu.enqueue_dma source(%dma_start3A_1307 : memref<416x32xf32, #tpu.memory_space<vmem>>) target(%dma_start3A_1303 : memref<416x32xf32, #tpu.memory_space<hbm>>) target_semaphore(%arg17 : memref<!tpu.dma_semaphore, #tpu.memory_space<semaphore_mem>>)
    %dma_wait3A_1308 = arith.constant 3 : i32
    %dma_wait3A_1309 = arith.constant 0 : i32
    %dma_wait3A_1310 = arith.constant 0 : i32
    %dma_wait3A_1311 = tpu.memref_slice %arg6[%dma_wait3A_1308, %dma_wait3A_1309, %dma_wait3A_1310] : memref<8x416x32xf32, #tpu.memory_space<vmem>> -> memref<1x416x32xf32, #tpu.memory_space<vmem>>
    %dma_wait3A_1312 = tpu.memref_squeeze %dma_wait3A_1311 : memref<1x416x32xf32, #tpu.memory_space<vmem>> -> memref<416x32xf32, #tpu.memory_space<vmem>>
    %dma_wait3A_1313 = arith.constant 11232 : i32
    %dma_wait3A_1314 = tpu.memref_slice %arg5[%dma_wait3A_1313] : memref<13312xi32, #tpu.memory_space<vmem>> -> memref<416xi32, #tpu.memory_space<vmem>>
    %dma_wait3A_1315 = arith.constant 0 : i32
    %dma_wait3A_1316 = arith.constant 0 : i32
    %dma_wait3A_1317 = tpu.memref_slice %arg2[%dma_wait3A_1315, %dma_wait3A_1316] : memref<1000000x32xf32, #tpu.memory_space<hbm>> -> memref<1000000x32xf32, #tpu.memory_space<hbm>>
    tpu.wait_indirect_dma semaphore(%arg10 : memref<!tpu.dma_semaphore, #tpu.memory_space<semaphore_mem>>) src(%dma_wait3A_1317 : memref<1000000x32xf32, #tpu.memory_space<hbm>>) dst(%dma_wait3A_1312 : memref<416x32xf32, #tpu.memory_space<vmem>>)
    %add3A_1318 = arith.constant 11232 : i32
    %add3A_1319 = arith.addi %mul3A_2, %add3A_1318 : i32
    %dma_start3A_1320 = arith.constant 3 : i32
    %dma_start3A_1321 = arith.constant 0 : i32
    %dma_start3A_1322 = arith.constant 0 : i32
    %dma_start3A_1323 = tpu.memref_slice %arg6[%dma_start3A_1320, %dma_start3A_1321, %dma_start3A_1322] : memref<8x416x32xf32, #tpu.memory_space<vmem>> -> memref<1x416x32xf32, #tpu.memory_space<vmem>>
    %dma_start3A_1324 = tpu.memref_squeeze %dma_start3A_1323 : memref<1x416x32xf32, #tpu.memory_space<vmem>> -> memref<416x32xf32, #tpu.memory_space<vmem>>
    %dma_start3A_1325 = arith.constant 0 : i32
    %dma_start3A_1326 = tpu.memref_slice %arg4[%add3A_1319, %dma_start3A_1325] : memref<425984x32xf32, #tpu.memory_space<hbm>> -> memref<416x32xf32, #tpu.memory_space<hbm>>
    %dma_start3A_1327 = arith.constant 0 : i32
    %dma_start3A_1328 = tpu.memref_slice %arg4[%add3A_1319, %dma_start3A_1327] : memref<425984x32xf32, #tpu.memory_space<hbm>> -> memref<416x32xf32, #tpu.memory_space<hbm>>
    %dma_start3A_1329 = arith.constant 0 : i32
    %dma_start3A_1330 = arith.constant 0 : i32
    %dma_start3A_1331 = tpu.memref_slice %arg6[%dma_start3A_1320, %dma_start3A_1329, %dma_start3A_1330] : memref<8x416x32xf32, #tpu.memory_space<vmem>> -> memref<1x416x32xf32, #tpu.memory_space<vmem>>
    %dma_start3A_1332 = tpu.memref_squeeze %dma_start3A_1331 : memref<1x416x32xf32, #tpu.memory_space<vmem>> -> memref<416x32xf32, #tpu.memory_space<vmem>>
    tpu.enqueue_dma source(%dma_start3A_1332 : memref<416x32xf32, #tpu.memory_space<vmem>>) target(%dma_start3A_1328 : memref<416x32xf32, #tpu.memory_space<hbm>>) target_semaphore(%arg18 : memref<!tpu.dma_semaphore, #tpu.memory_space<semaphore_mem>>)
    %dma_wait3A_1333 = arith.constant 4 : i32
    %dma_wait3A_1334 = arith.constant 0 : i32
    %dma_wait3A_1335 = arith.constant 0 : i32
    %dma_wait3A_1336 = tpu.memref_slice %arg6[%dma_wait3A_1333, %dma_wait3A_1334, %dma_wait3A_1335] : memref<8x416x32xf32, #tpu.memory_space<vmem>> -> memref<1x416x32xf32, #tpu.memory_space<vmem>>
    %dma_wait3A_1337 = tpu.memref_squeeze %dma_wait3A_1336 : memref<1x416x32xf32, #tpu.memory_space<vmem>> -> memref<416x32xf32, #tpu.memory_space<vmem>>
    %dma_wait3A_1338 = arith.constant 11648 : i32
    %dma_wait3A_1339 = tpu.memref_slice %arg5[%dma_wait3A_1338] : memref<13312xi32, #tpu.memory_space<vmem>> -> memref<416xi32, #tpu.memory_space<vmem>>
    %dma_wait3A_1340 = arith.constant 0 : i32
    %dma_wait3A_1341 = arith.constant 0 : i32
    %dma_wait3A_1342 = tpu.memref_slice %arg2[%dma_wait3A_1340, %dma_wait3A_1341] : memref<1000000x32xf32, #tpu.memory_space<hbm>> -> memref<1000000x32xf32, #tpu.memory_space<hbm>>
    tpu.wait_indirect_dma semaphore(%arg11 : memref<!tpu.dma_semaphore, #tpu.memory_space<semaphore_mem>>) src(%dma_wait3A_1342 : memref<1000000x32xf32, #tpu.memory_space<hbm>>) dst(%dma_wait3A_1337 : memref<416x32xf32, #tpu.memory_space<vmem>>)
    %add3A_1343 = arith.constant 11648 : i32
    %add3A_1344 = arith.addi %mul3A_2, %add3A_1343 : i32
    %dma_start3A_1345 = arith.constant 4 : i32
    %dma_start3A_1346 = arith.constant 0 : i32
    %dma_start3A_1347 = arith.constant 0 : i32
    %dma_start3A_1348 = tpu.memref_slice %arg6[%dma_start3A_1345, %dma_start3A_1346, %dma_start3A_1347] : memref<8x416x32xf32, #tpu.memory_space<vmem>> -> memref<1x416x32xf32, #tpu.memory_space<vmem>>
    %dma_start3A_1349 = tpu.memref_squeeze %dma_start3A_1348 : memref<1x416x32xf32, #tpu.memory_space<vmem>> -> memref<416x32xf32, #tpu.memory_space<vmem>>
    %dma_start3A_1350 = arith.constant 0 : i32
    %dma_start3A_1351 = tpu.memref_slice %arg4[%add3A_1344, %dma_start3A_1350] : memref<425984x32xf32, #tpu.memory_space<hbm>> -> memref<416x32xf32, #tpu.memory_space<hbm>>
    %dma_start3A_1352 = arith.constant 0 : i32
    %dma_start3A_1353 = tpu.memref_slice %arg4[%add3A_1344, %dma_start3A_1352] : memref<425984x32xf32, #tpu.memory_space<hbm>> -> memref<416x32xf32, #tpu.memory_space<hbm>>
    %dma_start3A_1354 = arith.constant 0 : i32
    %dma_start3A_1355 = arith.constant 0 : i32
    %dma_start3A_1356 = tpu.memref_slice %arg6[%dma_start3A_1345, %dma_start3A_1354, %dma_start3A_1355] : memref<8x416x32xf32, #tpu.memory_space<vmem>> -> memref<1x416x32xf32, #tpu.memory_space<vmem>>
    %dma_start3A_1357 = tpu.memref_squeeze %dma_start3A_1356 : memref<1x416x32xf32, #tpu.memory_space<vmem>> -> memref<416x32xf32, #tpu.memory_space<vmem>>
    tpu.enqueue_dma source(%dma_start3A_1357 : memref<416x32xf32, #tpu.memory_space<vmem>>) target(%dma_start3A_1353 : memref<416x32xf32, #tpu.memory_space<hbm>>) target_semaphore(%arg19 : memref<!tpu.dma_semaphore, #tpu.memory_space<semaphore_mem>>)
    %dma_wait3A_1358 = arith.constant 5 : i32
    %dma_wait3A_1359 = arith.constant 0 : i32
    %dma_wait3A_1360 = arith.constant 0 : i32
    %dma_wait3A_1361 = tpu.memref_slice %arg6[%dma_wait3A_1358, %dma_wait3A_1359, %dma_wait3A_1360] : memref<8x416x32xf32, #tpu.memory_space<vmem>> -> memref<1x416x32xf32, #tpu.memory_space<vmem>>
    %dma_wait3A_1362 = tpu.memref_squeeze %dma_wait3A_1361 : memref<1x416x32xf32, #tpu.memory_space<vmem>> -> memref<416x32xf32, #tpu.memory_space<vmem>>
    %dma_wait3A_1363 = arith.constant 12064 : i32
    %dma_wait3A_1364 = tpu.memref_slice %arg5[%dma_wait3A_1363] : memref<13312xi32, #tpu.memory_space<vmem>> -> memref<416xi32, #tpu.memory_space<vmem>>
    %dma_wait3A_1365 = arith.constant 0 : i32
    %dma_wait3A_1366 = arith.constant 0 : i32
    %dma_wait3A_1367 = tpu.memref_slice %arg2[%dma_wait3A_1365, %dma_wait3A_1366] : memref<1000000x32xf32, #tpu.memory_space<hbm>> -> memref<1000000x32xf32, #tpu.memory_space<hbm>>
    tpu.wait_indirect_dma semaphore(%arg12 : memref<!tpu.dma_semaphore, #tpu.memory_space<semaphore_mem>>) src(%dma_wait3A_1367 : memref<1000000x32xf32, #tpu.memory_space<hbm>>) dst(%dma_wait3A_1362 : memref<416x32xf32, #tpu.memory_space<vmem>>)
    %add3A_1368 = arith.constant 12064 : i32
    %add3A_1369 = arith.addi %mul3A_2, %add3A_1368 : i32
    %dma_start3A_1370 = arith.constant 5 : i32
    %dma_start3A_1371 = arith.constant 0 : i32
    %dma_start3A_1372 = arith.constant 0 : i32
    %dma_start3A_1373 = tpu.memref_slice %arg6[%dma_start3A_1370, %dma_start3A_1371, %dma_start3A_1372] : memref<8x416x32xf32, #tpu.memory_space<vmem>> -> memref<1x416x32xf32, #tpu.memory_space<vmem>>
    %dma_start3A_1374 = tpu.memref_squeeze %dma_start3A_1373 : memref<1x416x32xf32, #tpu.memory_space<vmem>> -> memref<416x32xf32, #tpu.memory_space<vmem>>
    %dma_start3A_1375 = arith.constant 0 : i32
    %dma_start3A_1376 = tpu.memref_slice %arg4[%add3A_1369, %dma_start3A_1375] : memref<425984x32xf32, #tpu.memory_space<hbm>> -> memref<416x32xf32, #tpu.memory_space<hbm>>
    %dma_start3A_1377 = arith.constant 0 : i32
    %dma_start3A_1378 = tpu.memref_slice %arg4[%add3A_1369, %dma_start3A_1377] : memref<425984x32xf32, #tpu.memory_space<hbm>> -> memref<416x32xf32, #tpu.memory_space<hbm>>
    %dma_start3A_1379 = arith.constant 0 : i32
    %dma_start3A_1380 = arith.constant 0 : i32
    %dma_start3A_1381 = tpu.memref_slice %arg6[%dma_start3A_1370, %dma_start3A_1379, %dma_start3A_1380] : memref<8x416x32xf32, #tpu.memory_space<vmem>> -> memref<1x416x32xf32, #tpu.memory_space<vmem>>
    %dma_start3A_1382 = tpu.memref_squeeze %dma_start3A_1381 : memref<1x416x32xf32, #tpu.memory_space<vmem>> -> memref<416x32xf32, #tpu.memory_space<vmem>>
    tpu.enqueue_dma source(%dma_start3A_1382 : memref<416x32xf32, #tpu.memory_space<vmem>>) target(%dma_start3A_1378 : memref<416x32xf32, #tpu.memory_space<hbm>>) target_semaphore(%arg20 : memref<!tpu.dma_semaphore, #tpu.memory_space<semaphore_mem>>)
    %dma_wait3A_1383 = arith.constant 6 : i32
    %dma_wait3A_1384 = arith.constant 0 : i32
    %dma_wait3A_1385 = arith.constant 0 : i32
    %dma_wait3A_1386 = tpu.memref_slice %arg6[%dma_wait3A_1383, %dma_wait3A_1384, %dma_wait3A_1385] : memref<8x416x32xf32, #tpu.memory_space<vmem>> -> memref<1x416x32xf32, #tpu.memory_space<vmem>>
    %dma_wait3A_1387 = tpu.memref_squeeze %dma_wait3A_1386 : memref<1x416x32xf32, #tpu.memory_space<vmem>> -> memref<416x32xf32, #tpu.memory_space<vmem>>
    %dma_wait3A_1388 = arith.constant 12480 : i32
    %dma_wait3A_1389 = tpu.memref_slice %arg5[%dma_wait3A_1388] : memref<13312xi32, #tpu.memory_space<vmem>> -> memref<416xi32, #tpu.memory_space<vmem>>
    %dma_wait3A_1390 = arith.constant 0 : i32
    %dma_wait3A_1391 = arith.constant 0 : i32
    %dma_wait3A_1392 = tpu.memref_slice %arg2[%dma_wait3A_1390, %dma_wait3A_1391] : memref<1000000x32xf32, #tpu.memory_space<hbm>> -> memref<1000000x32xf32, #tpu.memory_space<hbm>>
    tpu.wait_indirect_dma semaphore(%arg13 : memref<!tpu.dma_semaphore, #tpu.memory_space<semaphore_mem>>) src(%dma_wait3A_1392 : memref<1000000x32xf32, #tpu.memory_space<hbm>>) dst(%dma_wait3A_1387 : memref<416x32xf32, #tpu.memory_space<vmem>>)
    %add3A_1393 = arith.constant 12480 : i32
    %add3A_1394 = arith.addi %mul3A_2, %add3A_1393 : i32
    %dma_start3A_1395 = arith.constant 6 : i32
    %dma_start3A_1396 = arith.constant 0 : i32
    %dma_start3A_1397 = arith.constant 0 : i32
    %dma_start3A_1398 = tpu.memref_slice %arg6[%dma_start3A_1395, %dma_start3A_1396, %dma_start3A_1397] : memref<8x416x32xf32, #tpu.memory_space<vmem>> -> memref<1x416x32xf32, #tpu.memory_space<vmem>>
    %dma_start3A_1399 = tpu.memref_squeeze %dma_start3A_1398 : memref<1x416x32xf32, #tpu.memory_space<vmem>> -> memref<416x32xf32, #tpu.memory_space<vmem>>
    %dma_start3A_1400 = arith.constant 0 : i32
    %dma_start3A_1401 = tpu.memref_slice %arg4[%add3A_1394, %dma_start3A_1400] : memref<425984x32xf32, #tpu.memory_space<hbm>> -> memref<416x32xf32, #tpu.memory_space<hbm>>
    %dma_start3A_1402 = arith.constant 0 : i32
    %dma_start3A_1403 = tpu.memref_slice %arg4[%add3A_1394, %dma_start3A_1402] : memref<425984x32xf32, #tpu.memory_space<hbm>> -> memref<416x32xf32, #tpu.memory_space<hbm>>
    %dma_start3A_1404 = arith.constant 0 : i32
    %dma_start3A_1405 = arith.constant 0 : i32
    %dma_start3A_1406 = tpu.memref_slice %arg6[%dma_start3A_1395, %dma_start3A_1404, %dma_start3A_1405] : memref<8x416x32xf32, #tpu.memory_space<vmem>> -> memref<1x416x32xf32, #tpu.memory_space<vmem>>
    %dma_start3A_1407 = tpu.memref_squeeze %dma_start3A_1406 : memref<1x416x32xf32, #tpu.memory_space<vmem>> -> memref<416x32xf32, #tpu.memory_space<vmem>>
    tpu.enqueue_dma source(%dma_start3A_1407 : memref<416x32xf32, #tpu.memory_space<vmem>>) target(%dma_start3A_1403 : memref<416x32xf32, #tpu.memory_space<hbm>>) target_semaphore(%arg21 : memref<!tpu.dma_semaphore, #tpu.memory_space<semaphore_mem>>)
    %dma_wait3A_1408 = arith.constant 7 : i32
    %dma_wait3A_1409 = arith.constant 0 : i32
    %dma_wait3A_1410 = arith.constant 0 : i32
    %dma_wait3A_1411 = tpu.memref_slice %arg6[%dma_wait3A_1408, %dma_wait3A_1409, %dma_wait3A_1410] : memref<8x416x32xf32, #tpu.memory_space<vmem>> -> memref<1x416x32xf32, #tpu.memory_space<vmem>>
    %dma_wait3A_1412 = tpu.memref_squeeze %dma_wait3A_1411 : memref<1x416x32xf32, #tpu.memory_space<vmem>> -> memref<416x32xf32, #tpu.memory_space<vmem>>
    %dma_wait3A_1413 = arith.constant 12896 : i32
    %dma_wait3A_1414 = tpu.memref_slice %arg5[%dma_wait3A_1413] : memref<13312xi32, #tpu.memory_space<vmem>> -> memref<416xi32, #tpu.memory_space<vmem>>
    %dma_wait3A_1415 = arith.constant 0 : i32
    %dma_wait3A_1416 = arith.constant 0 : i32
    %dma_wait3A_1417 = tpu.memref_slice %arg2[%dma_wait3A_1415, %dma_wait3A_1416] : memref<1000000x32xf32, #tpu.memory_space<hbm>> -> memref<1000000x32xf32, #tpu.memory_space<hbm>>
    tpu.wait_indirect_dma semaphore(%arg14 : memref<!tpu.dma_semaphore, #tpu.memory_space<semaphore_mem>>) src(%dma_wait3A_1417 : memref<1000000x32xf32, #tpu.memory_space<hbm>>) dst(%dma_wait3A_1412 : memref<416x32xf32, #tpu.memory_space<vmem>>)
    %add3A_1418 = arith.constant 12896 : i32
    %add3A_1419 = arith.addi %mul3A_2, %add3A_1418 : i32
    %dma_start3A_1420 = arith.constant 7 : i32
    %dma_start3A_1421 = arith.constant 0 : i32
    %dma_start3A_1422 = arith.constant 0 : i32
    %dma_start3A_1423 = tpu.memref_slice %arg6[%dma_start3A_1420, %dma_start3A_1421, %dma_start3A_1422] : memref<8x416x32xf32, #tpu.memory_space<vmem>> -> memref<1x416x32xf32, #tpu.memory_space<vmem>>
    %dma_start3A_1424 = tpu.memref_squeeze %dma_start3A_1423 : memref<1x416x32xf32, #tpu.memory_space<vmem>> -> memref<416x32xf32, #tpu.memory_space<vmem>>
    %dma_start3A_1425 = arith.constant 0 : i32
    %dma_start3A_1426 = tpu.memref_slice %arg4[%add3A_1419, %dma_start3A_1425] : memref<425984x32xf32, #tpu.memory_space<hbm>> -> memref<416x32xf32, #tpu.memory_space<hbm>>
    %dma_start3A_1427 = arith.constant 0 : i32
    %dma_start3A_1428 = tpu.memref_slice %arg4[%add3A_1419, %dma_start3A_1427] : memref<425984x32xf32, #tpu.memory_space<hbm>> -> memref<416x32xf32, #tpu.memory_space<hbm>>
    %dma_start3A_1429 = arith.constant 0 : i32
    %dma_start3A_1430 = arith.constant 0 : i32
    %dma_start3A_1431 = tpu.memref_slice %arg6[%dma_start3A_1420, %dma_start3A_1429, %dma_start3A_1430] : memref<8x416x32xf32, #tpu.memory_space<vmem>> -> memref<1x416x32xf32, #tpu.memory_space<vmem>>
    %dma_start3A_1432 = tpu.memref_squeeze %dma_start3A_1431 : memref<1x416x32xf32, #tpu.memory_space<vmem>> -> memref<416x32xf32, #tpu.memory_space<vmem>>
    tpu.enqueue_dma source(%dma_start3A_1432 : memref<416x32xf32, #tpu.memory_space<vmem>>) target(%dma_start3A_1428 : memref<416x32xf32, #tpu.memory_space<hbm>>) target_semaphore(%arg22 : memref<!tpu.dma_semaphore, #tpu.memory_space<semaphore_mem>>)
    %dma_wait3A_1433 = arith.constant 0 : i32
    %dma_wait3A_1434 = arith.constant 0 : i32
    %dma_wait3A_1435 = arith.constant 0 : i32
    %dma_wait3A_1436 = tpu.memref_slice %arg6[%dma_wait3A_1433, %dma_wait3A_1434, %dma_wait3A_1435] : memref<8x416x32xf32, #tpu.memory_space<vmem>> -> memref<1x416x32xf32, #tpu.memory_space<vmem>>
    %dma_wait3A_1437 = tpu.memref_squeeze %dma_wait3A_1436 : memref<1x416x32xf32, #tpu.memory_space<vmem>> -> memref<416x32xf32, #tpu.memory_space<vmem>>
    %dma_wait3A_1438 = arith.constant 0 : i32
    %dma_wait3A_1439 = tpu.memref_slice %arg4[%add3A_1221, %dma_wait3A_1438] : memref<425984x32xf32, #tpu.memory_space<hbm>> -> memref<416x32xf32, #tpu.memory_space<hbm>>
    %dma_wait3A_1440 = arith.constant 0 : i32
    %dma_wait3A_1441 = tpu.memref_slice %arg4[%add3A_1221, %dma_wait3A_1440] : memref<425984x32xf32, #tpu.memory_space<hbm>> -> memref<416x32xf32, #tpu.memory_space<hbm>>
    %dma_wait3A_1442 = arith.constant 0 : i32
    %dma_wait3A_1443 = arith.constant 0 : i32
    %dma_wait3A_1444 = tpu.memref_slice %arg6[%dma_wait3A_1433, %dma_wait3A_1442, %dma_wait3A_1443] : memref<8x416x32xf32, #tpu.memory_space<vmem>> -> memref<1x416x32xf32, #tpu.memory_space<vmem>>
    %dma_wait3A_1445 = tpu.memref_squeeze %dma_wait3A_1444 : memref<1x416x32xf32, #tpu.memory_space<vmem>> -> memref<416x32xf32, #tpu.memory_space<vmem>>
    tpu.wait_dma2 semaphore(%arg15 : memref<!tpu.dma_semaphore, #tpu.memory_space<semaphore_mem>>) src(%dma_wait3A_1445 : memref<416x32xf32, #tpu.memory_space<vmem>>) dst(%dma_wait3A_1441 : memref<416x32xf32, #tpu.memory_space<hbm>>)
    %dma_wait3A_1446 = arith.constant 1 : i32
    %dma_wait3A_1447 = arith.constant 0 : i32
    %dma_wait3A_1448 = arith.constant 0 : i32
    %dma_wait3A_1449 = tpu.memref_slice %arg6[%dma_wait3A_1446, %dma_wait3A_1447, %dma_wait3A_1448] : memref<8x416x32xf32, #tpu.memory_space<vmem>> -> memref<1x416x32xf32, #tpu.memory_space<vmem>>
    %dma_wait3A_1450 = tpu.memref_squeeze %dma_wait3A_1449 : memref<1x416x32xf32, #tpu.memory_space<vmem>> -> memref<416x32xf32, #tpu.memory_space<vmem>>
    %dma_wait3A_1451 = arith.constant 0 : i32
    %dma_wait3A_1452 = tpu.memref_slice %arg4[%add3A_1269, %dma_wait3A_1451] : memref<425984x32xf32, #tpu.memory_space<hbm>> -> memref<416x32xf32, #tpu.memory_space<hbm>>
    %dma_wait3A_1453 = arith.constant 0 : i32
    %dma_wait3A_1454 = tpu.memref_slice %arg4[%add3A_1269, %dma_wait3A_1453] : memref<425984x32xf32, #tpu.memory_space<hbm>> -> memref<416x32xf32, #tpu.memory_space<hbm>>
    %dma_wait3A_1455 = arith.constant 0 : i32
    %dma_wait3A_1456 = arith.constant 0 : i32
    %dma_wait3A_1457 = tpu.memref_slice %arg6[%dma_wait3A_1446, %dma_wait3A_1455, %dma_wait3A_1456] : memref<8x416x32xf32, #tpu.memory_space<vmem>> -> memref<1x416x32xf32, #tpu.memory_space<vmem>>
    %dma_wait3A_1458 = tpu.memref_squeeze %dma_wait3A_1457 : memref<1x416x32xf32, #tpu.memory_space<vmem>> -> memref<416x32xf32, #tpu.memory_space<vmem>>
    tpu.wait_dma2 semaphore(%arg16 : memref<!tpu.dma_semaphore, #tpu.memory_space<semaphore_mem>>) src(%dma_wait3A_1458 : memref<416x32xf32, #tpu.memory_space<vmem>>) dst(%dma_wait3A_1454 : memref<416x32xf32, #tpu.memory_space<hbm>>)
    %dma_wait3A_1459 = arith.constant 2 : i32
    %dma_wait3A_1460 = arith.constant 0 : i32
    %dma_wait3A_1461 = arith.constant 0 : i32
    %dma_wait3A_1462 = tpu.memref_slice %arg6[%dma_wait3A_1459, %dma_wait3A_1460, %dma_wait3A_1461] : memref<8x416x32xf32, #tpu.memory_space<vmem>> -> memref<1x416x32xf32, #tpu.memory_space<vmem>>
    %dma_wait3A_1463 = tpu.memref_squeeze %dma_wait3A_1462 : memref<1x416x32xf32, #tpu.memory_space<vmem>> -> memref<416x32xf32, #tpu.memory_space<vmem>>
    %dma_wait3A_1464 = arith.constant 0 : i32
    %dma_wait3A_1465 = tpu.memref_slice %arg4[%add3A_1294, %dma_wait3A_1464] : memref<425984x32xf32, #tpu.memory_space<hbm>> -> memref<416x32xf32, #tpu.memory_space<hbm>>
    %dma_wait3A_1466 = arith.constant 0 : i32
    %dma_wait3A_1467 = tpu.memref_slice %arg4[%add3A_1294, %dma_wait3A_1466] : memref<425984x32xf32, #tpu.memory_space<hbm>> -> memref<416x32xf32, #tpu.memory_space<hbm>>
    %dma_wait3A_1468 = arith.constant 0 : i32
    %dma_wait3A_1469 = arith.constant 0 : i32
    %dma_wait3A_1470 = tpu.memref_slice %arg6[%dma_wait3A_1459, %dma_wait3A_1468, %dma_wait3A_1469] : memref<8x416x32xf32, #tpu.memory_space<vmem>> -> memref<1x416x32xf32, #tpu.memory_space<vmem>>
    %dma_wait3A_1471 = tpu.memref_squeeze %dma_wait3A_1470 : memref<1x416x32xf32, #tpu.memory_space<vmem>> -> memref<416x32xf32, #tpu.memory_space<vmem>>
    tpu.wait_dma2 semaphore(%arg17 : memref<!tpu.dma_semaphore, #tpu.memory_space<semaphore_mem>>) src(%dma_wait3A_1471 : memref<416x32xf32, #tpu.memory_space<vmem>>) dst(%dma_wait3A_1467 : memref<416x32xf32, #tpu.memory_space<hbm>>)
    %dma_wait3A_1472 = arith.constant 3 : i32
    %dma_wait3A_1473 = arith.constant 0 : i32
    %dma_wait3A_1474 = arith.constant 0 : i32
    %dma_wait3A_1475 = tpu.memref_slice %arg6[%dma_wait3A_1472, %dma_wait3A_1473, %dma_wait3A_1474] : memref<8x416x32xf32, #tpu.memory_space<vmem>> -> memref<1x416x32xf32, #tpu.memory_space<vmem>>
    %dma_wait3A_1476 = tpu.memref_squeeze %dma_wait3A_1475 : memref<1x416x32xf32, #tpu.memory_space<vmem>> -> memref<416x32xf32, #tpu.memory_space<vmem>>
    %dma_wait3A_1477 = arith.constant 0 : i32
    %dma_wait3A_1478 = tpu.memref_slice %arg4[%add3A_1319, %dma_wait3A_1477] : memref<425984x32xf32, #tpu.memory_space<hbm>> -> memref<416x32xf32, #tpu.memory_space<hbm>>
    %dma_wait3A_1479 = arith.constant 0 : i32
    %dma_wait3A_1480 = tpu.memref_slice %arg4[%add3A_1319, %dma_wait3A_1479] : memref<425984x32xf32, #tpu.memory_space<hbm>> -> memref<416x32xf32, #tpu.memory_space<hbm>>
    %dma_wait3A_1481 = arith.constant 0 : i32
    %dma_wait3A_1482 = arith.constant 0 : i32
    %dma_wait3A_1483 = tpu.memref_slice %arg6[%dma_wait3A_1472, %dma_wait3A_1481, %dma_wait3A_1482] : memref<8x416x32xf32, #tpu.memory_space<vmem>> -> memref<1x416x32xf32, #tpu.memory_space<vmem>>
    %dma_wait3A_1484 = tpu.memref_squeeze %dma_wait3A_1483 : memref<1x416x32xf32, #tpu.memory_space<vmem>> -> memref<416x32xf32, #tpu.memory_space<vmem>>
    tpu.wait_dma2 semaphore(%arg18 : memref<!tpu.dma_semaphore, #tpu.memory_space<semaphore_mem>>) src(%dma_wait3A_1484 : memref<416x32xf32, #tpu.memory_space<vmem>>) dst(%dma_wait3A_1480 : memref<416x32xf32, #tpu.memory_space<hbm>>)
    %dma_wait3A_1485 = arith.constant 4 : i32
    %dma_wait3A_1486 = arith.constant 0 : i32
    %dma_wait3A_1487 = arith.constant 0 : i32
    %dma_wait3A_1488 = tpu.memref_slice %arg6[%dma_wait3A_1485, %dma_wait3A_1486, %dma_wait3A_1487] : memref<8x416x32xf32, #tpu.memory_space<vmem>> -> memref<1x416x32xf32, #tpu.memory_space<vmem>>
    %dma_wait3A_1489 = tpu.memref_squeeze %dma_wait3A_1488 : memref<1x416x32xf32, #tpu.memory_space<vmem>> -> memref<416x32xf32, #tpu.memory_space<vmem>>
    %dma_wait3A_1490 = arith.constant 0 : i32
    %dma_wait3A_1491 = tpu.memref_slice %arg4[%add3A_1344, %dma_wait3A_1490] : memref<425984x32xf32, #tpu.memory_space<hbm>> -> memref<416x32xf32, #tpu.memory_space<hbm>>
    %dma_wait3A_1492 = arith.constant 0 : i32
    %dma_wait3A_1493 = tpu.memref_slice %arg4[%add3A_1344, %dma_wait3A_1492] : memref<425984x32xf32, #tpu.memory_space<hbm>> -> memref<416x32xf32, #tpu.memory_space<hbm>>
    %dma_wait3A_1494 = arith.constant 0 : i32
    %dma_wait3A_1495 = arith.constant 0 : i32
    %dma_wait3A_1496 = tpu.memref_slice %arg6[%dma_wait3A_1485, %dma_wait3A_1494, %dma_wait3A_1495] : memref<8x416x32xf32, #tpu.memory_space<vmem>> -> memref<1x416x32xf32, #tpu.memory_space<vmem>>
    %dma_wait3A_1497 = tpu.memref_squeeze %dma_wait3A_1496 : memref<1x416x32xf32, #tpu.memory_space<vmem>> -> memref<416x32xf32, #tpu.memory_space<vmem>>
    tpu.wait_dma2 semaphore(%arg19 : memref<!tpu.dma_semaphore, #tpu.memory_space<semaphore_mem>>) src(%dma_wait3A_1497 : memref<416x32xf32, #tpu.memory_space<vmem>>) dst(%dma_wait3A_1493 : memref<416x32xf32, #tpu.memory_space<hbm>>)
    %dma_wait3A_1498 = arith.constant 5 : i32
    %dma_wait3A_1499 = arith.constant 0 : i32
    %dma_wait3A_1500 = arith.constant 0 : i32
    %dma_wait3A_1501 = tpu.memref_slice %arg6[%dma_wait3A_1498, %dma_wait3A_1499, %dma_wait3A_1500] : memref<8x416x32xf32, #tpu.memory_space<vmem>> -> memref<1x416x32xf32, #tpu.memory_space<vmem>>
    %dma_wait3A_1502 = tpu.memref_squeeze %dma_wait3A_1501 : memref<1x416x32xf32, #tpu.memory_space<vmem>> -> memref<416x32xf32, #tpu.memory_space<vmem>>
    %dma_wait3A_1503 = arith.constant 0 : i32
    %dma_wait3A_1504 = tpu.memref_slice %arg4[%add3A_1369, %dma_wait3A_1503] : memref<425984x32xf32, #tpu.memory_space<hbm>> -> memref<416x32xf32, #tpu.memory_space<hbm>>
    %dma_wait3A_1505 = arith.constant 0 : i32
    %dma_wait3A_1506 = tpu.memref_slice %arg4[%add3A_1369, %dma_wait3A_1505] : memref<425984x32xf32, #tpu.memory_space<hbm>> -> memref<416x32xf32, #tpu.memory_space<hbm>>
    %dma_wait3A_1507 = arith.constant 0 : i32
    %dma_wait3A_1508 = arith.constant 0 : i32
    %dma_wait3A_1509 = tpu.memref_slice %arg6[%dma_wait3A_1498, %dma_wait3A_1507, %dma_wait3A_1508] : memref<8x416x32xf32, #tpu.memory_space<vmem>> -> memref<1x416x32xf32, #tpu.memory_space<vmem>>
    %dma_wait3A_1510 = tpu.memref_squeeze %dma_wait3A_1509 : memref<1x416x32xf32, #tpu.memory_space<vmem>> -> memref<416x32xf32, #tpu.memory_space<vmem>>
    tpu.wait_dma2 semaphore(%arg20 : memref<!tpu.dma_semaphore, #tpu.memory_space<semaphore_mem>>) src(%dma_wait3A_1510 : memref<416x32xf32, #tpu.memory_space<vmem>>) dst(%dma_wait3A_1506 : memref<416x32xf32, #tpu.memory_space<hbm>>)
    %dma_wait3A_1511 = arith.constant 6 : i32
    %dma_wait3A_1512 = arith.constant 0 : i32
    %dma_wait3A_1513 = arith.constant 0 : i32
    %dma_wait3A_1514 = tpu.memref_slice %arg6[%dma_wait3A_1511, %dma_wait3A_1512, %dma_wait3A_1513] : memref<8x416x32xf32, #tpu.memory_space<vmem>> -> memref<1x416x32xf32, #tpu.memory_space<vmem>>
    %dma_wait3A_1515 = tpu.memref_squeeze %dma_wait3A_1514 : memref<1x416x32xf32, #tpu.memory_space<vmem>> -> memref<416x32xf32, #tpu.memory_space<vmem>>
    %dma_wait3A_1516 = arith.constant 0 : i32
    %dma_wait3A_1517 = tpu.memref_slice %arg4[%add3A_1394, %dma_wait3A_1516] : memref<425984x32xf32, #tpu.memory_space<hbm>> -> memref<416x32xf32, #tpu.memory_space<hbm>>
    %dma_wait3A_1518 = arith.constant 0 : i32
    %dma_wait3A_1519 = tpu.memref_slice %arg4[%add3A_1394, %dma_wait3A_1518] : memref<425984x32xf32, #tpu.memory_space<hbm>> -> memref<416x32xf32, #tpu.memory_space<hbm>>
    %dma_wait3A_1520 = arith.constant 0 : i32
    %dma_wait3A_1521 = arith.constant 0 : i32
    %dma_wait3A_1522 = tpu.memref_slice %arg6[%dma_wait3A_1511, %dma_wait3A_1520, %dma_wait3A_1521] : memref<8x416x32xf32, #tpu.memory_space<vmem>> -> memref<1x416x32xf32, #tpu.memory_space<vmem>>
    %dma_wait3A_1523 = tpu.memref_squeeze %dma_wait3A_1522 : memref<1x416x32xf32, #tpu.memory_space<vmem>> -> memref<416x32xf32, #tpu.memory_space<vmem>>
    tpu.wait_dma2 semaphore(%arg21 : memref<!tpu.dma_semaphore, #tpu.memory_space<semaphore_mem>>) src(%dma_wait3A_1523 : memref<416x32xf32, #tpu.memory_space<vmem>>) dst(%dma_wait3A_1519 : memref<416x32xf32, #tpu.memory_space<hbm>>)
    %dma_wait3A_1524 = arith.constant 7 : i32
    %dma_wait3A_1525 = arith.constant 0 : i32
    %dma_wait3A_1526 = arith.constant 0 : i32
    %dma_wait3A_1527 = tpu.memref_slice %arg6[%dma_wait3A_1524, %dma_wait3A_1525, %dma_wait3A_1526] : memref<8x416x32xf32, #tpu.memory_space<vmem>> -> memref<1x416x32xf32, #tpu.memory_space<vmem>>
    %dma_wait3A_1528 = tpu.memref_squeeze %dma_wait3A_1527 : memref<1x416x32xf32, #tpu.memory_space<vmem>> -> memref<416x32xf32, #tpu.memory_space<vmem>>
    %dma_wait3A_1529 = arith.constant 0 : i32
    %dma_wait3A_1530 = tpu.memref_slice %arg4[%add3A_1419, %dma_wait3A_1529] : memref<425984x32xf32, #tpu.memory_space<hbm>> -> memref<416x32xf32, #tpu.memory_space<hbm>>
    %dma_wait3A_1531 = arith.constant 0 : i32
    %dma_wait3A_1532 = tpu.memref_slice %arg4[%add3A_1419, %dma_wait3A_1531] : memref<425984x32xf32, #tpu.memory_space<hbm>> -> memref<416x32xf32, #tpu.memory_space<hbm>>
    %dma_wait3A_1533 = arith.constant 0 : i32
    %dma_wait3A_1534 = arith.constant 0 : i32
    %dma_wait3A_1535 = tpu.memref_slice %arg6[%dma_wait3A_1524, %dma_wait3A_1533, %dma_wait3A_1534] : memref<8x416x32xf32, #tpu.memory_space<vmem>> -> memref<1x416x32xf32, #tpu.memory_space<vmem>>
    %dma_wait3A_1536 = tpu.memref_squeeze %dma_wait3A_1535 : memref<1x416x32xf32, #tpu.memory_space<vmem>> -> memref<416x32xf32, #tpu.memory_space<vmem>>
    tpu.wait_dma2 semaphore(%arg22 : memref<!tpu.dma_semaphore, #tpu.memory_space<semaphore_mem>>) src(%dma_wait3A_1536 : memref<416x32xf32, #tpu.memory_space<vmem>>) dst(%dma_wait3A_1532 : memref<416x32xf32, #tpu.memory_space<hbm>>)
    return
  }
}

</mosaic_0001>

<sc_bundles>
// kernel: _embed.3.cloned.1.call-start
scs
__scs_entry_jumppad:
0x0: {  	(pc) =	sbr.rel $0x88, $3  }
0x1: {  	(tag) =	ssettag $0x0;
	lr =	simm.s32 $0x1  }
0x2: {  	[smem:$0x3F9F] =	sst lr;
	_ =	strace $0xD0000000  }
0x3: {  	_ = 	snop  }
0x4: {  	_ = 	snop  }
0x5: {  	_ = 	snop  }
0x6: {  	_ = 	snop  }
0x7: {  	_ = 	snop  }
__scs_overlays_trampoline_lowered:
0x8: {  	[smem:$0x3FAE] =	sst s0  }
0x9: {  	[smem:$0x3FAF] =	sst s1  }
0xa: {  	[smem:$0x3FB0] =	sst s2  }
0xb: {  	[smem:$0x3FB1] =	sst s3  }
0xc: {  	[smem:$0x3FB2] =	sst s4  }
0xd: {  	[smem:$0x3FB3] =	sst s5  }
0xe: {  	[smem:$0x3FB4] =	sst s6  }
0xf: {  	[smem:$0x3FB5] =	sst s7  }
0x10: {  	[smem:$0x3FB6] =	sst s8  }
0x11: {  	[smem:$0x3FB7] =	sst s9;
	s0 =	simm.s32 @!p0 $0x0  }
0x12: {  	s1 =	sld [smem:$0x3F9D];
	s0 =	simm.s32 @p0 $0x1  }
0x13: {  	[smem:$0x3FB8] =	sst s0;
	s0 =	simm.s32 @!p1 $0x0  }
0x14: {  	s2 =	sld [smem:$0x3F9C];
	s0 =	simm.s32 @p1 $0x1  }
0x15: {  	[smem:$0x3FB9] =	sst s0;
	s0 =	simm.s32 @!p2 $0x0  }
0x16: {  	s3 =	sld [smem:$0x3FDB];
	s0 =	simm.s32 @p2 $0x1  }
0x17: {  	s4 =	simm.s32 $0x1BF5;
	[smem:$0x3FBB] =	sst s0  }
0x18: {  	s0 =	sld [smem:$0x3F9E];
	_ =	swait.ge [sflag:s4], $0x0  }
0x19: {  	s7 =	sld [smem:$0x3F9F]  }
0x1a: {  	s8 =	sadd.s32 $0xFFFFE003, lr  }
0x1b: {  	s9 =	sadd.s32 $0xFFFFFEF7, lr;
	s5 =	simm.s32 $0xFFFFFFFF;
	p2 =	slt.u32 s8, $0xFFFFF086  }
0x1c: {  	p1 =	slt.u32 s9, $0xF7A;
	s5 =	simm.s32 @!p2 $0x0  }
0x1d: {  	s5 =	simm.s32 @p1 $0x1;
	p0 =	seq.s32 s7, s2  }
0x1e: {  	s7 =	smul.u32 @!p0 $0xF7A, s2;
	p2 =	seq.s32 @!p0 s5, $0x0  }
0x1f: {  	s9 =	smul.u32 $0xF7A, s1;
	s8 =	simm.s32 @!p0 $0x1BF5;
	p2 =	por !p2, p0  }
0x20: {  	[sflag:s8] =	ssyncset.s32 @!p0 $0xFFFFF086;
	s6 =	sadd.s32 @!p0 s3, s7;
	s7 =	simm.s32 @!p0 $0x108  }
0x21: {  	s3 =	sadd.s32 s3, s9;
	s6 =	sadd.s32 @!p0 $0x88, s6;
	s7 =	simm.s32 @p2 $0x1082  }
0x22: {  	[simem:s7], [sflag:s8] =	dma.local @!p0 [hbm:s6], $0xF7A  }
0x23: {  	s9 =	sor.u32 $0xD0000000, s2;
	s6 =	simm.s32 $0x108;
	_ =	swait.ge @!p0 [sflag:s8], $0x0  }
0x24: {  	s3 =	sadd.s32 $0x88, s3;
	s6 =	simm.s32 @!p1 $0x1082;
	[sflag:s4] =	ssyncset.s32 $0xFFFFF086  }
0x25: {  	[simem:s6], [sflag:s4] =	dma.local [hbm:s3], $0xF7A  }
0x26: {  	[smem:$0x3F9F] =	sst s1;
	(tag) =	ssettag s2;
	_ =	strace s9  }
0x27: {  	s1 =	sld [smem:$0x3FAF]  }
0x28: {  	s2 =	sld [smem:$0x3FB0]  }
0x29: {  	s4 =	sld [smem:$0x3FB2]  }
0x2a: {  	p0 =	seq.s32 s5, $0x0;
	s5 =	sld [smem:$0x3FB3]  }
0x2b: {  	s6 =	sld [smem:$0x3FB4]  }
0x2c: {  	s7 =	sld [smem:$0x3FB5]  }
0x2d: {  	s3 =	simm.s32 $0x108;
	s8 =	sld [smem:$0x3FB6]  }
0x2e: {  	s3 =	simm.s32 @!p0 $0x1082;
	s9 =	sld [smem:$0x3FB7]  }
0x2f: {  	lr =	sadd.s32 s0, s3;
	s0 =	sld [smem:$0x3FAE]  }
0x30: {  	s3 =	sld [smem:$0x3FB1]  }
0x31: {  	[smem:$0x3FBA] =	sst s10  }
0x32: {  	s10 =	sld [smem:$0x3FB8];
	_ =	sdelay $0x3  }
0x33: {  	p0 =	seq.s32 s10, $0x1;
	s10 =	sld [smem:$0x3FBA];
	_ =	sdelay $0x3  }
0x34: {  	[smem:$0x3FBA] =	sst s10  }
0x35: {  	s10 =	sld [smem:$0x3FB9];
	_ =	sdelay $0x3  }
0x36: {  	p1 =	seq.s32 s10, $0x1;
	s10 =	sld [smem:$0x3FBA];
	_ =	sdelay $0x3  }
0x37: {  	[smem:$0x3FBA] =	sst s10  }
0x38: {  	s10 =	sld [smem:$0x3FBB]  }
0x39: {  	_ = 	snop;
	(pc) =	sbr.ind lr, $3  }
0x3a: {  	_ = 	snop  }
0x3b: {  	_ = 	snop  }
0x3c: {  	p2 =	seq.s32 s10, $0x1;
	s10 =	sld [smem:$0x3FBA]  }
0x3d: {  	_ =	shalt  }
0x3e: {  	_ =	shalt  }
0x3f: {  	_ =	shalt  }
0x40: {  	_ =	shalt  }
0x41: {  	_ =	shalt  }
0x42: {  	_ =	shalt  }
0x43: {  	_ =	shalt  }
0x44: {  	_ =	shalt  }
0x45: {  	_ =	shalt  }
0x46: {  	_ =	shalt  }
0x47: {  	_ =	shalt  }
0x48: {  	_ =	shalt  }
0x49: {  	_ =	shalt  }
0x4a: {  	_ =	shalt  }
0x4b: {  	_ =	shalt  }
0x4c: {  	_ =	shalt  }
0x4d: {  	_ =	shalt  }
0x4e: {  	_ =	shalt  }
0x4f: {  	_ =	shalt  }
0x50: {  	_ =	shalt  }
0x51: {  	_ =	shalt  }
0x52: {  	_ =	shalt  }
0x53: {  	_ =	shalt  }
0x54: {  	_ =	shalt  }
0x55: {  	_ =	shalt  }
0x56: {  	_ =	shalt  }
0x57: {  	_ =	shalt  }
0x58: {  	_ =	shalt  }
0x59: {  	_ =	shalt  }
0x5a: {  	_ =	shalt  }
0x5b: {  	_ =	shalt  }
0x5c: {  	_ =	shalt  }
0x5d: {  	_ =	shalt  }
0x5e: {  	_ =	shalt  }
0x5f: {  	_ =	shalt  }
0x60: {  	_ =	shalt  }
0x61: {  	_ =	shalt  }
0x62: {  	_ =	shalt  }
0x63: {  	_ =	shalt  }
0x64: {  	_ =	shalt  }
0x65: {  	_ =	shalt  }
0x66: {  	_ =	shalt  }
0x67: {  	_ =	shalt  }
0x68: {  	_ =	shalt  }
0x69: {  	_ =	shalt  }
0x6a: {  	_ =	shalt  }
0x6b: {  	_ =	shalt  }
0x6c: {  	_ =	shalt  }
0x6d: {  	_ =	shalt  }
0x6e: {  	_ =	shalt  }
0x6f: {  	_ =	shalt  }
0x70: {  	_ =	shalt  }
0x71: {  	_ =	shalt  }
0x72: {  	_ =	shalt  }
0x73: {  	_ =	shalt  }
0x74: {  	_ =	shalt  }
0x75: {  	_ =	shalt  }
0x76: {  	_ =	shalt  }
0x77: {  	_ =	shalt  }
0x78: {  	_ =	shalt  }
0x79: {  	_ =	shalt  }
0x7a: {  	_ =	shalt  }
0x7b: {  	_ =	shalt  }
0x7c: {  	_ =	shalt  }
0x7d: {  	_ =	shalt  }
0x7e: {  	_ =	shalt  }
0x7f: {  	_ =	shalt  }
0x80: {  	_ =	shalt  }
0x81: {  	_ =	shalt  }
0x82: {  	_ =	shalt  }
0x83: {  	_ =	shalt  }
0x84: {  	_ =	shalt  }
0x85: {  	_ =	shalt  }
0x86: {  	_ =	shalt  }
0x87: {  	_ =	shalt  }
.Lfunc_end0:
.L_simem_size_0:
called_computation.1_lowered:
.L_overlay_start_0:
0x88: {  	s2 =	sld [smem:$0x3FD9]  }
0x89: {  	s3 =	sld [smem:$0x3FFE];
	_ =	sdelay $0x1  }
0x8a: {  	s1 =	srdreg.scid  }
0x8b: {  	s0 =	sand.u32 $0x1, s1  }
0x8c: {  	s17 =	sshll.u32 s0, $0xA;
	s2 =	sadd.s32 s3, s2  }
0x8d: {  	s2 =	sadd.s32 s2, s17  }
0x8e: {  	[smem:$0x3FC6] =	sst s2  }
0x8f: {  	_ = 	snop  }
0x90: {  	s2 =	sld [smem:$0x3FC9]  }
0x91: {  	s18 =	sld [smem:$0x3FD0];
	(tm) =	ssettm $0x1  }
0x92: {  	s4 =	sld [smem:$0x3FFB];
	_ =	sdelay $0x3  }
0x93: {  	_ =	strace s4  }
0x94: {  	s4 =	sld [smem:$0x3FFC];
	_ =	sdelay $0x3  }
0x95: {  	_ =	strace s4  }
0x96: {  	s4 =	sld [smem:$0x3FFD];
	_ =	sdelay $0x3  }
0x97: {  	_ =	strace s4  }
0x98: {  	_ =	strace $0x8FFFFFFF  }
0x99: {  	s19 =	sld [smem:$0x3FDB];
	_ =	sdelay $0x1  }
0x9a: {  	s5 =	simm.s32 $_scs_section_size  }
0x9b: {  	s6 =	simm.s32 $_size__tile_overlayer_lowered;
	s7 =	simm.s32 $_tile_overlayer_lowered  }
0x9c: {  	s22 =	simm.s32 $0x1BFF;
	s21 =	sshll.u32 s7, $0x1;
	s4 =	sadd.s32 s5, s19  }
0x9d: {  	s8 =	simm.s32 $0x0;
	s20 =	sshll.u32 s6, $0x1;
	s6 =	sadd.s32 s21, s4  }
0x9e: {  	[timem:s8], [sflag:s22] =	dma.local [hbm:s6], s20  }
0x9f: {  	_ =	swait.ge [sflag:s22], s20  }
0xa0: {  	s5 =	ssub.s32 $0x0, s20;
	[sflag:s22] =	ssyncset.done $0x0  }
0xa1: {  	[sflag:s22] =	ssyncadd.s32 s5;
	_ =	sdelay $0x1  }
0xa2: {  	s23 =	simm.s32 $0x1B8B  }
0xa3: {  	_ =	swait.ge [sflag:s23], $0x1  }
0xa4: {  	[sflag:s23] =	ssyncset.done $0x0  }
0xa5: {  	s25 =	simm.s32 $0x1B8E;
	s24 =	sld [smem:$0x3FFE];
	[sflag:s23] =	ssyncadd.s32 $0xFFFFFFFF  }
0xa6: {  	s26 =	simm.s32 $execute0_lowered;
	[smem:$0x3FD2] =	sst s25  }
0xa7: {  	s6 =	sshll.u32 s26, $0x1;
	_ =	strace $0x80000046;
	[dreg:$0x1] =	wrdreg $0xFFFFFFFF  }
0xa8: {  	s28 =	simm.s32 $_size_execute0_lowered;
	s4 =	sadd.s32 s4, s6;
	[dreg:$0x0] =	wrdreg $0x0  }
0xa9: {  	s6 =	sshll.u32 s28, $0x1;
	[dreg:$0x2] =	wrdreg s4  }
0xaa: {  	[dreg:$0x3] =	wrdreg s6  }
0xab: {  	[dreg:$0x4] =	wrdreg $0xC0  }
0xac: {  	_ =	task [dreg:s8], $0x5FFFF  }
0xad: {  	[dreg:$0x1] =	wrdreg $0xFFFFFFFF  }
0xae: {  	[dreg:$0x0] =	wrdreg $0x60  }
0xaf: {  	[dreg:$0x2] =	wrdreg s24  }
0xb0: {  	[dreg:$0x3] =	wrdreg s2  }
0xb1: {  	[dreg:$0x4] =	wrdreg s18  }
0xb2: {  	[dreg:$0x5] =	wrdreg $0x9  }
0xb3: {  	_ =	task.clear_ibuf [dreg:s8], $0x6FFFF;
	_ =	strace $0x90000046  }
0xb4: {  	s29 =	simm.s32 $0x9;
	_ =	strace $0x80000048  }
0xb5: {  	_ =	swait.ge [sflag:s29], $0x1  }
0xb6: {  	[sflag:s29] =	ssyncadd.s32 $0xFFFFFFFF  }
0xb7: {  	_ =	strace $0x90000048  }
0xb8: {  	_ =	sfence  }
0xb9: {  	s30 =	sld [smem:$0x0];
	_ =	sdelay $0x2  }
0xba: {  	s31 =	sshll.u32 s1, $0xD;
	s1 =	sshrl.u32 s1, $0x2  }
0xbb: {  	s3 =	sand.u32 $0x4000, s31;
	s1 =	sadd.s32 s1, s30  }
0xbc: {  	s0 =	sor.u32 s3, s0;
	s1 =	sshll.u32 s1, $0x11  }
0xbd: {  	s0 =	sor.u32 s1, s0  }
0xbe: {  	s0 =	sadd.s32 $0x8F2B, s0  }
0xbf: {  	[sflag:s0] =	ssyncadd.remote.s32 $0x1  }
0xc0: {  	_ =	sfence.sel $0xFFFF  }
0xc1: {  	[dreg:$0x0] =	wrdreg $0xFFFFFFFF;
	(pc) =	sbr.abs _section_cstart, $3  }
0xc2: {  	[dreg:$0x1] =	wrdreg $0xFFFFFFFF  }
0xc3: {  	_ =	task.clear_ibuf [dreg:s8], $0x2FFFF;
	_ =	strace $0x9FFFFFFF  }
0xc4: {  	(tm) =	ssettm $0x7FFFFFFF  }
0xc5: {  	_ =	shalt  }
tec
execute0_lowered:
.L_overlay_start_1:
0x0: {  	(tag) =	ssettag $0x1  }
0x1: {  	s0 =	srdreg.scid;
	s2 =	stileid.u32  }
0x2: {  	s1 =	sand.u32 $0x1, s0;
	s16 =	sshll.u32 s2, $0x1  }
0x3: {  	s3 =	rddreg [dreg:$0x0];
	s0 =	sor.u32 s1, s16  }
0x4: {  	s4 =	rddreg [dreg:$0x1];
	s6 =	smul.u32 $0x680, s0  }
0x5: {  	s5 =	rddreg [dreg:$0x2];
	s2 =	simm.s32 $0x0;
	s7 =	smul.u32 $0xD000, s0  }
0x6: {  	[smem:$0x7FF] =	sst s2;
	s0 =	smul.u32 $0x68000, s0;
	s4 =	sadd.s32 s4, s6  }
0x7: {  	_ =	strace $0x80000047;
	s17 =	sadd.s32 s5, s7;
	[dreg:$0x4] =	wrdreg s4  }
0x8: {  	s18 =	sadd.s32 $0x680, s17;
	[smem:$0x7DB] =	sst s17  }
0x9: {  	s0 =	sshrl.u32 s0, $0x3;
	s19 =	sadd.s32 $0xD00, s17;
	[dreg:$0x5] =	wrdreg s18  }
0xa: {  	s0 =	sadd.s32 s5, s0;
	s4 =	simm.s32 $0x4E0;
	[dreg:$0x6] =	wrdreg s19  }
0xb: {  	s20 =	sadd.s32 $0x1380, s0;
	[smem:$0x7E1] =	sst s4  }
0xc: {  	s21 =	sadd.s32 $0x1A00, s0;
	[dreg:$0x7] =	wrdreg s20  }
0xd: {  	s22 =	sadd.s32 $0x2080, s0;
	[dreg:$0x8] =	wrdreg s21  }
0xe: {  	s23 =	sadd.s32 $0x2700, s0;
	[dreg:$0x9] =	wrdreg s22  }
0xf: {  	s24 =	sadd.s32 $0x2D80, s0;
	[dreg:$0xa] =	wrdreg s23  }
0x10: {  	s25 =	sadd.s32 $0x3400, s0;
	[dreg:$0xb] =	wrdreg s24  }
0x11: {  	s26 =	sadd.s32 $0x3A80, s0;
	[dreg:$0xc] =	wrdreg s25  }
0x12: {  	s5 =	sadd.s32 $0x4100, s0;
	[dreg:$0xd] =	wrdreg s26  }
0x13: {  	s6 =	sadd.s32 $0x4780, s0;
	[dreg:$0xe] =	wrdreg s5  }
0x14: {  	s7 =	sadd.s32 $0x4E00, s0;
	[dreg:$0xf] =	wrdreg s6  }
0x15: {  	s8 =	sadd.s32 $0x5480, s0;
	[dreg:$0x10] =	wrdreg s7  }
0x16: {  	s9 =	sadd.s32 $0x5B00, s0;
	[dreg:$0x11] =	wrdreg s8  }
0x17: {  	s10 =	sadd.s32 $0x6180, s0;
	[dreg:$0x12] =	wrdreg s9  }
0x18: {  	s11 =	sadd.s32 $0x6800, s0;
	[dreg:$0x13] =	wrdreg s10  }
0x19: {  	s12 =	sadd.s32 $0x6E80, s0;
	[dreg:$0x14] =	wrdreg s11  }
0x1a: {  	s13 =	sadd.s32 $0x7500, s0;
	[dreg:$0x15] =	wrdreg s12  }
0x1b: {  	s14 =	sadd.s32 $0x7B80, s0;
	[dreg:$0x16] =	wrdreg s13  }
0x1c: {  	s15 =	sadd.s32 $0x8200, s0;
	[dreg:$0x17] =	wrdreg s14  }
0x1d: {  	s16 =	sadd.s32 $0x8880, s0;
	[dreg:$0x18] =	wrdreg s15  }
0x1e: {  	s17 =	sadd.s32 $0x8F00, s0;
	[dreg:$0x19] =	wrdreg s16  }
0x1f: {  	s18 =	sadd.s32 $0x9580, s0;
	[dreg:$0x1a] =	wrdreg s17  }
0x20: {  	s19 =	sadd.s32 $0x9C00, s0;
	[dreg:$0x1b] =	wrdreg s18  }
0x21: {  	[dreg:$0x1c] =	wrdreg s19;
	s20 =	sadd.s32 $0xA280, s0  }
0x22: {  	s21 =	sadd.s32 $0xA900, s0;
	[dreg:$0x1d] =	wrdreg s20  }
0x23: {  	s22 =	sadd.s32 $0xAF80, s0;
	[dreg:$0x1e] =	wrdreg s21  }
0x24: {  	s23 =	sadd.s32 $0xB600, s0;
	[dreg:$0x1f] =	wrdreg s22  }
0x25: {  	s24 =	sadd.s32 $0xBC80, s0;
	[smem:$0x7DC] =	sst s23  }
0x26: {  	s25 =	sadd.s32 $0xC300, s0;
	[smem:$0x7DD] =	sst s24  }
0x27: {  	s0 =	sadd.s32 $0xC980, s0;
	[smem:$0x7DE] =	sst s25  }
0x28: {  	s26 =	simm.s32 $0x340;
	[smem:$0x7DF] =	sst s0  }
0x29: {  	s31 =	simm.s32 $0x11;
	s5 =	simm.s32 $0x680;
	[smem:$0x7E0] =	sst s26  }
0x2a: {  	s28 =	simm.s32 $0x6;
	s6 =	simm.s32 $0x820;
	[smem:$0x7E2] =	sst s5  }
0x2b: {  	p0 =	por $0x0, $0x0;
	s7 =	simm.s32 $0x9C0;
	[smem:$0x7E3] =	sst s6  }
0x2c: {  	s29 =	simm.s32 $0x7;
	s8 =	simm.s32 $0xB60;
	[smem:$0x7E4] =	sst s7  }
0x2d: {  	s3 =	sadd.s32 $0xF42C00, s3;
	s9 =	simm.s32 $0xD00;
	[smem:$0x7E5] =	sst s8  }
0x2e: {  	s1 =	ssub.s32 $0x2, s1;
	s10 =	simm.s32 $0xEA0;
	[smem:$0x7E6] =	sst s9  }
0x2f: {  	s4 =	simm.s32 $0x16C00;
	s12 =	simm.s32 $0x1040;
	[smem:$0x7E7] =	sst s10  }
0x30: {  	s11 =	sshrl.u32 s1, $0x1;
	s13 =	simm.s32 $0x11E0;
	[smem:$0x7E8] =	sst s12  }
0x31: {  	s14 =	simm.s32 $0x1380;
	s15 =	simm.s32 $0x1520;
	[smem:$0x7E9] =	sst s13  }
0x32: {  	s16 =	simm.s32 $0x16C0;
	s18 =	simm.s32 $0x3400;
	[smem:$0x7EA] =	sst s14  }
0x33: {  	s17 =	simm.s32 $0x1860;
	s19 =	simm.s32 $0x1A00;
	[smem:$0x7EB] =	sst s15  }
0x34: {  	s1 =	ssub.s32 s1, s11;
	s12 =	simm.s32 $0x1A0;
	[smem:$0x7EC] =	sst s16  }
0x35: {  	s13 =	simm.s32 $0x6800;
	[smem:$0x7ED] =	sst s17;
	s11 =	simm.s32 $0x9C00  }
0x36: {  	[smem:$0x7EE] =	sst s19;
	s20 =	simm.s32 $0x1BA0;
	s9 =	simm.s32 $0xD000  }
0x37: {  	s21 =	simm.s32 $0x1D40;
	s7 =	simm.s32 $0x10400;
	s0 =	rddreg [dreg:$0x4]  }
0x38: {  	s22 =	simm.s32 $0x1EE0;
	s6 =	simm.s32 $0x13800;
	[smem:$0x7EF] =	sst s20  }
0x39: {  	s23 =	simm.s32 $0x2080;
	s24 =	simm.s32 $0x2220;
	[smem:$0x7F0] =	sst s21  }
0x3a: {  	s26 =	simm.s32 $0x1;
	s25 =	simm.s32 $0x23C0;
	[smem:$0x7F1] =	sst s22  }
0x3b: {  	s5 =	simm.s32 $0x1A000;
	s8 =	simm.s32 $0x2560;
	[smem:$0x7F2] =	sst s23  }
0x3c: {  	s10 =	simm.s32 $0x2700;
	s14 =	simm.s32 $0x28A0;
	[smem:$0x7F3] =	sst s24  }
0x3d: {  	s15 =	simm.s32 $0x2A40;
	s16 =	simm.s32 $0x2BE0;
	[smem:$0x7F4] =	sst s25  }
0x3e: {  	s17 =	simm.s32 $0x2D80;
	s19 =	simm.s32 $0x2F20;
	[smem:$0x7F5] =	sst s8  }
0x3f: {  	s1 =	smax.u32 s1, $0x1;
	s21 =	simm.s32 $0x2;
	[smem:$0x7F6] =	sst s10  }
0x40: {  	s8 =	simm.s32 $0x9;
	s22 =	simm.s32 $0x3;
	[smem:$0x7F7] =	sst s14  }
0x41: {  	s10 =	simm.s32 $0xA;
	[smem:$0x7F8] =	sst s15;
	s23 =	simm.s32 $0x4  }
0x42: {  	[smem:$0x7F9] =	sst s16;
	s14 =	simm.s32 $0xB;
	p1 =	sne.s32 s1, $0x1  }
.Ltmp0:
0x43: {  	[smem:$0x7FA] =	sst s17;
	s25 =	simm.s32 $0x5;
	(pc) =	sbr.rel @!p1 .LBB2_1-.Ltmp0, $4  }
0x44: {  	[smem:$0x7FB] =	sst s19;
	s20 =	simm.s32 $0x30C0;
	s15 =	simm.s32 $0xC  }
0x45: {  	s24 =	simm.s32 $0x3260;
	s19 =	simm.s32 $0xE;
	[smem:$0x7FC] =	sst s20  }
0x46: {  	s17 =	simm.s32 $0xF;
	s16 =	simm.s32 $0x10;
	[smem:$0x7FD] =	sst s24  }
0x47: {  	s30 =	sadd.s32 $0xFFFFFFFF, s1;
	s20 =	simm.s32 $0xD;
	s24 =	simm.s32 $0x8  }
0x48: {  	[tilespmem:s2], [sflag:$0x11] =	stream.linear.gather [hbm4b:s0+s2], $0x3400, $0x38;
	[tilespmem:$0x1D400] =	vst v63  }
0x49: {  	_ =	swait.ge [sflag:s31], $0x3400  }
0x4a: {  	[sflag:s31] =	ssyncset.done $0x0  }
0x4b: {  	[sflag:s31] =	ssyncadd.s32 $0xFFFFCC00  }
0x4c: {  	[tilespmem:s18], [sflag:$0x1] =	stream.indirect.gather [hbm4b:s3+s12], $0x20, s2, s12, $0xb8;
	[tilespmem:$0x1D400] =	vst v63  }
0x4d: {  	s0 =	sld [smem:$0x7E0]  }
0x4e: {  	[tilespmem:s13], [sflag:$0x2] =	stream.indirect.gather [hbm4b:s3+s12], $0x20, s12, s12, $0xb8;
	[tilespmem:$0x1D400] =	vst v63  }
0x4f: {  	s1 =	sld [smem:$0x7E1]  }
0x50: {  	[tilespmem:s11], [sflag:$0x3] =	stream.indirect.gather [hbm4b:s3+s12], $0x20, s0, s12, $0xb8;
	[tilespmem:$0x1D400] =	vst v63  }
0x51: {  	s0 =	sld [smem:$0x7E2]  }
0x52: {  	[tilespmem:s9], [sflag:$0x4] =	stream.indirect.gather [hbm4b:s3+s12], $0x20, s1, s12, $0xb8;
	[tilespmem:$0x1D400] =	vst v63  }
0x53: {  	s1 =	sld [smem:$0x7E3]  }
0x54: {  	[tilespmem:s7], [sflag:$0x5] =	stream.indirect.gather [hbm4b:s3+s12], $0x20, s0, s12, $0xb8;
	[tilespmem:$0x1D400] =	vst v63  }
0x55: {  	s0 =	sld [smem:$0x7E4]  }
0x56: {  	[tilespmem:s6], [sflag:$0x6] =	stream.indirect.gather [hbm4b:s3+s12], $0x20, s1, s12, $0xb8;
	[tilespmem:$0x1D400] =	vst v63  }
0x57: {  	_ = 	snop  }
0x58: {  	[tilespmem:s4], [sflag:$0x7] =	stream.indirect.gather [hbm4b:s3+s12], $0x20, s0, s12, $0xb8;
	[tilespmem:$0x1D400] =	vst v63  }
0x59: {  	_ =	swait.ge [sflag:s26], $0x3400  }
0x5a: {  	s1 =	sld [smem:$0x7DB]  }
0x5b: {  	[sflag:s26] =	ssyncset.done $0x0  }
0x5c: {  	s0 =	sld [smem:$0x7E5];
	[sflag:s26] =	ssyncadd.s32 $0xFFFFCC00  }
0x5d: {  	[hbm4b:s1+s2] =	stream.linear.scatter [tilespmem:s18], [sflag:$0x9], $0x3400, $0x38;
	[tilespmem:$0x1D400] =	vst v63  }
0x5e: {  	_ = 	snop  }
0x5f: {  	[tilespmem:s5], [sflag:$0x8] =	stream.indirect.gather [hbm4b:s3+s12], $0x20, s0, s12, $0xb8;
	[tilespmem:$0x1D400] =	vst v63  }
0x60: {  	_ =	swait.ge [sflag:s21], $0x3400  }
0x61: {  	[sflag:s21] =	ssyncset.done $0x0  }
0x62: {  	s1 =	rddreg [dreg:$0x5];
	[sflag:s21] =	ssyncadd.s32 $0xFFFFCC00  }
0x63: {  	[hbm4b:s1+s2] =	stream.linear.scatter [tilespmem:s13], [sflag:$0xA], $0x3400, $0x38;
	[tilespmem:$0x1D400] =	vst v63  }
0x64: {  	_ =	swait.ge [sflag:s8], $0x3400  }
0x65: {  	s1 =	sld [smem:$0x7E6]  }
0x66: {  	[sflag:s8] =	ssyncset.done $0x0  }
0x67: {  	[sflag:s8] =	ssyncadd.s32 $0xFFFFCC00  }
0x68: {  	[tilespmem:s18], [sflag:$0x1] =	stream.indirect.gather [hbm4b:s3+s12], $0x20, s1, s12, $0xb8;
	[tilespmem:$0x1D400] =	vst v63  }
0x69: {  	_ =	swait.ge [sflag:s22], $0x3400  }
0x6a: {  	[sflag:s22] =	ssyncset.done $0x0  }
0x6b: {  	s1 =	rddreg [dreg:$0x6];
	[sflag:s22] =	ssyncadd.s32 $0xFFFFCC00  }
0x6c: {  	[hbm4b:s1+s2] =	stream.linear.scatter [tilespmem:s11], [sflag:$0xB], $0x3400, $0x38;
	[tilespmem:$0x1D400] =	vst v63  }
0x6d: {  	_ =	swait.ge [sflag:s10], $0x3400  }
0x6e: {  	s1 =	sld [smem:$0x7E7]  }
0x6f: {  	[sflag:s10] =	ssyncset.done $0x0  }
0x70: {  	[sflag:s10] =	ssyncadd.s32 $0xFFFFCC00  }
0x71: {  	[tilespmem:s13], [sflag:$0x2] =	stream.indirect.gather [hbm4b:s3+s12], $0x20, s1, s12, $0xb8;
	[tilespmem:$0x1D400] =	vst v63  }
0x72: {  	_ =	swait.ge [sflag:s23], $0x3400  }
0x73: {  	[sflag:s23] =	ssyncset.done $0x0  }
0x74: {  	s1 =	rddreg [dreg:$0x7];
	[sflag:s23] =	ssyncadd.s32 $0xFFFFCC00  }
0x75: {  	[hbm4b:s1+s2] =	stream.linear.scatter [tilespmem:s9], [sflag:$0xC], $0x3400, $0x38;
	[tilespmem:$0x1D400] =	vst v63  }
0x76: {  	_ =	swait.ge [sflag:s14], $0x3400  }
0x77: {  	s1 =	sld [smem:$0x7E8]  }
0x78: {  	[sflag:s14] =	ssyncset.done $0x0  }
0x79: {  	[sflag:s14] =	ssyncadd.s32 $0xFFFFCC00  }
0x7a: {  	[tilespmem:s11], [sflag:$0x3] =	stream.indirect.gather [hbm4b:s3+s12], $0x20, s1, s12, $0xb8;
	[tilespmem:$0x1D400] =	vst v63  }
0x7b: {  	_ =	swait.ge [sflag:s25], $0x3400  }
0x7c: {  	[sflag:s25] =	ssyncset.done $0x0  }
0x7d: {  	s1 =	rddreg [dreg:$0x8];
	[sflag:s25] =	ssyncadd.s32 $0xFFFFCC00  }
0x7e: {  	[hbm4b:s1+s2] =	stream.linear.scatter [tilespmem:s7], [sflag:$0xD], $0x3400, $0x38;
	[tilespmem:$0x1D400] =	vst v63  }
0x7f: {  	_ =	swait.ge [sflag:s15], $0x3400  }
0x80: {  	s1 =	sld [smem:$0x7E9]  }
0x81: {  	[sflag:s15] =	ssyncset.done $0x0  }
0x82: {  	[sflag:s15] =	ssyncadd.s32 $0xFFFFCC00  }
0x83: {  	[tilespmem:s9], [sflag:$0x4] =	stream.indirect.gather [hbm4b:s3+s12], $0x20, s1, s12, $0xb8;
	[tilespmem:$0x1D400] =	vst v63  }
0x84: {  	_ =	swait.ge [sflag:s28], $0x3400  }
0x85: {  	[sflag:s28] =	ssyncset.done $0x0  }
0x86: {  	s1 =	rddreg [dreg:$0x9];
	[sflag:s28] =	ssyncadd.s32 $0xFFFFCC00  }
0x87: {  	[hbm4b:s1+s2] =	stream.linear.scatter [tilespmem:s6], [sflag:$0xE], $0x3400, $0x38;
	[tilespmem:$0x1D400] =	vst v63  }
0x88: {  	_ =	swait.ge [sflag:s20], $0x3400  }
0x89: {  	s1 =	sld [smem:$0x7EA]  }
0x8a: {  	[sflag:s20] =	ssyncset.done $0x0  }
0x8b: {  	[sflag:s20] =	ssyncadd.s32 $0xFFFFCC00  }
0x8c: {  	[tilespmem:s7], [sflag:$0x5] =	stream.indirect.gather [hbm4b:s3+s12], $0x20, s1, s12, $0xb8;
	[tilespmem:$0x1D400] =	vst v63  }
0x8d: {  	_ =	swait.ge [sflag:s29], $0x3400  }
0x8e: {  	[sflag:s29] =	ssyncset.done $0x0  }
0x8f: {  	s1 =	rddreg [dreg:$0xa];
	[sflag:s29] =	ssyncadd.s32 $0xFFFFCC00  }
0x90: {  	[hbm4b:s1+s2] =	stream.linear.scatter [tilespmem:s4], [sflag:$0xF], $0x3400, $0x38;
	[tilespmem:$0x1D400] =	vst v63  }
0x91: {  	_ =	swait.ge [sflag:s19], $0x3400  }
0x92: {  	s1 =	sld [smem:$0x7EB]  }
0x93: {  	[sflag:s19] =	ssyncset.done $0x0  }
0x94: {  	[sflag:s19] =	ssyncadd.s32 $0xFFFFCC00  }
0x95: {  	[tilespmem:s6], [sflag:$0x6] =	stream.indirect.gather [hbm4b:s3+s12], $0x20, s1, s12, $0xb8;
	[tilespmem:$0x1D400] =	vst v63  }
0x96: {  	_ =	swait.ge [sflag:s24], $0x3400  }
0x97: {  	[sflag:s24] =	ssyncset.done $0x0  }
0x98: {  	s1 =	rddreg [dreg:$0xb];
	[sflag:s24] =	ssyncadd.s32 $0xFFFFCC00  }
0x99: {  	[hbm4b:s1+s2] =	stream.linear.scatter [tilespmem:s5], [sflag:$0x10], $0x3400, $0x38;
	[tilespmem:$0x1D400] =	vst v63  }
0x9a: {  	_ =	swait.ge [sflag:s17], $0x3400  }
0x9b: {  	s1 =	sld [smem:$0x7EC]  }
0x9c: {  	[sflag:s17] =	ssyncset.done $0x0  }
0x9d: {  	[sflag:s17] =	ssyncadd.s32 $0xFFFFCC00  }
0x9e: {  	[tilespmem:s4], [sflag:$0x7] =	stream.indirect.gather [hbm4b:s3+s12], $0x20, s1, s12, $0xb8;
	[tilespmem:$0x1D400] =	vst v63  }
0x9f: {  	_ =	swait.ge [sflag:s26], $0x3400  }
0xa0: {  	[sflag:s26] =	ssyncset.done $0x0  }
0xa1: {  	s1 =	rddreg [dreg:$0xc];
	[sflag:s26] =	ssyncadd.s32 $0xFFFFCC00  }
0xa2: {  	[hbm4b:s1+s2] =	stream.linear.scatter [tilespmem:s18], [sflag:$0x9], $0x3400, $0x38;
	[tilespmem:$0x1D400] =	vst v63  }
0xa3: {  	_ =	swait.ge [sflag:s16], $0x3400  }
0xa4: {  	s1 =	sld [smem:$0x7ED]  }
0xa5: {  	[sflag:s16] =	ssyncset.done $0x0  }
0xa6: {  	[sflag:s16] =	ssyncadd.s32 $0xFFFFCC00  }
0xa7: {  	[tilespmem:s5], [sflag:$0x8] =	stream.indirect.gather [hbm4b:s3+s12], $0x20, s1, s12, $0xb8;
	[tilespmem:$0x1D400] =	vst v63  }
0xa8: {  	_ =	swait.ge [sflag:s21], $0x3400  }
0xa9: {  	[sflag:s21] =	ssyncset.done $0x0  }
0xaa: {  	s1 =	rddreg [dreg:$0xd];
	[sflag:s21] =	ssyncadd.s32 $0xFFFFCC00  }
0xab: {  	[hbm4b:s1+s2] =	stream.linear.scatter [tilespmem:s13], [sflag:$0xA], $0x3400, $0x38;
	[tilespmem:$0x1D400] =	vst v63  }
0xac: {  	_ =	swait.ge [sflag:s8], $0x3400  }
0xad: {  	s1 =	sld [smem:$0x7EE]  }
0xae: {  	[sflag:s8] =	ssyncset.done $0x0  }
0xaf: {  	[sflag:s8] =	ssyncadd.s32 $0xFFFFCC00  }
0xb0: {  	[tilespmem:s18], [sflag:$0x1] =	stream.indirect.gather [hbm4b:s3+s12], $0x20, s1, s12, $0xb8;
	[tilespmem:$0x1D400] =	vst v63  }
0xb1: {  	_ =	swait.ge [sflag:s22], $0x3400  }
0xb2: {  	[sflag:s22] =	ssyncset.done $0x0  }
0xb3: {  	s1 =	rddreg [dreg:$0xe];
	[sflag:s22] =	ssyncadd.s32 $0xFFFFCC00  }
0xb4: {  	[hbm4b:s1+s2] =	stream.linear.scatter [tilespmem:s11], [sflag:$0xB], $0x3400, $0x38;
	[tilespmem:$0x1D400] =	vst v63  }
0xb5: {  	_ =	swait.ge [sflag:s10], $0x3400  }
0xb6: {  	s1 =	sld [smem:$0x7EF]  }
0xb7: {  	[sflag:s10] =	ssyncset.done $0x0  }
0xb8: {  	[sflag:s10] =	ssyncadd.s32 $0xFFFFCC00  }
0xb9: {  	[tilespmem:s13], [sflag:$0x2] =	stream.indirect.gather [hbm4b:s3+s12], $0x20, s1, s12, $0xb8;
	[tilespmem:$0x1D400] =	vst v63  }
0xba: {  	_ =	swait.ge [sflag:s23], $0x3400  }
0xbb: {  	[sflag:s23] =	ssyncset.done $0x0  }
0xbc: {  	s1 =	rddreg [dreg:$0xf];
	[sflag:s23] =	ssyncadd.s32 $0xFFFFCC00  }
0xbd: {  	[hbm4b:s1+s2] =	stream.linear.scatter [tilespmem:s9], [sflag:$0xC], $0x3400, $0x38;
	[tilespmem:$0x1D400] =	vst v63  }
0xbe: {  	_ =	swait.ge [sflag:s14], $0x3400  }
0xbf: {  	s1 =	sld [smem:$0x7F0]  }
0xc0: {  	[sflag:s14] =	ssyncset.done $0x0  }
0xc1: {  	[sflag:s14] =	ssyncadd.s32 $0xFFFFCC00  }
0xc2: {  	[tilespmem:s11], [sflag:$0x3] =	stream.indirect.gather [hbm4b:s3+s12], $0x20, s1, s12, $0xb8;
	[tilespmem:$0x1D400] =	vst v63  }
0xc3: {  	_ =	swait.ge [sflag:s25], $0x3400  }
0xc4: {  	[sflag:s25] =	ssyncset.done $0x0  }
0xc5: {  	s1 =	rddreg [dreg:$0x10];
	[sflag:s25] =	ssyncadd.s32 $0xFFFFCC00  }
0xc6: {  	[hbm4b:s1+s2] =	stream.linear.scatter [tilespmem:s7], [sflag:$0xD], $0x3400, $0x38;
	[tilespmem:$0x1D400] =	vst v63  }
0xc7: {  	_ =	swait.ge [sflag:s15], $0x3400  }
0xc8: {  	s1 =	sld [smem:$0x7F1]  }
0xc9: {  	[sflag:s15] =	ssyncset.done $0x0  }
0xca: {  	[sflag:s15] =	ssyncadd.s32 $0xFFFFCC00  }
0xcb: {  	[tilespmem:s9], [sflag:$0x4] =	stream.indirect.gather [hbm4b:s3+s12], $0x20, s1, s12, $0xb8;
	[tilespmem:$0x1D400] =	vst v63  }
0xcc: {  	_ =	swait.ge [sflag:s28], $0x3400  }
0xcd: {  	[sflag:s28] =	ssyncset.done $0x0  }
0xce: {  	s1 =	rddreg [dreg:$0x11];
	[sflag:s28] =	ssyncadd.s32 $0xFFFFCC00  }
0xcf: {  	[hbm4b:s1+s2] =	stream.linear.scatter [tilespmem:s6], [sflag:$0xE], $0x3400, $0x38;
	[tilespmem:$0x1D400] =	vst v63  }
0xd0: {  	_ =	swait.ge [sflag:s20], $0x3400  }
0xd1: {  	s1 =	sld [smem:$0x7F2]  }
0xd2: {  	[sflag:s20] =	ssyncset.done $0x0  }
0xd3: {  	[sflag:s20] =	ssyncadd.s32 $0xFFFFCC00  }
0xd4: {  	[tilespmem:s7], [sflag:$0x5] =	stream.indirect.gather [hbm4b:s3+s12], $0x20, s1, s12, $0xb8;
	[tilespmem:$0x1D400] =	vst v63  }
0xd5: {  	_ =	swait.ge [sflag:s29], $0x3400  }
0xd6: {  	[sflag:s29] =	ssyncset.done $0x0  }
0xd7: {  	s1 =	rddreg [dreg:$0x12];
	[sflag:s29] =	ssyncadd.s32 $0xFFFFCC00  }
0xd8: {  	[hbm4b:s1+s2] =	stream.linear.scatter [tilespmem:s4], [sflag:$0xF], $0x3400, $0x38;
	[tilespmem:$0x1D400] =	vst v63  }
0xd9: {  	_ =	swait.ge [sflag:s19], $0x3400  }
0xda: {  	s1 =	sld [smem:$0x7F3]  }
0xdb: {  	[sflag:s19] =	ssyncset.done $0x0  }
0xdc: {  	[sflag:s19] =	ssyncadd.s32 $0xFFFFCC00  }
0xdd: {  	[tilespmem:s6], [sflag:$0x6] =	stream.indirect.gather [hbm4b:s3+s12], $0x20, s1, s12, $0xb8;
	[tilespmem:$0x1D400] =	vst v63  }
0xde: {  	_ =	swait.ge [sflag:s24], $0x3400  }
0xdf: {  	[sflag:s24] =	ssyncset.done $0x0  }
0xe0: {  	s1 =	rddreg [dreg:$0x13];
	[sflag:s24] =	ssyncadd.s32 $0xFFFFCC00  }
0xe1: {  	[hbm4b:s1+s2] =	stream.linear.scatter [tilespmem:s5], [sflag:$0x10], $0x3400, $0x38;
	[tilespmem:$0x1D400] =	vst v63  }
0xe2: {  	_ =	swait.ge [sflag:s17], $0x3400  }
0xe3: {  	s1 =	sld [smem:$0x7F4]  }
0xe4: {  	[sflag:s17] =	ssyncset.done $0x0  }
0xe5: {  	[sflag:s17] =	ssyncadd.s32 $0xFFFFCC00  }
0xe6: {  	[tilespmem:s4], [sflag:$0x7] =	stream.indirect.gather [hbm4b:s3+s12], $0x20, s1, s12, $0xb8;
	[tilespmem:$0x1D400] =	vst v63  }
0xe7: {  	_ =	swait.ge [sflag:s26], $0x3400  }
0xe8: {  	[sflag:s26] =	ssyncset.done $0x0  }
0xe9: {  	s1 =	rddreg [dreg:$0x14];
	[sflag:s26] =	ssyncadd.s32 $0xFFFFCC00  }
0xea: {  	[hbm4b:s1+s2] =	stream.linear.scatter [tilespmem:s18], [sflag:$0x9], $0x3400, $0x38;
	[tilespmem:$0x1D400] =	vst v63  }
0xeb: {  	_ =	swait.ge [sflag:s16], $0x3400  }
0xec: {  	s1 =	sld [smem:$0x7F5]  }
0xed: {  	[sflag:s16] =	ssyncset.done $0x0  }
0xee: {  	[sflag:s16] =	ssyncadd.s32 $0xFFFFCC00  }
0xef: {  	[tilespmem:s5], [sflag:$0x8] =	stream.indirect.gather [hbm4b:s3+s12], $0x20, s1, s12, $0xb8;
	[tilespmem:$0x1D400] =	vst v63  }
0xf0: {  	_ =	swait.ge [sflag:s21], $0x3400  }
0xf1: {  	[sflag:s21] =	ssyncset.done $0x0  }
0xf2: {  	s1 =	rddreg [dreg:$0x15];
	[sflag:s21] =	ssyncadd.s32 $0xFFFFCC00  }
0xf3: {  	[hbm4b:s1+s2] =	stream.linear.scatter [tilespmem:s13], [sflag:$0xA], $0x3400, $0x38;
	[tilespmem:$0x1D400] =	vst v63  }
0xf4: {  	_ =	swait.ge [sflag:s8], $0x3400  }
0xf5: {  	s1 =	sld [smem:$0x7F6]  }
0xf6: {  	[sflag:s8] =	ssyncset.done $0x0  }
0xf7: {  	[sflag:s8] =	ssyncadd.s32 $0xFFFFCC00  }
0xf8: {  	[tilespmem:s18], [sflag:$0x1] =	stream.indirect.gather [hbm4b:s3+s12], $0x20, s1, s12, $0xb8;
	[tilespmem:$0x1D400] =	vst v63  }
0xf9: {  	_ =	swait.ge [sflag:s22], $0x3400  }
0xfa: {  	[sflag:s22] =	ssyncset.done $0x0  }
0xfb: {  	s1 =	rddreg [dreg:$0x16];
	[sflag:s22] =	ssyncadd.s32 $0xFFFFCC00  }
0xfc: {  	[hbm4b:s1+s2] =	stream.linear.scatter [tilespmem:s11], [sflag:$0xB], $0x3400, $0x38;
	[tilespmem:$0x1D400] =	vst v63  }
0xfd: {  	_ =	swait.ge [sflag:s10], $0x3400  }
0xfe: {  	s1 =	sld [smem:$0x7F7]  }
0xff: {  	[sflag:s10] =	ssyncset.done $0x0  }
0x100: {  	[sflag:s10] =	ssyncadd.s32 $0xFFFFCC00  }
0x101: {  	[tilespmem:s13], [sflag:$0x2] =	stream.indirect.gather [hbm4b:s3+s12], $0x20, s1, s12, $0xb8;
	[tilespmem:$0x1D400] =	vst v63  }
0x102: {  	_ =	swait.ge [sflag:s23], $0x3400  }
0x103: {  	[sflag:s23] =	ssyncset.done $0x0  }
0x104: {  	s1 =	rddreg [dreg:$0x17];
	[sflag:s23] =	ssyncadd.s32 $0xFFFFCC00  }
0x105: {  	[hbm4b:s1+s2] =	stream.linear.scatter [tilespmem:s9], [sflag:$0xC], $0x3400, $0x38;
	[tilespmem:$0x1D400] =	vst v63  }
0x106: {  	_ =	swait.ge [sflag:s14], $0x3400  }
0x107: {  	s1 =	sld [smem:$0x7F8]  }
0x108: {  	[sflag:s14] =	ssyncset.done $0x0  }
0x109: {  	[sflag:s14] =	ssyncadd.s32 $0xFFFFCC00  }
0x10a: {  	[tilespmem:s11], [sflag:$0x3] =	stream.indirect.gather [hbm4b:s3+s12], $0x20, s1, s12, $0xb8;
	[tilespmem:$0x1D400] =	vst v63  }
0x10b: {  	_ =	swait.ge [sflag:s25], $0x3400  }
0x10c: {  	[sflag:s25] =	ssyncset.done $0x0  }
0x10d: {  	s1 =	rddreg [dreg:$0x18];
	[sflag:s25] =	ssyncadd.s32 $0xFFFFCC00  }
0x10e: {  	[hbm4b:s1+s2] =	stream.linear.scatter [tilespmem:s7], [sflag:$0xD], $0x3400, $0x38;
	[tilespmem:$0x1D400] =	vst v63  }
0x10f: {  	_ =	swait.ge [sflag:s15], $0x3400  }
0x110: {  	s1 =	sld [smem:$0x7F9]  }
0x111: {  	[sflag:s15] =	ssyncset.done $0x0  }
0x112: {  	[sflag:s15] =	ssyncadd.s32 $0xFFFFCC00  }
0x113: {  	[tilespmem:s9], [sflag:$0x4] =	stream.indirect.gather [hbm4b:s3+s12], $0x20, s1, s12, $0xb8;
	[tilespmem:$0x1D400] =	vst v63  }
0x114: {  	_ =	swait.ge [sflag:s28], $0x3400  }
0x115: {  	[sflag:s28] =	ssyncset.done $0x0  }
0x116: {  	s1 =	rddreg [dreg:$0x19];
	[sflag:s28] =	ssyncadd.s32 $0xFFFFCC00  }
0x117: {  	[hbm4b:s1+s2] =	stream.linear.scatter [tilespmem:s6], [sflag:$0xE], $0x3400, $0x38;
	[tilespmem:$0x1D400] =	vst v63  }
0x118: {  	_ =	swait.ge [sflag:s20], $0x3400  }
0x119: {  	s1 =	sld [smem:$0x7FA]  }
0x11a: {  	[sflag:s20] =	ssyncset.done $0x0  }
0x11b: {  	[sflag:s20] =	ssyncadd.s32 $0xFFFFCC00  }
0x11c: {  	[tilespmem:s7], [sflag:$0x5] =	stream.indirect.gather [hbm4b:s3+s12], $0x20, s1, s12, $0xb8;
	[tilespmem:$0x1D400] =	vst v63  }
0x11d: {  	_ =	swait.ge [sflag:s29], $0x3400  }
0x11e: {  	[sflag:s29] =	ssyncset.done $0x0  }
0x11f: {  	s1 =	rddreg [dreg:$0x1a];
	[sflag:s29] =	ssyncadd.s32 $0xFFFFCC00  }
0x120: {  	[hbm4b:s1+s2] =	stream.linear.scatter [tilespmem:s4], [sflag:$0xF], $0x3400, $0x38;
	[tilespmem:$0x1D400] =	vst v63  }
0x121: {  	_ =	swait.ge [sflag:s19], $0x3400  }
0x122: {  	s1 =	sld [smem:$0x7FB]  }
0x123: {  	[sflag:s19] =	ssyncset.done $0x0  }
0x124: {  	[sflag:s19] =	ssyncadd.s32 $0xFFFFCC00  }
0x125: {  	[tilespmem:s6], [sflag:$0x6] =	stream.indirect.gather [hbm4b:s3+s12], $0x20, s1, s12, $0xb8;
	[tilespmem:$0x1D400] =	vst v63  }
0x126: {  	_ =	swait.ge [sflag:s24], $0x3400  }
0x127: {  	[sflag:s24] =	ssyncset.done $0x0  }
0x128: {  	s1 =	rddreg [dreg:$0x1b];
	[sflag:s24] =	ssyncadd.s32 $0xFFFFCC00  }
0x129: {  	[hbm4b:s1+s2] =	stream.linear.scatter [tilespmem:s5], [sflag:$0x10], $0x3400, $0x38;
	[tilespmem:$0x1D400] =	vst v63  }
0x12a: {  	_ =	swait.ge [sflag:s17], $0x3400  }
0x12b: {  	s1 =	sld [smem:$0x7FC]  }
0x12c: {  	[sflag:s17] =	ssyncset.done $0x0  }
0x12d: {  	[sflag:s17] =	ssyncadd.s32 $0xFFFFCC00  }
0x12e: {  	[tilespmem:s4], [sflag:$0x7] =	stream.indirect.gather [hbm4b:s3+s12], $0x20, s1, s12, $0xb8;
	[tilespmem:$0x1D400] =	vst v63  }
0x12f: {  	_ =	swait.ge [sflag:s26], $0x3400  }
0x130: {  	[sflag:s26] =	ssyncset.done $0x0  }
0x131: {  	s1 =	rddreg [dreg:$0x1c];
	[sflag:s26] =	ssyncadd.s32 $0xFFFFCC00  }
0x132: {  	[hbm4b:s1+s2] =	stream.linear.scatter [tilespmem:s18], [sflag:$0x9], $0x3400, $0x38;
	[tilespmem:$0x1D400] =	vst v63  }
0x133: {  	_ =	swait.ge [sflag:s16], $0x3400  }
0x134: {  	s1 =	sld [smem:$0x7FD]  }
0x135: {  	[sflag:s16] =	ssyncset.done $0x0  }
0x136: {  	[sflag:s16] =	ssyncadd.s32 $0xFFFFCC00  }
0x137: {  	[tilespmem:s5], [sflag:$0x8] =	stream.indirect.gather [hbm4b:s3+s12], $0x20, s1, s12, $0xb8;
	[tilespmem:$0x1D400] =	vst v63  }
0x138: {  	_ =	swait.ge [sflag:s21], $0x3400  }
0x139: {  	[sflag:s21] =	ssyncset.done $0x0  }
0x13a: {  	s1 =	rddreg [dreg:$0x1d];
	[sflag:s21] =	ssyncadd.s32 $0xFFFFCC00  }
0x13b: {  	[hbm4b:s1+s2] =	stream.linear.scatter [tilespmem:s13], [sflag:$0xA], $0x3400, $0x38;
	[tilespmem:$0x1D400] =	vst v63  }
0x13c: {  	_ =	swait.ge [sflag:s22], $0x3400  }
0x13d: {  	[sflag:s22] =	ssyncset.done $0x0  }
0x13e: {  	s1 =	rddreg [dreg:$0x1e];
	[sflag:s22] =	ssyncadd.s32 $0xFFFFCC00  }
0x13f: {  	[hbm4b:s1+s2] =	stream.linear.scatter [tilespmem:s11], [sflag:$0xB], $0x3400, $0x38;
	[tilespmem:$0x1D400] =	vst v63  }
0x140: {  	_ =	swait.ge [sflag:s23], $0x3400  }
0x141: {  	[sflag:s23] =	ssyncset.done $0x0  }
0x142: {  	s1 =	rddreg [dreg:$0x1f];
	[sflag:s23] =	ssyncadd.s32 $0xFFFFCC00  }
0x143: {  	[hbm4b:s1+s2] =	stream.linear.scatter [tilespmem:s9], [sflag:$0xC], $0x3400, $0x38;
	[tilespmem:$0x1D400] =	vst v63  }
0x144: {  	_ =	swait.ge [sflag:s25], $0x3400  }
0x145: {  	s1 =	sld [smem:$0x7DC]  }
0x146: {  	[sflag:s25] =	ssyncset.done $0x0  }
0x147: {  	[sflag:s25] =	ssyncadd.s32 $0xFFFFCC00  }
0x148: {  	[hbm4b:s1+s2] =	stream.linear.scatter [tilespmem:s7], [sflag:$0xD], $0x3400, $0x38;
	[tilespmem:$0x1D400] =	vst v63  }
0x149: {  	_ =	swait.ge [sflag:s28], $0x3400  }
0x14a: {  	s1 =	sld [smem:$0x7DD]  }
0x14b: {  	[sflag:s28] =	ssyncset.done $0x0  }
0x14c: {  	[sflag:s28] =	ssyncadd.s32 $0xFFFFCC00  }
0x14d: {  	[hbm4b:s1+s2] =	stream.linear.scatter [tilespmem:s6], [sflag:$0xE], $0x3400, $0x38;
	[tilespmem:$0x1D400] =	vst v63  }
0x14e: {  	_ =	swait.ge [sflag:s29], $0x3400  }
0x14f: {  	s1 =	sld [smem:$0x7DE]  }
0x150: {  	[sflag:s29] =	ssyncset.done $0x0  }
0x151: {  	[sflag:s29] =	ssyncadd.s32 $0xFFFFCC00  }
0x152: {  	[hbm4b:s1+s2] =	stream.linear.scatter [tilespmem:s4], [sflag:$0xF], $0x3400, $0x38;
	[tilespmem:$0x1D400] =	vst v63  }
0x153: {  	_ =	swait.ge [sflag:s24], $0x3400  }
0x154: {  	s1 =	sld [smem:$0x7DF]  }
0x155: {  	[sflag:s24] =	ssyncset.done $0x0  }
0x156: {  	[sflag:s24] =	ssyncadd.s32 $0xFFFFCC00  }
0x157: {  	[hbm4b:s1+s2] =	stream.linear.scatter [tilespmem:s5], [sflag:$0x10], $0x3400, $0x38;
	[tilespmem:$0x1D400] =	vst v63  }
0x158: {  	_ =	swait.ge [sflag:s8], $0x3400  }
0x159: {  	[sflag:s8] =	ssyncset.done $0x0  }
0x15a: {  	[sflag:s8] =	ssyncadd.s32 $0xFFFFCC00  }
0x15b: {  	_ =	swait.ge [sflag:s10], $0x3400  }
0x15c: {  	[sflag:s10] =	ssyncset.done $0x0  }
0x15d: {  	[sflag:s10] =	ssyncadd.s32 $0xFFFFCC00  }
0x15e: {  	_ =	swait.ge [sflag:s14], $0x3400  }
0x15f: {  	[sflag:s14] =	ssyncset.done $0x0  }
0x160: {  	[sflag:s14] =	ssyncadd.s32 $0xFFFFCC00  }
0x161: {  	_ =	swait.ge [sflag:s15], $0x3400  }
0x162: {  	[sflag:s15] =	ssyncset.done $0x0  }
0x163: {  	[sflag:s15] =	ssyncadd.s32 $0xFFFFCC00  }
0x164: {  	_ =	swait.ge [sflag:s20], $0x3400  }
0x165: {  	[sflag:s20] =	ssyncset.done $0x0  }
0x166: {  	[sflag:s20] =	ssyncadd.s32 $0xFFFFCC00  }
0x167: {  	_ =	swait.ge [sflag:s19], $0x3400  }
0x168: {  	[sflag:s19] =	ssyncset.done $0x0  }
0x169: {  	p1 =	sne.s32 s30, $0x1;
	[sflag:s19] =	ssyncadd.s32 $0xFFFFCC00  }
.Ltmp1:
0x16a: {  	_ =	swait.ge [sflag:s17], $0x3400;
	(pc) =	sbr.rel @!p1 .LBB2_3-.Ltmp1, $4  }
0x16b: {  	[sflag:s17] =	ssyncset.done $0x0  }
0x16c: {  	[sflag:s17] =	ssyncadd.s32 $0xFFFFCC00  }
0x16d: {  	p0 =	por $0x1, $0x1;
	_ =	swait.ge [sflag:s16], $0x3400  }
0x16e: {  	s1 =	sadd.s32 $0xFFFFFFFF, s30;
	s0 =	rddreg [dreg:$0x4];
	[sflag:s16] =	ssyncset.done $0x0  }
.LBB2_4:
0x16f: {  	[sflag:s16] =	ssyncadd.s32 $0xFFFFCC00  }
0x170: {  	[tilespmem:s2], [sflag:$0x11] =	stream.linear.gather [hbm4b:s0+s2], $0x3400, $0x38;
	[tilespmem:$0x1D400] =	vst v63  }
0x171: {  	_ =	swait.ge [sflag:s31], $0x3400  }
0x172: {  	[sflag:s31] =	ssyncset.done $0x0  }
0x173: {  	[sflag:s31] =	ssyncadd.s32 $0xFFFFCC00  }
0x174: {  	[tilespmem:s18], [sflag:$0x1] =	stream.indirect.gather [hbm4b:s3+s12], $0x20, s2, s12, $0xb8;
	[tilespmem:$0x1D400] =	vst v63  }
0x175: {  	s0 =	sld [smem:$0x7E0]  }
0x176: {  	[tilespmem:s13], [sflag:$0x2] =	stream.indirect.gather [hbm4b:s3+s12], $0x20, s12, s12, $0xb8;
	[tilespmem:$0x1D400] =	vst v63  }
0x177: {  	s30 =	sld [smem:$0x7E1]  }
0x178: {  	[tilespmem:s11], [sflag:$0x3] =	stream.indirect.gather [hbm4b:s3+s12], $0x20, s0, s12, $0xb8;
	[tilespmem:$0x1D400] =	vst v63  }
0x179: {  	s0 =	sld [smem:$0x7E2]  }
0x17a: {  	[tilespmem:s9], [sflag:$0x4] =	stream.indirect.gather [hbm4b:s3+s12], $0x20, s30, s12, $0xb8;
	[tilespmem:$0x1D400] =	vst v63  }
0x17b: {  	s30 =	sld [smem:$0x7E3]  }
0x17c: {  	[tilespmem:s7], [sflag:$0x5] =	stream.indirect.gather [hbm4b:s3+s12], $0x20, s0, s12, $0xb8;
	[tilespmem:$0x1D400] =	vst v63  }
0x17d: {  	s0 =	sld [smem:$0x7E4]  }
0x17e: {  	[tilespmem:s6], [sflag:$0x6] =	stream.indirect.gather [hbm4b:s3+s12], $0x20, s30, s12, $0xb8;
	[tilespmem:$0x1D400] =	vst v63  }
0x17f: {  	_ = 	snop  }
0x180: {  	[tilespmem:s4], [sflag:$0x7] =	stream.indirect.gather [hbm4b:s3+s12], $0x20, s0, s12, $0xb8;
	[tilespmem:$0x1D400] =	vst v63  }
0x181: {  	_ =	swait.ge [sflag:s26], $0x3400  }
0x182: {  	s30 =	sld [smem:$0x7DB]  }
0x183: {  	[sflag:s26] =	ssyncset.done $0x0  }
0x184: {  	s0 =	sld [smem:$0x7E5];
	[sflag:s26] =	ssyncadd.s32 $0xFFFFCC00  }
0x185: {  	[hbm4b:s30+s2] =	stream.linear.scatter [tilespmem:s18], [sflag:$0x9], $0x3400, $0x38;
	[tilespmem:$0x1D400] =	vst v63  }
0x186: {  	_ = 	snop  }
0x187: {  	[tilespmem:s5], [sflag:$0x8] =	stream.indirect.gather [hbm4b:s3+s12], $0x20, s0, s12, $0xb8;
	[tilespmem:$0x1D400] =	vst v63  }
0x188: {  	_ =	swait.ge [sflag:s21], $0x3400  }
0x189: {  	[sflag:s21] =	ssyncset.done $0x0  }
0x18a: {  	s30 =	rddreg [dreg:$0x5];
	[sflag:s21] =	ssyncadd.s32 $0xFFFFCC00  }
0x18b: {  	[hbm4b:s30+s2] =	stream.linear.scatter [tilespmem:s13], [sflag:$0xA], $0x3400, $0x38;
	[tilespmem:$0x1D400] =	vst v63  }
0x18c: {  	_ =	swait.ge [sflag:s8], $0x3400  }
0x18d: {  	s30 =	sld [smem:$0x7E6]  }
0x18e: {  	[sflag:s8] =	ssyncset.done $0x0  }
0x18f: {  	[sflag:s8] =	ssyncadd.s32 $0xFFFFCC00  }
0x190: {  	[tilespmem:s18], [sflag:$0x1] =	stream.indirect.gather [hbm4b:s3+s12], $0x20, s30, s12, $0xb8;
	[tilespmem:$0x1D400] =	vst v63  }
0x191: {  	_ =	swait.ge [sflag:s22], $0x3400  }
0x192: {  	[sflag:s22] =	ssyncset.done $0x0  }
0x193: {  	s30 =	rddreg [dreg:$0x6];
	[sflag:s22] =	ssyncadd.s32 $0xFFFFCC00  }
0x194: {  	[hbm4b:s30+s2] =	stream.linear.scatter [tilespmem:s11], [sflag:$0xB], $0x3400, $0x38;
	[tilespmem:$0x1D400] =	vst v63  }
0x195: {  	_ =	swait.ge [sflag:s10], $0x3400  }
0x196: {  	s30 =	sld [smem:$0x7E7]  }
0x197: {  	[sflag:s10] =	ssyncset.done $0x0  }
0x198: {  	[sflag:s10] =	ssyncadd.s32 $0xFFFFCC00  }
0x199: {  	[tilespmem:s13], [sflag:$0x2] =	stream.indirect.gather [hbm4b:s3+s12], $0x20, s30, s12, $0xb8;
	[tilespmem:$0x1D400] =	vst v63  }
0x19a: {  	_ =	swait.ge [sflag:s23], $0x3400  }
0x19b: {  	[sflag:s23] =	ssyncset.done $0x0  }
0x19c: {  	s30 =	rddreg [dreg:$0x7];
	[sflag:s23] =	ssyncadd.s32 $0xFFFFCC00  }
0x19d: {  	[hbm4b:s30+s2] =	stream.linear.scatter [tilespmem:s9], [sflag:$0xC], $0x3400, $0x38;
	[tilespmem:$0x1D400] =	vst v63  }
0x19e: {  	_ =	swait.ge [sflag:s14], $0x3400  }
0x19f: {  	s30 =	sld [smem:$0x7E8]  }
0x1a0: {  	[sflag:s14] =	ssyncset.done $0x0  }
0x1a1: {  	[sflag:s14] =	ssyncadd.s32 $0xFFFFCC00  }
0x1a2: {  	[tilespmem:s11], [sflag:$0x3] =	stream.indirect.gather [hbm4b:s3+s12], $0x20, s30, s12, $0xb8;
	[tilespmem:$0x1D400] =	vst v63  }
0x1a3: {  	_ =	swait.ge [sflag:s25], $0x3400  }
0x1a4: {  	[sflag:s25] =	ssyncset.done $0x0  }
0x1a5: {  	s30 =	rddreg [dreg:$0x8];
	[sflag:s25] =	ssyncadd.s32 $0xFFFFCC00  }
0x1a6: {  	[hbm4b:s30+s2] =	stream.linear.scatter [tilespmem:s7], [sflag:$0xD], $0x3400, $0x38;
	[tilespmem:$0x1D400] =	vst v63  }
0x1a7: {  	_ =	swait.ge [sflag:s15], $0x3400  }
0x1a8: {  	s30 =	sld [smem:$0x7E9]  }
0x1a9: {  	[sflag:s15] =	ssyncset.done $0x0  }
0x1aa: {  	[sflag:s15] =	ssyncadd.s32 $0xFFFFCC00  }
0x1ab: {  	[tilespmem:s9], [sflag:$0x4] =	stream.indirect.gather [hbm4b:s3+s12], $0x20, s30, s12, $0xb8;
	[tilespmem:$0x1D400] =	vst v63  }
0x1ac: {  	_ =	swait.ge [sflag:s28], $0x3400  }
0x1ad: {  	[sflag:s28] =	ssyncset.done $0x0  }
0x1ae: {  	s30 =	rddreg [dreg:$0x9];
	[sflag:s28] =	ssyncadd.s32 $0xFFFFCC00  }
0x1af: {  	[hbm4b:s30+s2] =	stream.linear.scatter [tilespmem:s6], [sflag:$0xE], $0x3400, $0x38;
	[tilespmem:$0x1D400] =	vst v63  }
0x1b0: {  	_ =	swait.ge [sflag:s20], $0x3400  }
0x1b1: {  	s30 =	sld [smem:$0x7EA]  }
0x1b2: {  	[sflag:s20] =	ssyncset.done $0x0  }
0x1b3: {  	[sflag:s20] =	ssyncadd.s32 $0xFFFFCC00  }
0x1b4: {  	[tilespmem:s7], [sflag:$0x5] =	stream.indirect.gather [hbm4b:s3+s12], $0x20, s30, s12, $0xb8;
	[tilespmem:$0x1D400] =	vst v63  }
0x1b5: {  	_ =	swait.ge [sflag:s29], $0x3400  }
0x1b6: {  	[sflag:s29] =	ssyncset.done $0x0  }
0x1b7: {  	s30 =	rddreg [dreg:$0xa];
	[sflag:s29] =	ssyncadd.s32 $0xFFFFCC00  }
0x1b8: {  	[hbm4b:s30+s2] =	stream.linear.scatter [tilespmem:s4], [sflag:$0xF], $0x3400, $0x38;
	[tilespmem:$0x1D400] =	vst v63  }
0x1b9: {  	_ =	swait.ge [sflag:s19], $0x3400  }
0x1ba: {  	s30 =	sld [smem:$0x7EB]  }
0x1bb: {  	[sflag:s19] =	ssyncset.done $0x0  }
0x1bc: {  	[sflag:s19] =	ssyncadd.s32 $0xFFFFCC00  }
0x1bd: {  	[tilespmem:s6], [sflag:$0x6] =	stream.indirect.gather [hbm4b:s3+s12], $0x20, s30, s12, $0xb8;
	[tilespmem:$0x1D400] =	vst v63  }
0x1be: {  	_ =	swait.ge [sflag:s24], $0x3400  }
0x1bf: {  	[sflag:s24] =	ssyncset.done $0x0  }
0x1c0: {  	s30 =	rddreg [dreg:$0xb];
	[sflag:s24] =	ssyncadd.s32 $0xFFFFCC00  }
0x1c1: {  	[hbm4b:s30+s2] =	stream.linear.scatter [tilespmem:s5], [sflag:$0x10], $0x3400, $0x38;
	[tilespmem:$0x1D400] =	vst v63  }
0x1c2: {  	_ =	swait.ge [sflag:s17], $0x3400  }
0x1c3: {  	s30 =	sld [smem:$0x7EC]  }
0x1c4: {  	[sflag:s17] =	ssyncset.done $0x0  }
0x1c5: {  	[sflag:s17] =	ssyncadd.s32 $0xFFFFCC00  }
0x1c6: {  	[tilespmem:s4], [sflag:$0x7] =	stream.indirect.gather [hbm4b:s3+s12], $0x20, s30, s12, $0xb8;
	[tilespmem:$0x1D400] =	vst v63  }
0x1c7: {  	_ =	swait.ge [sflag:s26], $0x3400  }
0x1c8: {  	[sflag:s26] =	ssyncset.done $0x0  }
0x1c9: {  	s30 =	rddreg [dreg:$0xc];
	[sflag:s26] =	ssyncadd.s32 $0xFFFFCC00  }
0x1ca: {  	[hbm4b:s30+s2] =	stream.linear.scatter [tilespmem:s18], [sflag:$0x9], $0x3400, $0x38;
	[tilespmem:$0x1D400] =	vst v63  }
0x1cb: {  	_ =	swait.ge [sflag:s16], $0x3400  }
0x1cc: {  	s30 =	sld [smem:$0x7ED]  }
0x1cd: {  	[sflag:s16] =	ssyncset.done $0x0  }
0x1ce: {  	[sflag:s16] =	ssyncadd.s32 $0xFFFFCC00  }
0x1cf: {  	[tilespmem:s5], [sflag:$0x8] =	stream.indirect.gather [hbm4b:s3+s12], $0x20, s30, s12, $0xb8;
	[tilespmem:$0x1D400] =	vst v63  }
0x1d0: {  	_ =	swait.ge [sflag:s21], $0x3400  }
0x1d1: {  	[sflag:s21] =	ssyncset.done $0x0  }
0x1d2: {  	s30 =	rddreg [dreg:$0xd];
	[sflag:s21] =	ssyncadd.s32 $0xFFFFCC00  }
0x1d3: {  	[hbm4b:s30+s2] =	stream.linear.scatter [tilespmem:s13], [sflag:$0xA], $0x3400, $0x38;
	[tilespmem:$0x1D400] =	vst v63  }
0x1d4: {  	_ =	swait.ge [sflag:s8], $0x3400  }
0x1d5: {  	s30 =	sld [smem:$0x7EE]  }
0x1d6: {  	[sflag:s8] =	ssyncset.done $0x0  }
0x1d7: {  	[sflag:s8] =	ssyncadd.s32 $0xFFFFCC00  }
0x1d8: {  	[tilespmem:s18], [sflag:$0x1] =	stream.indirect.gather [hbm4b:s3+s12], $0x20, s30, s12, $0xb8;
	[tilespmem:$0x1D400] =	vst v63  }
0x1d9: {  	_ =	swait.ge [sflag:s22], $0x3400  }
0x1da: {  	[sflag:s22] =	ssyncset.done $0x0  }
0x1db: {  	s30 =	rddreg [dreg:$0xe];
	[sflag:s22] =	ssyncadd.s32 $0xFFFFCC00  }
0x1dc: {  	[hbm4b:s30+s2] =	stream.linear.scatter [tilespmem:s11], [sflag:$0xB], $0x3400, $0x38;
	[tilespmem:$0x1D400] =	vst v63  }
0x1dd: {  	_ =	swait.ge [sflag:s10], $0x3400  }
0x1de: {  	s30 =	sld [smem:$0x7EF]  }
0x1df: {  	[sflag:s10] =	ssyncset.done $0x0  }
0x1e0: {  	[sflag:s10] =	ssyncadd.s32 $0xFFFFCC00  }
0x1e1: {  	[tilespmem:s13], [sflag:$0x2] =	stream.indirect.gather [hbm4b:s3+s12], $0x20, s30, s12, $0xb8;
	[tilespmem:$0x1D400] =	vst v63  }
0x1e2: {  	_ =	swait.ge [sflag:s23], $0x3400  }
0x1e3: {  	[sflag:s23] =	ssyncset.done $0x0  }
0x1e4: {  	s30 =	rddreg [dreg:$0xf];
	[sflag:s23] =	ssyncadd.s32 $0xFFFFCC00  }
0x1e5: {  	[hbm4b:s30+s2] =	stream.linear.scatter [tilespmem:s9], [sflag:$0xC], $0x3400, $0x38;
	[tilespmem:$0x1D400] =	vst v63  }
0x1e6: {  	_ =	swait.ge [sflag:s14], $0x3400  }
0x1e7: {  	s30 =	sld [smem:$0x7F0]  }
0x1e8: {  	[sflag:s14] =	ssyncset.done $0x0  }
0x1e9: {  	[sflag:s14] =	ssyncadd.s32 $0xFFFFCC00  }
0x1ea: {  	[tilespmem:s11], [sflag:$0x3] =	stream.indirect.gather [hbm4b:s3+s12], $0x20, s30, s12, $0xb8;
	[tilespmem:$0x1D400] =	vst v63  }
0x1eb: {  	_ =	swait.ge [sflag:s25], $0x3400  }
0x1ec: {  	[sflag:s25] =	ssyncset.done $0x0  }
0x1ed: {  	s30 =	rddreg [dreg:$0x10];
	[sflag:s25] =	ssyncadd.s32 $0xFFFFCC00  }
0x1ee: {  	[hbm4b:s30+s2] =	stream.linear.scatter [tilespmem:s7], [sflag:$0xD], $0x3400, $0x38;
	[tilespmem:$0x1D400] =	vst v63  }
0x1ef: {  	_ =	swait.ge [sflag:s15], $0x3400  }
0x1f0: {  	s30 =	sld [smem:$0x7F1]  }
0x1f1: {  	[sflag:s15] =	ssyncset.done $0x0  }
0x1f2: {  	[sflag:s15] =	ssyncadd.s32 $0xFFFFCC00  }
0x1f3: {  	[tilespmem:s9], [sflag:$0x4] =	stream.indirect.gather [hbm4b:s3+s12], $0x20, s30, s12, $0xb8;
	[tilespmem:$0x1D400] =	vst v63  }
0x1f4: {  	_ =	swait.ge [sflag:s28], $0x3400  }
0x1f5: {  	[sflag:s28] =	ssyncset.done $0x0  }
0x1f6: {  	s30 =	rddreg [dreg:$0x11];
	[sflag:s28] =	ssyncadd.s32 $0xFFFFCC00  }
0x1f7: {  	[hbm4b:s30+s2] =	stream.linear.scatter [tilespmem:s6], [sflag:$0xE], $0x3400, $0x38;
	[tilespmem:$0x1D400] =	vst v63  }
0x1f8: {  	_ =	swait.ge [sflag:s20], $0x3400  }
0x1f9: {  	s30 =	sld [smem:$0x7F2]  }
0x1fa: {  	[sflag:s20] =	ssyncset.done $0x0  }
0x1fb: {  	[sflag:s20] =	ssyncadd.s32 $0xFFFFCC00  }
0x1fc: {  	[tilespmem:s7], [sflag:$0x5] =	stream.indirect.gather [hbm4b:s3+s12], $0x20, s30, s12, $0xb8;
	[tilespmem:$0x1D400] =	vst v63  }
0x1fd: {  	_ =	swait.ge [sflag:s29], $0x3400  }
0x1fe: {  	[sflag:s29] =	ssyncset.done $0x0  }
0x1ff: {  	s30 =	rddreg [dreg:$0x12];
	[sflag:s29] =	ssyncadd.s32 $0xFFFFCC00  }
0x200: {  	[hbm4b:s30+s2] =	stream.linear.scatter [tilespmem:s4], [sflag:$0xF], $0x3400, $0x38;
	[tilespmem:$0x1D400] =	vst v63  }
0x201: {  	_ =	swait.ge [sflag:s19], $0x3400  }
0x202: {  	s30 =	sld [smem:$0x7F3]  }
0x203: {  	[sflag:s19] =	ssyncset.done $0x0  }
0x204: {  	[sflag:s19] =	ssyncadd.s32 $0xFFFFCC00  }
0x205: {  	[tilespmem:s6], [sflag:$0x6] =	stream.indirect.gather [hbm4b:s3+s12], $0x20, s30, s12, $0xb8;
	[tilespmem:$0x1D400] =	vst v63  }
0x206: {  	_ =	swait.ge [sflag:s24], $0x3400  }
0x207: {  	[sflag:s24] =	ssyncset.done $0x0  }
0x208: {  	s30 =	rddreg [dreg:$0x13];
	[sflag:s24] =	ssyncadd.s32 $0xFFFFCC00  }
0x209: {  	[hbm4b:s30+s2] =	stream.linear.scatter [tilespmem:s5], [sflag:$0x10], $0x3400, $0x38;
	[tilespmem:$0x1D400] =	vst v63  }
0x20a: {  	_ =	swait.ge [sflag:s17], $0x3400  }
0x20b: {  	s30 =	sld [smem:$0x7F4]  }
0x20c: {  	[sflag:s17] =	ssyncset.done $0x0  }
0x20d: {  	[sflag:s17] =	ssyncadd.s32 $0xFFFFCC00  }
0x20e: {  	[tilespmem:s4], [sflag:$0x7] =	stream.indirect.gather [hbm4b:s3+s12], $0x20, s30, s12, $0xb8;
	[tilespmem:$0x1D400] =	vst v63  }
0x20f: {  	_ =	swait.ge [sflag:s26], $0x3400  }
0x210: {  	[sflag:s26] =	ssyncset.done $0x0  }
0x211: {  	s30 =	rddreg [dreg:$0x14];
	[sflag:s26] =	ssyncadd.s32 $0xFFFFCC00  }
0x212: {  	[hbm4b:s30+s2] =	stream.linear.scatter [tilespmem:s18], [sflag:$0x9], $0x3400, $0x38;
	[tilespmem:$0x1D400] =	vst v63  }
0x213: {  	_ =	swait.ge [sflag:s16], $0x3400  }
0x214: {  	s30 =	sld [smem:$0x7F5]  }
0x215: {  	[sflag:s16] =	ssyncset.done $0x0  }
0x216: {  	[sflag:s16] =	ssyncadd.s32 $0xFFFFCC00  }
0x217: {  	[tilespmem:s5], [sflag:$0x8] =	stream.indirect.gather [hbm4b:s3+s12], $0x20, s30, s12, $0xb8;
	[tilespmem:$0x1D400] =	vst v63  }
0x218: {  	_ =	swait.ge [sflag:s21], $0x3400  }
0x219: {  	[sflag:s21] =	ssyncset.done $0x0  }
0x21a: {  	s30 =	rddreg [dreg:$0x15];
	[sflag:s21] =	ssyncadd.s32 $0xFFFFCC00  }
0x21b: {  	[hbm4b:s30+s2] =	stream.linear.scatter [tilespmem:s13], [sflag:$0xA], $0x3400, $0x38;
	[tilespmem:$0x1D400] =	vst v63  }
0x21c: {  	_ =	swait.ge [sflag:s8], $0x3400  }
0x21d: {  	s30 =	sld [smem:$0x7F6]  }
0x21e: {  	[sflag:s8] =	ssyncset.done $0x0  }
0x21f: {  	[sflag:s8] =	ssyncadd.s32 $0xFFFFCC00  }
0x220: {  	[tilespmem:s18], [sflag:$0x1] =	stream.indirect.gather [hbm4b:s3+s12], $0x20, s30, s12, $0xb8;
	[tilespmem:$0x1D400] =	vst v63  }
0x221: {  	_ =	swait.ge [sflag:s22], $0x3400  }
0x222: {  	[sflag:s22] =	ssyncset.done $0x0  }
0x223: {  	s30 =	rddreg [dreg:$0x16];
	[sflag:s22] =	ssyncadd.s32 $0xFFFFCC00  }
0x224: {  	[hbm4b:s30+s2] =	stream.linear.scatter [tilespmem:s11], [sflag:$0xB], $0x3400, $0x38;
	[tilespmem:$0x1D400] =	vst v63  }
0x225: {  	_ =	swait.ge [sflag:s10], $0x3400  }
0x226: {  	s30 =	sld [smem:$0x7F7]  }
0x227: {  	[sflag:s10] =	ssyncset.done $0x0  }
0x228: {  	[sflag:s10] =	ssyncadd.s32 $0xFFFFCC00  }
0x229: {  	[tilespmem:s13], [sflag:$0x2] =	stream.indirect.gather [hbm4b:s3+s12], $0x20, s30, s12, $0xb8;
	[tilespmem:$0x1D400] =	vst v63  }
0x22a: {  	_ =	swait.ge [sflag:s23], $0x3400  }
0x22b: {  	[sflag:s23] =	ssyncset.done $0x0  }
0x22c: {  	s30 =	rddreg [dreg:$0x17];
	[sflag:s23] =	ssyncadd.s32 $0xFFFFCC00  }
0x22d: {  	[hbm4b:s30+s2] =	stream.linear.scatter [tilespmem:s9], [sflag:$0xC], $0x3400, $0x38;
	[tilespmem:$0x1D400] =	vst v63  }
0x22e: {  	_ =	swait.ge [sflag:s14], $0x3400  }
0x22f: {  	s30 =	sld [smem:$0x7F8]  }
0x230: {  	[sflag:s14] =	ssyncset.done $0x0  }
0x231: {  	[sflag:s14] =	ssyncadd.s32 $0xFFFFCC00  }
0x232: {  	[tilespmem:s11], [sflag:$0x3] =	stream.indirect.gather [hbm4b:s3+s12], $0x20, s30, s12, $0xb8;
	[tilespmem:$0x1D400] =	vst v63  }
0x233: {  	_ =	swait.ge [sflag:s25], $0x3400  }
0x234: {  	[sflag:s25] =	ssyncset.done $0x0  }
0x235: {  	s30 =	rddreg [dreg:$0x18];
	[sflag:s25] =	ssyncadd.s32 $0xFFFFCC00  }
0x236: {  	[hbm4b:s30+s2] =	stream.linear.scatter [tilespmem:s7], [sflag:$0xD], $0x3400, $0x38;
	[tilespmem:$0x1D400] =	vst v63  }
0x237: {  	_ =	swait.ge [sflag:s15], $0x3400  }
0x238: {  	s30 =	sld [smem:$0x7F9]  }
0x239: {  	[sflag:s15] =	ssyncset.done $0x0  }
0x23a: {  	[sflag:s15] =	ssyncadd.s32 $0xFFFFCC00  }
0x23b: {  	[tilespmem:s9], [sflag:$0x4] =	stream.indirect.gather [hbm4b:s3+s12], $0x20, s30, s12, $0xb8;
	[tilespmem:$0x1D400] =	vst v63  }
0x23c: {  	_ =	swait.ge [sflag:s28], $0x3400  }
0x23d: {  	[sflag:s28] =	ssyncset.done $0x0  }
0x23e: {  	s30 =	rddreg [dreg:$0x19];
	[sflag:s28] =	ssyncadd.s32 $0xFFFFCC00  }
0x23f: {  	[hbm4b:s30+s2] =	stream.linear.scatter [tilespmem:s6], [sflag:$0xE], $0x3400, $0x38;
	[tilespmem:$0x1D400] =	vst v63  }
0x240: {  	_ =	swait.ge [sflag:s20], $0x3400  }
0x241: {  	s30 =	sld [smem:$0x7FA]  }
0x242: {  	[sflag:s20] =	ssyncset.done $0x0  }
0x243: {  	[sflag:s20] =	ssyncadd.s32 $0xFFFFCC00  }
0x244: {  	[tilespmem:s7], [sflag:$0x5] =	stream.indirect.gather [hbm4b:s3+s12], $0x20, s30, s12, $0xb8;
	[tilespmem:$0x1D400] =	vst v63  }
0x245: {  	_ =	swait.ge [sflag:s29], $0x3400  }
0x246: {  	[sflag:s29] =	ssyncset.done $0x0  }
0x247: {  	s30 =	rddreg [dreg:$0x1a];
	[sflag:s29] =	ssyncadd.s32 $0xFFFFCC00  }
0x248: {  	[hbm4b:s30+s2] =	stream.linear.scatter [tilespmem:s4], [sflag:$0xF], $0x3400, $0x38;
	[tilespmem:$0x1D400] =	vst v63  }
0x249: {  	_ =	swait.ge [sflag:s19], $0x3400  }
0x24a: {  	s30 =	sld [smem:$0x7FB]  }
0x24b: {  	[sflag:s19] =	ssyncset.done $0x0  }
0x24c: {  	[sflag:s19] =	ssyncadd.s32 $0xFFFFCC00  }
0x24d: {  	[tilespmem:s6], [sflag:$0x6] =	stream.indirect.gather [hbm4b:s3+s12], $0x20, s30, s12, $0xb8;
	[tilespmem:$0x1D400] =	vst v63  }
0x24e: {  	_ =	swait.ge [sflag:s24], $0x3400  }
0x24f: {  	[sflag:s24] =	ssyncset.done $0x0  }
0x250: {  	s30 =	rddreg [dreg:$0x1b];
	[sflag:s24] =	ssyncadd.s32 $0xFFFFCC00  }
0x251: {  	[hbm4b:s30+s2] =	stream.linear.scatter [tilespmem:s5], [sflag:$0x10], $0x3400, $0x38;
	[tilespmem:$0x1D400] =	vst v63  }
0x252: {  	_ =	swait.ge [sflag:s17], $0x3400  }
0x253: {  	s30 =	sld [smem:$0x7FC]  }
0x254: {  	[sflag:s17] =	ssyncset.done $0x0  }
0x255: {  	[sflag:s17] =	ssyncadd.s32 $0xFFFFCC00  }
0x256: {  	[tilespmem:s4], [sflag:$0x7] =	stream.indirect.gather [hbm4b:s3+s12], $0x20, s30, s12, $0xb8;
	[tilespmem:$0x1D400] =	vst v63  }
0x257: {  	_ =	swait.ge [sflag:s26], $0x3400  }
0x258: {  	[sflag:s26] =	ssyncset.done $0x0  }
0x259: {  	s30 =	rddreg [dreg:$0x1c];
	[sflag:s26] =	ssyncadd.s32 $0xFFFFCC00  }
0x25a: {  	[hbm4b:s30+s2] =	stream.linear.scatter [tilespmem:s18], [sflag:$0x9], $0x3400, $0x38;
	[tilespmem:$0x1D400] =	vst v63  }
0x25b: {  	_ =	swait.ge [sflag:s16], $0x3400  }
0x25c: {  	s30 =	sld [smem:$0x7FD]  }
0x25d: {  	[sflag:s16] =	ssyncset.done $0x0  }
0x25e: {  	[sflag:s16] =	ssyncadd.s32 $0xFFFFCC00  }
0x25f: {  	[tilespmem:s5], [sflag:$0x8] =	stream.indirect.gather [hbm4b:s3+s12], $0x20, s30, s12, $0xb8;
	[tilespmem:$0x1D400] =	vst v63  }
0x260: {  	_ =	swait.ge [sflag:s21], $0x3400  }
0x261: {  	[sflag:s21] =	ssyncset.done $0x0  }
0x262: {  	s30 =	rddreg [dreg:$0x1d];
	[sflag:s21] =	ssyncadd.s32 $0xFFFFCC00  }
0x263: {  	[hbm4b:s30+s2] =	stream.linear.scatter [tilespmem:s13], [sflag:$0xA], $0x3400, $0x38;
	[tilespmem:$0x1D400] =	vst v63  }
0x264: {  	_ =	swait.ge [sflag:s22], $0x3400  }
0x265: {  	[sflag:s22] =	ssyncset.done $0x0  }
0x266: {  	s30 =	rddreg [dreg:$0x1e];
	[sflag:s22] =	ssyncadd.s32 $0xFFFFCC00  }
0x267: {  	[hbm4b:s30+s2] =	stream.linear.scatter [tilespmem:s11], [sflag:$0xB], $0x3400, $0x38;
	[tilespmem:$0x1D400] =	vst v63  }
0x268: {  	_ =	swait.ge [sflag:s23], $0x3400  }
0x269: {  	[sflag:s23] =	ssyncset.done $0x0  }
0x26a: {  	s30 =	rddreg [dreg:$0x1f];
	[sflag:s23] =	ssyncadd.s32 $0xFFFFCC00  }
0x26b: {  	[hbm4b:s30+s2] =	stream.linear.scatter [tilespmem:s9], [sflag:$0xC], $0x3400, $0x38;
	[tilespmem:$0x1D400] =	vst v63  }
0x26c: {  	_ =	swait.ge [sflag:s25], $0x3400  }
0x26d: {  	s30 =	sld [smem:$0x7DC]  }
0x26e: {  	[sflag:s25] =	ssyncset.done $0x0  }
0x26f: {  	[sflag:s25] =	ssyncadd.s32 $0xFFFFCC00  }
0x270: {  	[hbm4b:s30+s2] =	stream.linear.scatter [tilespmem:s7], [sflag:$0xD], $0x3400, $0x38;
	[tilespmem:$0x1D400] =	vst v63  }
0x271: {  	_ =	swait.ge [sflag:s28], $0x3400  }
0x272: {  	s30 =	sld [smem:$0x7DD]  }
0x273: {  	[sflag:s28] =	ssyncset.done $0x0  }
0x274: {  	[sflag:s28] =	ssyncadd.s32 $0xFFFFCC00  }
0x275: {  	[hbm4b:s30+s2] =	stream.linear.scatter [tilespmem:s6], [sflag:$0xE], $0x3400, $0x38;
	[tilespmem:$0x1D400] =	vst v63  }
0x276: {  	_ =	swait.ge [sflag:s29], $0x3400  }
0x277: {  	s30 =	sld [smem:$0x7DE]  }
0x278: {  	[sflag:s29] =	ssyncset.done $0x0  }
0x279: {  	[sflag:s29] =	ssyncadd.s32 $0xFFFFCC00  }
0x27a: {  	[hbm4b:s30+s2] =	stream.linear.scatter [tilespmem:s4], [sflag:$0xF], $0x3400, $0x38;
	[tilespmem:$0x1D400] =	vst v63  }
0x27b: {  	_ =	swait.ge [sflag:s24], $0x3400  }
0x27c: {  	s30 =	sld [smem:$0x7DF]  }
0x27d: {  	[sflag:s24] =	ssyncset.done $0x0  }
0x27e: {  	[sflag:s24] =	ssyncadd.s32 $0xFFFFCC00  }
0x27f: {  	[hbm4b:s30+s2] =	stream.linear.scatter [tilespmem:s5], [sflag:$0x10], $0x3400, $0x38;
	[tilespmem:$0x1D400] =	vst v63  }
0x280: {  	_ =	swait.ge [sflag:s8], $0x3400  }
0x281: {  	[sflag:s8] =	ssyncset.done $0x0  }
0x282: {  	[sflag:s8] =	ssyncadd.s32 $0xFFFFCC00  }
0x283: {  	_ =	swait.ge [sflag:s10], $0x3400  }
0x284: {  	[sflag:s10] =	ssyncset.done $0x0  }
0x285: {  	[sflag:s10] =	ssyncadd.s32 $0xFFFFCC00  }
0x286: {  	_ =	swait.ge [sflag:s14], $0x3400  }
0x287: {  	[sflag:s14] =	ssyncset.done $0x0  }
0x288: {  	[sflag:s14] =	ssyncadd.s32 $0xFFFFCC00  }
0x289: {  	_ =	swait.ge [sflag:s15], $0x3400  }
0x28a: {  	[sflag:s15] =	ssyncset.done $0x0  }
0x28b: {  	[sflag:s15] =	ssyncadd.s32 $0xFFFFCC00  }
0x28c: {  	_ =	swait.ge [sflag:s20], $0x3400  }
0x28d: {  	[sflag:s20] =	ssyncset.done $0x0  }
0x28e: {  	[sflag:s20] =	ssyncadd.s32 $0xFFFFCC00  }
0x28f: {  	_ =	swait.ge [sflag:s19], $0x3400  }
0x290: {  	[sflag:s19] =	ssyncset.done $0x0  }
0x291: {  	p1 =	sne.s32 s1, $0x1;
	[sflag:s19] =	ssyncadd.s32 $0xFFFFCC00  }
.Ltmp2:
0x292: {  	_ =	swait.ge [sflag:s17], $0x3400;
	(pc) =	sbr.rel @p1 .LBB2_4-.Ltmp2, $4  }
0x293: {  	[sflag:s17] =	ssyncset.done $0x0  }
0x294: {  	[sflag:s17] =	ssyncadd.s32 $0xFFFFCC00  }
0x295: {  	_ =	swait.ge [sflag:s16], $0x3400  }
0x296: {  	s1 =	sadd.s32 $0xFFFFFFFF, s1;
	s0 =	rddreg [dreg:$0x4];
	[sflag:s16] =	ssyncset.done $0x0  }
0x297: {  	s30 =	sld [smem:$0x7DB]  }
.LBB2_6:
0x298: {  	[sflag:s16] =	ssyncadd.s32 @p0 $0xFFFFCC00  }
0x299: {  	[tilespmem:s2], [sflag:$0x11] =	stream.linear.gather [hbm4b:s0+s2], $0x3400, $0x38;
	[tilespmem:$0x1D400] =	vst v63  }
0x29a: {  	_ =	swait.ge [sflag:s31], $0x3400  }
0x29b: {  	[sflag:s31] =	ssyncset.done $0x0  }
0x29c: {  	[sflag:s31] =	ssyncadd.s32 $0xFFFFCC00  }
0x29d: {  	[tilespmem:s18], [sflag:$0x1] =	stream.indirect.gather [hbm4b:s3+s12], $0x20, s2, s12, $0xb8;
	[tilespmem:$0x1D400] =	vst v63  }
0x29e: {  	s31 =	sld [smem:$0x7E0]  }
0x29f: {  	[tilespmem:s13], [sflag:$0x2] =	stream.indirect.gather [hbm4b:s3+s12], $0x20, s12, s12, $0xb8;
	[tilespmem:$0x1D400] =	vst v63  }
0x2a0: {  	s1 =	sld [smem:$0x7E1]  }
0x2a1: {  	[tilespmem:s11], [sflag:$0x3] =	stream.indirect.gather [hbm4b:s3+s12], $0x20, s31, s12, $0xb8;
	[tilespmem:$0x1D400] =	vst v63  }
0x2a2: {  	s31 =	sld [smem:$0x7E2]  }
0x2a3: {  	[tilespmem:s9], [sflag:$0x4] =	stream.indirect.gather [hbm4b:s3+s12], $0x20, s1, s12, $0xb8;
	[tilespmem:$0x1D400] =	vst v63  }
0x2a4: {  	s1 =	sld [smem:$0x7E3]  }
0x2a5: {  	[tilespmem:s7], [sflag:$0x5] =	stream.indirect.gather [hbm4b:s3+s12], $0x20, s31, s12, $0xb8;
	[tilespmem:$0x1D400] =	vst v63  }
0x2a6: {  	s31 =	sld [smem:$0x7E4]  }
0x2a7: {  	[tilespmem:s6], [sflag:$0x6] =	stream.indirect.gather [hbm4b:s3+s12], $0x20, s1, s12, $0xb8;
	[tilespmem:$0x1D400] =	vst v63  }
0x2a8: {  	_ = 	snop  }
0x2a9: {  	[tilespmem:s4], [sflag:$0x7] =	stream.indirect.gather [hbm4b:s3+s12], $0x20, s31, s12, $0xb8;
	[tilespmem:$0x1D400] =	vst v63  }
0x2aa: {  	_ =	swait.ge [sflag:s26], $0x3400  }
0x2ab: {  	[sflag:s26] =	ssyncset.done $0x0  }
0x2ac: {  	s1 =	sld [smem:$0x7E5];
	[sflag:s26] =	ssyncadd.s32 $0xFFFFCC00  }
0x2ad: {  	[hbm4b:s30+s2] =	stream.linear.scatter [tilespmem:s18], [sflag:$0x9], $0x3400, $0x38;
	[tilespmem:$0x1D400] =	vst v63  }
0x2ae: {  	_ = 	snop  }
0x2af: {  	[tilespmem:s5], [sflag:$0x8] =	stream.indirect.gather [hbm4b:s3+s12], $0x20, s1, s12, $0xb8;
	[tilespmem:$0x1D400] =	vst v63  }
0x2b0: {  	_ =	swait.ge [sflag:s21], $0x3400  }
0x2b1: {  	[sflag:s21] =	ssyncset.done $0x0  }
0x2b2: {  	s30 =	rddreg [dreg:$0x5];
	[sflag:s21] =	ssyncadd.s32 $0xFFFFCC00  }
0x2b3: {  	[hbm4b:s30+s2] =	stream.linear.scatter [tilespmem:s13], [sflag:$0xA], $0x3400, $0x38;
	[tilespmem:$0x1D400] =	vst v63  }
0x2b4: {  	_ =	swait.ge [sflag:s8], $0x3400  }
0x2b5: {  	s31 =	sld [smem:$0x7E6]  }
0x2b6: {  	[sflag:s8] =	ssyncset.done $0x0  }
0x2b7: {  	[sflag:s8] =	ssyncadd.s32 $0xFFFFCC00  }
0x2b8: {  	[tilespmem:s18], [sflag:$0x1] =	stream.indirect.gather [hbm4b:s3+s12], $0x20, s31, s12, $0xb8;
	[tilespmem:$0x1D400] =	vst v63  }
0x2b9: {  	_ =	swait.ge [sflag:s22], $0x3400  }
0x2ba: {  	[sflag:s22] =	ssyncset.done $0x0  }
0x2bb: {  	s1 =	rddreg [dreg:$0x6];
	[sflag:s22] =	ssyncadd.s32 $0xFFFFCC00  }
0x2bc: {  	[hbm4b:s1+s2] =	stream.linear.scatter [tilespmem:s11], [sflag:$0xB], $0x3400, $0x38;
	[tilespmem:$0x1D400] =	vst v63  }
0x2bd: {  	_ =	swait.ge [sflag:s10], $0x3400  }
0x2be: {  	s30 =	sld [smem:$0x7E7]  }
0x2bf: {  	[sflag:s10] =	ssyncset.done $0x0  }
0x2c0: {  	[sflag:s10] =	ssyncadd.s32 $0xFFFFCC00  }
0x2c1: {  	[tilespmem:s13], [sflag:$0x2] =	stream.indirect.gather [hbm4b:s3+s12], $0x20, s30, s12, $0xb8;
	[tilespmem:$0x1D400] =	vst v63  }
0x2c2: {  	_ =	swait.ge [sflag:s23], $0x3400  }
0x2c3: {  	[sflag:s23] =	ssyncset.done $0x0  }
0x2c4: {  	s31 =	rddreg [dreg:$0x7];
	[sflag:s23] =	ssyncadd.s32 $0xFFFFCC00  }
0x2c5: {  	[hbm4b:s31+s2] =	stream.linear.scatter [tilespmem:s9], [sflag:$0xC], $0x3400, $0x38;
	[tilespmem:$0x1D400] =	vst v63  }
0x2c6: {  	_ =	swait.ge [sflag:s14], $0x3400  }
0x2c7: {  	s1 =	sld [smem:$0x7E8]  }
0x2c8: {  	[sflag:s14] =	ssyncset.done $0x0  }
0x2c9: {  	[sflag:s14] =	ssyncadd.s32 $0xFFFFCC00  }
0x2ca: {  	[tilespmem:s11], [sflag:$0x3] =	stream.indirect.gather [hbm4b:s3+s12], $0x20, s1, s12, $0xb8;
	[tilespmem:$0x1D400] =	vst v63  }
0x2cb: {  	_ =	swait.ge [sflag:s25], $0x3400  }
0x2cc: {  	[sflag:s25] =	ssyncset.done $0x0  }
0x2cd: {  	s30 =	rddreg [dreg:$0x8];
	[sflag:s25] =	ssyncadd.s32 $0xFFFFCC00  }
0x2ce: {  	[hbm4b:s30+s2] =	stream.linear.scatter [tilespmem:s7], [sflag:$0xD], $0x3400, $0x38;
	[tilespmem:$0x1D400] =	vst v63  }
0x2cf: {  	_ =	swait.ge [sflag:s15], $0x3400  }
0x2d0: {  	s31 =	sld [smem:$0x7E9]  }
0x2d1: {  	[sflag:s15] =	ssyncset.done $0x0  }
0x2d2: {  	[sflag:s15] =	ssyncadd.s32 $0xFFFFCC00  }
0x2d3: {  	[tilespmem:s9], [sflag:$0x4] =	stream.indirect.gather [hbm4b:s3+s12], $0x20, s31, s12, $0xb8;
	[tilespmem:$0x1D400] =	vst v63  }
0x2d4: {  	_ =	swait.ge [sflag:s28], $0x3400  }
0x2d5: {  	[sflag:s28] =	ssyncset.done $0x0  }
0x2d6: {  	s1 =	rddreg [dreg:$0x9];
	[sflag:s28] =	ssyncadd.s32 $0xFFFFCC00  }
0x2d7: {  	[hbm4b:s1+s2] =	stream.linear.scatter [tilespmem:s6], [sflag:$0xE], $0x3400, $0x38;
	[tilespmem:$0x1D400] =	vst v63  }
0x2d8: {  	_ =	swait.ge [sflag:s20], $0x3400  }
0x2d9: {  	s30 =	sld [smem:$0x7EA]  }
0x2da: {  	[sflag:s20] =	ssyncset.done $0x0  }
0x2db: {  	[sflag:s20] =	ssyncadd.s32 $0xFFFFCC00  }
0x2dc: {  	[tilespmem:s7], [sflag:$0x5] =	stream.indirect.gather [hbm4b:s3+s12], $0x20, s30, s12, $0xb8;
	[tilespmem:$0x1D400] =	vst v63  }
0x2dd: {  	_ =	swait.ge [sflag:s29], $0x3400  }
0x2de: {  	[sflag:s29] =	ssyncset.done $0x0  }
0x2df: {  	s31 =	rddreg [dreg:$0xa];
	[sflag:s29] =	ssyncadd.s32 $0xFFFFCC00  }
0x2e0: {  	[hbm4b:s31+s2] =	stream.linear.scatter [tilespmem:s4], [sflag:$0xF], $0x3400, $0x38;
	[tilespmem:$0x1D400] =	vst v63  }
0x2e1: {  	_ =	swait.ge [sflag:s19], $0x3400  }
0x2e2: {  	s1 =	sld [smem:$0x7EB]  }
0x2e3: {  	[sflag:s19] =	ssyncset.done $0x0  }
0x2e4: {  	[sflag:s19] =	ssyncadd.s32 $0xFFFFCC00  }
0x2e5: {  	[tilespmem:s6], [sflag:$0x6] =	stream.indirect.gather [hbm4b:s3+s12], $0x20, s1, s12, $0xb8;
	[tilespmem:$0x1D400] =	vst v63  }
0x2e6: {  	_ =	swait.ge [sflag:s24], $0x3400  }
0x2e7: {  	[sflag:s24] =	ssyncset.done $0x0  }
0x2e8: {  	s30 =	rddreg [dreg:$0xb];
	[sflag:s24] =	ssyncadd.s32 $0xFFFFCC00  }
0x2e9: {  	[hbm4b:s30+s2] =	stream.linear.scatter [tilespmem:s5], [sflag:$0x10], $0x3400, $0x38;
	[tilespmem:$0x1D400] =	vst v63  }
0x2ea: {  	_ =	swait.ge [sflag:s17], $0x3400  }
0x2eb: {  	s31 =	sld [smem:$0x7EC]  }
0x2ec: {  	[sflag:s17] =	ssyncset.done $0x0  }
0x2ed: {  	[sflag:s17] =	ssyncadd.s32 $0xFFFFCC00  }
0x2ee: {  	[tilespmem:s4], [sflag:$0x7] =	stream.indirect.gather [hbm4b:s3+s12], $0x20, s31, s12, $0xb8;
	[tilespmem:$0x1D400] =	vst v63  }
0x2ef: {  	_ =	swait.ge [sflag:s26], $0x3400  }
0x2f0: {  	[sflag:s26] =	ssyncset.done $0x0  }
0x2f1: {  	s1 =	rddreg [dreg:$0xc];
	[sflag:s26] =	ssyncadd.s32 $0xFFFFCC00  }
0x2f2: {  	[hbm4b:s1+s2] =	stream.linear.scatter [tilespmem:s18], [sflag:$0x9], $0x3400, $0x38;
	[tilespmem:$0x1D400] =	vst v63  }
0x2f3: {  	_ =	swait.ge [sflag:s16], $0x3400  }
0x2f4: {  	s30 =	sld [smem:$0x7ED]  }
0x2f5: {  	[sflag:s16] =	ssyncset.done $0x0  }
0x2f6: {  	[sflag:s16] =	ssyncadd.s32 $0xFFFFCC00  }
0x2f7: {  	[tilespmem:s5], [sflag:$0x8] =	stream.indirect.gather [hbm4b:s3+s12], $0x20, s30, s12, $0xb8;
	[tilespmem:$0x1D400] =	vst v63  }
0x2f8: {  	_ =	swait.ge [sflag:s21], $0x3400  }
0x2f9: {  	[sflag:s21] =	ssyncset.done $0x0  }
0x2fa: {  	s31 =	rddreg [dreg:$0xd];
	[sflag:s21] =	ssyncadd.s32 $0xFFFFCC00  }
0x2fb: {  	[hbm4b:s31+s2] =	stream.linear.scatter [tilespmem:s13], [sflag:$0xA], $0x3400, $0x38;
	[tilespmem:$0x1D400] =	vst v63  }
0x2fc: {  	_ =	swait.ge [sflag:s8], $0x3400  }
0x2fd: {  	s1 =	sld [smem:$0x7EE]  }
0x2fe: {  	[sflag:s8] =	ssyncset.done $0x0  }
0x2ff: {  	[sflag:s8] =	ssyncadd.s32 $0xFFFFCC00  }
0x300: {  	[tilespmem:s18], [sflag:$0x1] =	stream.indirect.gather [hbm4b:s3+s12], $0x20, s1, s12, $0xb8;
	[tilespmem:$0x1D400] =	vst v63  }
0x301: {  	_ =	swait.ge [sflag:s22], $0x3400  }
0x302: {  	[sflag:s22] =	ssyncset.done $0x0  }
0x303: {  	s30 =	rddreg [dreg:$0xe];
	[sflag:s22] =	ssyncadd.s32 $0xFFFFCC00  }
0x304: {  	[hbm4b:s30+s2] =	stream.linear.scatter [tilespmem:s11], [sflag:$0xB], $0x3400, $0x38;
	[tilespmem:$0x1D400] =	vst v63  }
0x305: {  	_ =	swait.ge [sflag:s10], $0x3400  }
0x306: {  	s31 =	sld [smem:$0x7EF]  }
0x307: {  	[sflag:s10] =	ssyncset.done $0x0  }
0x308: {  	[sflag:s10] =	ssyncadd.s32 $0xFFFFCC00  }
0x309: {  	[tilespmem:s13], [sflag:$0x2] =	stream.indirect.gather [hbm4b:s3+s12], $0x20, s31, s12, $0xb8;
	[tilespmem:$0x1D400] =	vst v63  }
0x30a: {  	_ =	swait.ge [sflag:s23], $0x3400  }
0x30b: {  	[sflag:s23] =	ssyncset.done $0x0  }
0x30c: {  	s1 =	rddreg [dreg:$0xf];
	[sflag:s23] =	ssyncadd.s32 $0xFFFFCC00  }
0x30d: {  	[hbm4b:s1+s2] =	stream.linear.scatter [tilespmem:s9], [sflag:$0xC], $0x3400, $0x38;
	[tilespmem:$0x1D400] =	vst v63  }
0x30e: {  	_ =	swait.ge [sflag:s14], $0x3400  }
0x30f: {  	s30 =	sld [smem:$0x7F0]  }
0x310: {  	[sflag:s14] =	ssyncset.done $0x0  }
0x311: {  	[sflag:s14] =	ssyncadd.s32 $0xFFFFCC00  }
0x312: {  	[tilespmem:s11], [sflag:$0x3] =	stream.indirect.gather [hbm4b:s3+s12], $0x20, s30, s12, $0xb8;
	[tilespmem:$0x1D400] =	vst v63  }
0x313: {  	_ =	swait.ge [sflag:s25], $0x3400  }
0x314: {  	[sflag:s25] =	ssyncset.done $0x0  }
0x315: {  	s31 =	rddreg [dreg:$0x10];
	[sflag:s25] =	ssyncadd.s32 $0xFFFFCC00  }
0x316: {  	[hbm4b:s31+s2] =	stream.linear.scatter [tilespmem:s7], [sflag:$0xD], $0x3400, $0x38;
	[tilespmem:$0x1D400] =	vst v63  }
0x317: {  	_ =	swait.ge [sflag:s15], $0x3400  }
0x318: {  	s1 =	sld [smem:$0x7F1]  }
0x319: {  	[sflag:s15] =	ssyncset.done $0x0  }
0x31a: {  	[sflag:s15] =	ssyncadd.s32 $0xFFFFCC00  }
0x31b: {  	[tilespmem:s9], [sflag:$0x4] =	stream.indirect.gather [hbm4b:s3+s12], $0x20, s1, s12, $0xb8;
	[tilespmem:$0x1D400] =	vst v63  }
0x31c: {  	_ =	swait.ge [sflag:s28], $0x3400  }
0x31d: {  	[sflag:s28] =	ssyncset.done $0x0  }
0x31e: {  	s30 =	rddreg [dreg:$0x11];
	[sflag:s28] =	ssyncadd.s32 $0xFFFFCC00  }
0x31f: {  	[hbm4b:s30+s2] =	stream.linear.scatter [tilespmem:s6], [sflag:$0xE], $0x3400, $0x38;
	[tilespmem:$0x1D400] =	vst v63  }
0x320: {  	_ =	swait.ge [sflag:s20], $0x3400  }
0x321: {  	s31 =	sld [smem:$0x7F2]  }
0x322: {  	[sflag:s20] =	ssyncset.done $0x0  }
0x323: {  	[sflag:s20] =	ssyncadd.s32 $0xFFFFCC00  }
0x324: {  	[tilespmem:s7], [sflag:$0x5] =	stream.indirect.gather [hbm4b:s3+s12], $0x20, s31, s12, $0xb8;
	[tilespmem:$0x1D400] =	vst v63  }
0x325: {  	_ =	swait.ge [sflag:s29], $0x3400  }
0x326: {  	[sflag:s29] =	ssyncset.done $0x0  }
0x327: {  	s1 =	rddreg [dreg:$0x12];
	[sflag:s29] =	ssyncadd.s32 $0xFFFFCC00  }
0x328: {  	[hbm4b:s1+s2] =	stream.linear.scatter [tilespmem:s4], [sflag:$0xF], $0x3400, $0x38;
	[tilespmem:$0x1D400] =	vst v63  }
0x329: {  	_ =	swait.ge [sflag:s19], $0x3400  }
0x32a: {  	s30 =	sld [smem:$0x7F3]  }
0x32b: {  	[sflag:s19] =	ssyncset.done $0x0  }
0x32c: {  	[sflag:s19] =	ssyncadd.s32 $0xFFFFCC00  }
0x32d: {  	[tilespmem:s6], [sflag:$0x6] =	stream.indirect.gather [hbm4b:s3+s12], $0x20, s30, s12, $0xb8;
	[tilespmem:$0x1D400] =	vst v63  }
0x32e: {  	_ =	swait.ge [sflag:s24], $0x3400  }
0x32f: {  	[sflag:s24] =	ssyncset.done $0x0  }
0x330: {  	s31 =	rddreg [dreg:$0x13];
	[sflag:s24] =	ssyncadd.s32 $0xFFFFCC00  }
0x331: {  	[hbm4b:s31+s2] =	stream.linear.scatter [tilespmem:s5], [sflag:$0x10], $0x3400, $0x38;
	[tilespmem:$0x1D400] =	vst v63  }
0x332: {  	_ =	swait.ge [sflag:s17], $0x3400  }
0x333: {  	s1 =	sld [smem:$0x7F4]  }
0x334: {  	[sflag:s17] =	ssyncset.done $0x0  }
0x335: {  	[sflag:s17] =	ssyncadd.s32 $0xFFFFCC00  }
0x336: {  	[tilespmem:s4], [sflag:$0x7] =	stream.indirect.gather [hbm4b:s3+s12], $0x20, s1, s12, $0xb8;
	[tilespmem:$0x1D400] =	vst v63  }
0x337: {  	_ =	swait.ge [sflag:s26], $0x3400  }
0x338: {  	[sflag:s26] =	ssyncset.done $0x0  }
0x339: {  	s30 =	rddreg [dreg:$0x14];
	[sflag:s26] =	ssyncadd.s32 $0xFFFFCC00  }
0x33a: {  	[hbm4b:s30+s2] =	stream.linear.scatter [tilespmem:s18], [sflag:$0x9], $0x3400, $0x38;
	[tilespmem:$0x1D400] =	vst v63  }
0x33b: {  	_ =	swait.ge [sflag:s16], $0x3400  }
0x33c: {  	s31 =	sld [smem:$0x7F5]  }
0x33d: {  	[sflag:s16] =	ssyncset.done $0x0  }
0x33e: {  	[sflag:s16] =	ssyncadd.s32 $0xFFFFCC00  }
0x33f: {  	[tilespmem:s5], [sflag:$0x8] =	stream.indirect.gather [hbm4b:s3+s12], $0x20, s31, s12, $0xb8;
	[tilespmem:$0x1D400] =	vst v63  }
0x340: {  	_ =	swait.ge [sflag:s21], $0x3400  }
0x341: {  	[sflag:s21] =	ssyncset.done $0x0  }
0x342: {  	s1 =	rddreg [dreg:$0x15];
	[sflag:s21] =	ssyncadd.s32 $0xFFFFCC00  }
0x343: {  	[hbm4b:s1+s2] =	stream.linear.scatter [tilespmem:s13], [sflag:$0xA], $0x3400, $0x38;
	[tilespmem:$0x1D400] =	vst v63  }
0x344: {  	_ =	swait.ge [sflag:s8], $0x3400  }
0x345: {  	s30 =	sld [smem:$0x7F6]  }
0x346: {  	[sflag:s8] =	ssyncset.done $0x0  }
0x347: {  	[sflag:s8] =	ssyncadd.s32 $0xFFFFCC00  }
0x348: {  	[tilespmem:s18], [sflag:$0x1] =	stream.indirect.gather [hbm4b:s3+s12], $0x20, s30, s12, $0xb8;
	[tilespmem:$0x1D400] =	vst v63  }
0x349: {  	_ =	swait.ge [sflag:s22], $0x3400  }
0x34a: {  	[sflag:s22] =	ssyncset.done $0x0  }
0x34b: {  	s31 =	rddreg [dreg:$0x16];
	[sflag:s22] =	ssyncadd.s32 $0xFFFFCC00  }
0x34c: {  	[hbm4b:s31+s2] =	stream.linear.scatter [tilespmem:s11], [sflag:$0xB], $0x3400, $0x38;
	[tilespmem:$0x1D400] =	vst v63  }
0x34d: {  	_ =	swait.ge [sflag:s10], $0x3400  }
0x34e: {  	s1 =	sld [smem:$0x7F7]  }
0x34f: {  	[sflag:s10] =	ssyncset.done $0x0  }
0x350: {  	[sflag:s10] =	ssyncadd.s32 $0xFFFFCC00  }
0x351: {  	[tilespmem:s13], [sflag:$0x2] =	stream.indirect.gather [hbm4b:s3+s12], $0x20, s1, s12, $0xb8;
	[tilespmem:$0x1D400] =	vst v63  }
0x352: {  	_ =	swait.ge [sflag:s23], $0x3400  }
0x353: {  	[sflag:s23] =	ssyncset.done $0x0  }
0x354: {  	s30 =	rddreg [dreg:$0x17];
	[sflag:s23] =	ssyncadd.s32 $0xFFFFCC00  }
0x355: {  	[hbm4b:s30+s2] =	stream.linear.scatter [tilespmem:s9], [sflag:$0xC], $0x3400, $0x38;
	[tilespmem:$0x1D400] =	vst v63  }
0x356: {  	_ =	swait.ge [sflag:s14], $0x3400  }
0x357: {  	s31 =	sld [smem:$0x7F8]  }
0x358: {  	[sflag:s14] =	ssyncset.done $0x0  }
0x359: {  	[sflag:s14] =	ssyncadd.s32 $0xFFFFCC00  }
0x35a: {  	[tilespmem:s11], [sflag:$0x3] =	stream.indirect.gather [hbm4b:s3+s12], $0x20, s31, s12, $0xb8;
	[tilespmem:$0x1D400] =	vst v63  }
0x35b: {  	_ =	swait.ge [sflag:s25], $0x3400  }
0x35c: {  	[sflag:s25] =	ssyncset.done $0x0  }
0x35d: {  	s1 =	rddreg [dreg:$0x18];
	[sflag:s25] =	ssyncadd.s32 $0xFFFFCC00  }
0x35e: {  	[hbm4b:s1+s2] =	stream.linear.scatter [tilespmem:s7], [sflag:$0xD], $0x3400, $0x38;
	[tilespmem:$0x1D400] =	vst v63  }
0x35f: {  	_ =	swait.ge [sflag:s15], $0x3400  }
0x360: {  	s30 =	sld [smem:$0x7F9]  }
0x361: {  	[sflag:s15] =	ssyncset.done $0x0  }
0x362: {  	[sflag:s15] =	ssyncadd.s32 $0xFFFFCC00  }
0x363: {  	[tilespmem:s9], [sflag:$0x4] =	stream.indirect.gather [hbm4b:s3+s12], $0x20, s30, s12, $0xb8;
	[tilespmem:$0x1D400] =	vst v63  }
0x364: {  	_ =	swait.ge [sflag:s28], $0x3400  }
0x365: {  	[sflag:s28] =	ssyncset.done $0x0  }
0x366: {  	s31 =	rddreg [dreg:$0x19];
	[sflag:s28] =	ssyncadd.s32 $0xFFFFCC00  }
0x367: {  	[hbm4b:s31+s2] =	stream.linear.scatter [tilespmem:s6], [sflag:$0xE], $0x3400, $0x38;
	[tilespmem:$0x1D400] =	vst v63  }
0x368: {  	_ =	swait.ge [sflag:s20], $0x3400  }
0x369: {  	s1 =	sld [smem:$0x7FA]  }
0x36a: {  	[sflag:s20] =	ssyncset.done $0x0  }
0x36b: {  	[sflag:s20] =	ssyncadd.s32 $0xFFFFCC00  }
0x36c: {  	[tilespmem:s7], [sflag:$0x5] =	stream.indirect.gather [hbm4b:s3+s12], $0x20, s1, s12, $0xb8;
	[tilespmem:$0x1D400] =	vst v63  }
0x36d: {  	_ =	swait.ge [sflag:s29], $0x3400  }
0x36e: {  	[sflag:s29] =	ssyncset.done $0x0  }
0x36f: {  	s30 =	rddreg [dreg:$0x1a];
	[sflag:s29] =	ssyncadd.s32 $0xFFFFCC00  }
0x370: {  	[hbm4b:s30+s2] =	stream.linear.scatter [tilespmem:s4], [sflag:$0xF], $0x3400, $0x38;
	[tilespmem:$0x1D400] =	vst v63  }
0x371: {  	_ =	swait.ge [sflag:s19], $0x3400  }
0x372: {  	s31 =	sld [smem:$0x7FB]  }
0x373: {  	[sflag:s19] =	ssyncset.done $0x0  }
0x374: {  	[sflag:s19] =	ssyncadd.s32 $0xFFFFCC00  }
0x375: {  	[tilespmem:s6], [sflag:$0x6] =	stream.indirect.gather [hbm4b:s3+s12], $0x20, s31, s12, $0xb8;
	[tilespmem:$0x1D400] =	vst v63  }
0x376: {  	_ =	swait.ge [sflag:s24], $0x3400  }
0x377: {  	[sflag:s24] =	ssyncset.done $0x0  }
0x378: {  	s1 =	rddreg [dreg:$0x1b];
	[sflag:s24] =	ssyncadd.s32 $0xFFFFCC00  }
0x379: {  	[hbm4b:s1+s2] =	stream.linear.scatter [tilespmem:s5], [sflag:$0x10], $0x3400, $0x38;
	[tilespmem:$0x1D400] =	vst v63  }
0x37a: {  	_ =	swait.ge [sflag:s17], $0x3400  }
0x37b: {  	s30 =	sld [smem:$0x7FC]  }
0x37c: {  	[sflag:s17] =	ssyncset.done $0x0  }
0x37d: {  	[sflag:s17] =	ssyncadd.s32 $0xFFFFCC00  }
0x37e: {  	[tilespmem:s4], [sflag:$0x7] =	stream.indirect.gather [hbm4b:s3+s12], $0x20, s30, s12, $0xb8;
	[tilespmem:$0x1D400] =	vst v63  }
0x37f: {  	_ =	swait.ge [sflag:s26], $0x3400  }
0x380: {  	[sflag:s26] =	ssyncset.done $0x0  }
0x381: {  	s31 =	rddreg [dreg:$0x1c];
	[sflag:s26] =	ssyncadd.s32 $0xFFFFCC00  }
0x382: {  	[hbm4b:s31+s2] =	stream.linear.scatter [tilespmem:s18], [sflag:$0x9], $0x3400, $0x38;
	[tilespmem:$0x1D400] =	vst v63  }
0x383: {  	_ =	swait.ge [sflag:s16], $0x3400  }
0x384: {  	s1 =	sld [smem:$0x7FD]  }
0x385: {  	[sflag:s16] =	ssyncset.done $0x0  }
0x386: {  	[sflag:s16] =	ssyncadd.s32 $0xFFFFCC00  }
0x387: {  	[tilespmem:s5], [sflag:$0x8] =	stream.indirect.gather [hbm4b:s3+s12], $0x20, s1, s12, $0xb8;
	[tilespmem:$0x1D400] =	vst v63  }
0x388: {  	_ =	swait.ge [sflag:s21], $0x3400  }
0x389: {  	[sflag:s21] =	ssyncset.done $0x0  }
0x38a: {  	s18 =	rddreg [dreg:$0x1d];
	[sflag:s21] =	ssyncadd.s32 $0xFFFFCC00  }
0x38b: {  	[hbm4b:s18+s2] =	stream.linear.scatter [tilespmem:s13], [sflag:$0xA], $0x3400, $0x38;
	[tilespmem:$0x1D400] =	vst v63  }
0x38c: {  	_ =	swait.ge [sflag:s22], $0x3400  }
0x38d: {  	[sflag:s22] =	ssyncset.done $0x0  }
0x38e: {  	s21 =	rddreg [dreg:$0x1e];
	[sflag:s22] =	ssyncadd.s32 $0xFFFFCC00  }
0x38f: {  	[hbm4b:s21+s2] =	stream.linear.scatter [tilespmem:s11], [sflag:$0xB], $0x3400, $0x38;
	[tilespmem:$0x1D400] =	vst v63  }
0x390: {  	_ =	swait.ge [sflag:s23], $0x3400  }
0x391: {  	[sflag:s23] =	ssyncset.done $0x0  }
0x392: {  	s22 =	rddreg [dreg:$0x1f];
	[sflag:s23] =	ssyncadd.s32 $0xFFFFCC00  }
0x393: {  	[hbm4b:s22+s2] =	stream.linear.scatter [tilespmem:s9], [sflag:$0xC], $0x3400, $0x38;
	[tilespmem:$0x1D400] =	vst v63  }
0x394: {  	_ =	swait.ge [sflag:s25], $0x3400  }
0x395: {  	s23 =	sld [smem:$0x7DC]  }
0x396: {  	[sflag:s25] =	ssyncset.done $0x0  }
0x397: {  	[sflag:s25] =	ssyncadd.s32 $0xFFFFCC00  }
0x398: {  	[hbm4b:s23+s2] =	stream.linear.scatter [tilespmem:s7], [sflag:$0xD], $0x3400, $0x38;
	[tilespmem:$0x1D400] =	vst v63  }
0x399: {  	_ =	swait.ge [sflag:s28], $0x3400  }
0x39a: {  	s26 =	sld [smem:$0x7DD]  }
0x39b: {  	[sflag:s28] =	ssyncset.done $0x0  }
0x39c: {  	[sflag:s28] =	ssyncadd.s32 $0xFFFFCC00  }
0x39d: {  	[hbm4b:s26+s2] =	stream.linear.scatter [tilespmem:s6], [sflag:$0xE], $0x3400, $0x38;
	[tilespmem:$0x1D400] =	vst v63  }
0x39e: {  	_ =	swait.ge [sflag:s29], $0x3400  }
0x39f: {  	s28 =	sld [smem:$0x7DE]  }
0x3a0: {  	[sflag:s29] =	ssyncset.done $0x0  }
0x3a1: {  	[sflag:s29] =	ssyncadd.s32 $0xFFFFCC00  }
0x3a2: {  	[hbm4b:s28+s2] =	stream.linear.scatter [tilespmem:s4], [sflag:$0xF], $0x3400, $0x38;
	[tilespmem:$0x1D400] =	vst v63  }
0x3a3: {  	_ =	swait.ge [sflag:s24], $0x3400  }
0x3a4: {  	s30 =	sld [smem:$0x7DF]  }
0x3a5: {  	[sflag:s24] =	ssyncset.done $0x0  }
0x3a6: {  	[sflag:s24] =	ssyncadd.s32 $0xFFFFCC00  }
0x3a7: {  	[hbm4b:s30+s2] =	stream.linear.scatter [tilespmem:s5], [sflag:$0x10], $0x3400, $0x38;
	[tilespmem:$0x1D400] =	vst v63  }
0x3a8: {  	_ =	swait.ge [sflag:s8], $0x3400  }
0x3a9: {  	[sflag:s8] =	ssyncset.done $0x0  }
0x3aa: {  	[sflag:s8] =	ssyncadd.s32 $0xFFFFCC00  }
0x3ab: {  	_ =	swait.ge [sflag:s10], $0x3400  }
0x3ac: {  	[sflag:s10] =	ssyncset.done $0x0  }
0x3ad: {  	[sflag:s10] =	ssyncadd.s32 $0xFFFFCC00  }
0x3ae: {  	_ =	swait.ge [sflag:s14], $0x3400  }
0x3af: {  	[sflag:s14] =	ssyncset.done $0x0  }
0x3b0: {  	[sflag:s14] =	ssyncadd.s32 $0xFFFFCC00  }
0x3b1: {  	_ =	swait.ge [sflag:s15], $0x3400  }
0x3b2: {  	[sflag:s15] =	ssyncset.done $0x0  }
0x3b3: {  	[sflag:s15] =	ssyncadd.s32 $0xFFFFCC00  }
0x3b4: {  	_ =	swait.ge [sflag:s20], $0x3400  }
0x3b5: {  	[sflag:s20] =	ssyncset.done $0x0  }
0x3b6: {  	[sflag:s20] =	ssyncadd.s32 $0xFFFFCC00  }
0x3b7: {  	_ =	swait.ge [sflag:s19], $0x3400  }
0x3b8: {  	[sflag:s19] =	ssyncset.done $0x0  }
0x3b9: {  	[sflag:s19] =	ssyncadd.s32 $0xFFFFCC00  }
0x3ba: {  	_ =	swait.ge [sflag:s17], $0x3400  }
0x3bb: {  	[sflag:s17] =	ssyncset.done $0x0  }
0x3bc: {  	[sflag:s17] =	ssyncadd.s32 $0xFFFFCC00  }
0x3bd: {  	_ =	swait.ge [sflag:s16], $0x3400  }
0x3be: {  	[sflag:s16] =	ssyncset.done $0x0  }
0x3bf: {  	[sflag:s16] =	ssyncadd.s32 $0xFFFFCC00  }
0x3c0: {  	_ =	sfence.sel $0x180000  }
0x3c1: {  	[bflag:$0x0] =	sbarrier.arrive $0xFFFF  }
0x3c2: {  	_ =	strace $0x90000047  }
0x3c3: {  	s31 =	stileid.u32;
	[bflag:$0x2] =	sbarrier.arrive $0xFFFF  }
0x3c4: {  	p0 =	sne.s32 s31, $0x0;
	s0 =	rddreg [dreg:$0x3]  }
0x3c5: {  	s0 =	sadd.s32 @!p0 $0x100000, s0  }
0x3c6: {  	[sflag:s0] =	ssyncadd.tile.s32 @!p0 $0x1;
	_ =	shalt  }
.LBB2_1:
.Ltmp3:
0x3c7: {  	(pc) =	sbr.rel .LBB2_6-.Ltmp3, $2  }
0x3c8: {  	_ =	sdelay $0x2  }
0x3c9: {  	s30 =	sld [smem:$0x7DB]  }
.LBB2_3:
.Ltmp4:
0x3ca: {  	(pc) =	sbr.rel .LBB2_6-.Ltmp4, $2  }
0x3cb: {  	_ =	sdelay $0x2  }
0x3cc: {  	s30 =	sld [smem:$0x7DB]  }
.Lfunc_end2:
_tile_overlayer_lowered:
.L_overlay_start_2:
0x3cd: {  	(tag) =	ssettag $0x2  }
0x3ce: {  	s0 =	rddreg [dreg:$0x0];
	s2 =	stileid.u32  }
0x3cf: {  	s1 =	rddreg [dreg:$0x1];
	p0 =	sne.s32 s2, $0x0  }
0x3d0: {  	s3 =	rddreg [dreg:$0x2];
	[bflag:$0x3] =	sbarrier.arrive $0xFFFF;
	s2 =	simm.s32 @!p0 $0x1C11  }
0x3d1: {  	[timem:s3], [sflag:s2] =	dma.local @!p0 [hbm:s0], s1  }
0x3d2: {  	s0 =	simm.s32 @!p0 $0x11  }
0x3d3: {  	_ =	swait.ge @!p0 [sflag:s0], s1  }
0x3d4: {  	s1 =	ssub.s32 @!p0 $0x0, s1;
	[sflag:s0] =	ssyncset.done @!p0 $0x0  }
0x3d5: {  	[sflag:s0] =	ssyncadd.s32 @!p0 s1  }
0x3d6: {  	[bflag:$0x3] =	sbarrier.arrive $0xFFFF  }
0x3d7: {  	_ =	shalt  }

// kernel: sparse-core-data-format-call.cloned.1.call-start
scs
called_computation_lowered:
.L_overlay_start_0:
0x0: {  	s2 =	sld [smem:$0x3FD9]  }
0x1: {  	s3 =	sld [smem:$0x3FFE];
	_ =	sdelay $0x1  }
0x2: {  	s1 =	srdreg.scid  }
0x3: {  	s0 =	sand.u32 $0x1, s1  }
0x4: {  	s18 =	sshll.u32 s0, $0xA;
	s2 =	sadd.s32 s3, s2  }
0x5: {  	s2 =	sadd.s32 s2, s18  }
0x6: {  	[smem:$0x3FC6] =	sst s2  }
0x7: {  	_ = 	snop  }
0x8: {  	s2 =	sld [smem:$0x3FD0];
	(tm) =	ssettm $0x1  }
0x9: {  	s19 =	sld [smem:$0x3FFB];
	_ =	sdelay $0x3  }
0xa: {  	_ =	strace s19  }
0xb: {  	s3 =	sld [smem:$0x3FFC];
	_ =	sdelay $0x3  }
0xc: {  	_ =	strace s3  }
0xd: {  	s3 =	sld [smem:$0x3FFD];
	_ =	sdelay $0x3  }
0xe: {  	_ =	strace s3  }
0xf: {  	_ =	strace $0x8FFFFFFF  }
0x10: {  	s20 =	sld [smem:$0x3FDB];
	_ =	sdelay $0x1  }
0x11: {  	s4 =	simm.s32 $_scs_section_size  }
0x12: {  	s5 =	simm.s32 $_size__tile_overlayer_lowered;
	s6 =	simm.s32 $_tile_overlayer_lowered  }
0x13: {  	s23 =	simm.s32 $0x1BFF;
	s22 =	sshll.u32 s6, $0x1;
	s3 =	sadd.s32 s4, s20  }
0x14: {  	s7 =	simm.s32 $0x0;
	s21 =	sshll.u32 s5, $0x1;
	s5 =	sadd.s32 s22, s3  }
0x15: {  	[timem:s7], [sflag:s23] =	dma.local [hbm:s5], s21  }
0x16: {  	_ =	swait.ge [sflag:s23], s21  }
0x17: {  	s4 =	ssub.s32 $0x0, s21;
	[sflag:s23] =	ssyncset.done $0x0  }
0x18: {  	[sflag:s23] =	ssyncadd.s32 s4;
	_ =	sdelay $0x1  }
0x19: {  	s24 =	simm.s32 $0x1B8B  }
0x1a: {  	_ =	swait.ge [sflag:s24], $0x1  }
0x1b: {  	[sflag:s24] =	ssyncset.done $0x0  }
0x1c: {  	s26 =	simm.s32 $0x1B8E;
	s25 =	sld [smem:$0x3FFE];
	[sflag:s24] =	ssyncadd.s32 $0xFFFFFFFF  }
0x1d: {  	s27 =	simm.s32 $execute0_lowered;
	[smem:$0x3FD2] =	sst s26  }
0x1e: {  	s5 =	sshll.u32 s27, $0x1;
	_ =	strace $0x80000049;
	[dreg:$0x1] =	wrdreg $0xFFFFFFFF  }
0x1f: {  	s28 =	simm.s32 $_size_execute0_lowered;
	s3 =	sadd.s32 s3, s5;
	[dreg:$0x0] =	wrdreg $0x0  }
0x20: {  	s5 =	sshll.u32 s28, $0x1;
	[dreg:$0x2] =	wrdreg s3  }
0x21: {  	[dreg:$0x3] =	wrdreg s5  }
0x22: {  	[dreg:$0x4] =	wrdreg $0xC0  }
0x23: {  	_ =	task [dreg:s7], $0x5FFFF  }
0x24: {  	[dreg:$0x1] =	wrdreg $0xFFFFFFFF  }
0x25: {  	[dreg:$0x0] =	wrdreg $0x60  }
0x26: {  	[dreg:$0x2] =	wrdreg s25  }
0x27: {  	[dreg:$0x3] =	wrdreg s2  }
0x28: {  	[dreg:$0x4] =	wrdreg $0x9  }
0x29: {  	_ =	task.clear_ibuf [dreg:s7], $0x5FFFF;
	_ =	strace $0x90000049  }
0x2a: {  	s29 =	simm.s32 $0x9;
	_ =	strace $0x8000004B  }
0x2b: {  	_ =	swait.ge [sflag:s29], $0x1  }
0x2c: {  	[sflag:s29] =	ssyncadd.s32 $0xFFFFFFFF  }
0x2d: {  	_ =	strace $0x9000004B  }
0x2e: {  	_ =	sfence  }
0x2f: {  	s30 =	sld [smem:$0x0];
	_ =	sdelay $0x2  }
0x30: {  	s31 =	sshll.u32 s1, $0xD;
	s1 =	sshrl.u32 s1, $0x2  }
0x31: {  	s3 =	sand.u32 $0x4000, s31;
	s1 =	sadd.s32 s1, s30  }
0x32: {  	s0 =	sor.u32 s3, s0;
	s1 =	sshll.u32 s1, $0x11  }
0x33: {  	s0 =	sor.u32 s1, s0  }
0x34: {  	s0 =	sadd.s32 $0x8F2B, s0  }
0x35: {  	[sflag:s0] =	ssyncadd.remote.s32 $0x1  }
0x36: {  	_ =	sfence.sel $0xFFFF  }
0x37: {  	[dreg:$0x0] =	wrdreg $0xFFFFFFFF;
	(pc) =	sbr.abs _section_cstart, $3  }
0x38: {  	[dreg:$0x1] =	wrdreg $0xFFFFFFFF  }
0x39: {  	_ =	task.clear_ibuf [dreg:s7], $0x2FFFF;
	_ =	strace $0x9FFFFFFF  }
0x3a: {  	(tm) =	ssettm $0x7FFFFFFF  }
0x3b: {  	_ =	shalt  }
tec
execute0_lowered:
.L_overlay_start_1:
0x0: {  	(tag) =	ssettag $0x1  }
0x1: {  	s0 =	srdreg.scid  }
0x2: {  	s1 =	sshll.u32 s0, $0x4  }
0x3: {  	s4 =	rddreg [dreg:$0x0];
	s0 =	stileid.u32;
	s1 =	sand.u32 $0x10, s1  }
0x4: {  	s2 =	rddreg [dreg:$0x1];
	s7 =	simm.s32 $0x1;
	s1 =	sor.u32 s0, s1  }
0x5: {  	s8 =	simm.s32 $0x2;
	s11 =	simm.s32 $0x0;
	s3 =	sshll.u32 s1, $0x7  }
0x6: {  	s10 =	simm.s32 $0x0;
	s4 =	sadd.s32 $0x800, s4;
	s6 =	ssub.s32 $0x68000, s3  }
.Ltmp0:
0x7: {  	s1 =	rddreg [dreg:$0x2];
	s5 =	sand.u32 $0xF80, s6;
	(pc) =	sbr.rel .LBB1_1-.Ltmp0, $4  }
0x8: {  	_ =	strace $0x8000004A;
	s9 =	smov.u32 s3;
	p0 =	sne.s32 s5, $0x0  }
0x9: {  	s6 =	sshrl.u32 s6, $0xC;
	s5 =	simm.s32 $0x1;
	s7 =	simm.s32 @!p0 $0x0  }
0xa: {  	[sflag:s5] =	ssyncpa.u1 $0x0;
	p0 =	por $0x0, $0x0;
	s6 =	sadd.s32 s7, s6  }
0xb: {  	[sflag:s8] =	ssyncpa.u1 $0x0;
	s8 =	simm.s32 $0x340000;
	s7 =	sadd.s32 $0x1, s6  }
.LBB1_4:
0xc: {  	s14 =	sshll.u32 s11, $0x3  }
0xd: {  	s30 =	sand.u32 $0x7F, s11;
	s15 =	sand.u32 $0xFFFFFC00, s14  }
0xe: {  	s11 =	sor.u32 s30, s15  }
0xf: {  	s15 =	smulhi.u32 $0x4EC4EC4F, s11  }
0x10: {  	s14 =	smulhi.u32 $0x4EC4EC4F, s14  }
0x11: {  	s15 =	sshrl.u32 s15, $0x11  }
0x12: {  	s14 =	sshrl.u32 s14, $0x11;
	s15 =	smul.u32 $0x68000, s15  }
0x13: {  	s14 =	sand.u32 $0x1F, s14  }
0x14: {  	s14 =	smul.u32 $0xD000, s14;
	s11 =	ssub.s32 s11, s15  }
0x15: {  	s15 =	sand.u32 $0x7, s11  }
0x16: {  	s14 =	sadd.s32 s2, s14;
	s11 =	sshrl.u32 s11, $0x3;
	s15 =	sshll.u32 s15, $0x12  }
0x17: {  	[tilespmem:s13+$0x0 ss:$0x81] =	vst.msk $0xffff, v0;
	s11 =	sadd.s32 s11, s14;
	s31 =	sor.u32 $0x400, s15  }
0x18: {  	[hbm4b:s11+s31] =	stream.strided.scatter [tilespmem:s12], [sflag:$0x2], $0x1000, s8, s31, $0x20;
	[tilespmem:$0x4040] =	vst v63  }
.LBB1_5:
0x19: {  	s13 =	sadd.s32 $0x1000, s9  }
0x1a: {  	p2 =	sgt.s32 s13, $0x67FFF  }
0x1b: {  	s13 =	smov.u32 @p2 s3;
	p2 =	sne.s32 s10, s7  }
.Ltmp1:
0x1c: {  	p1 =	slt.u32 s10, $0x2;
	(pc) =	sbr.rel @!p2 .LBB1_6-.Ltmp1, $4  }
0x1d: {  	s12 =	simm.s32 @!p1 $0x2  }
0x1e: {  	s14 =	sadd.s32 $0x1, s10;
	_ =	swait.ge @!p1 [sflag:s12], $0x1000  }
0x1f: {  	s11 =	smov.u32 s9;
	p0 =	por !p0, !p0;
	[sflag:s12] =	ssyncset.done @!p1 $0x0  }
0x20: {  	s10 =	smov.u32 s14;
	s9 =	smov.u32 s13;
	[sflag:s12] =	ssyncadd.s32 @!p1 $0xFFFFF000  }
.LBB1_1:
0x21: {  	p1 =	sge.u32 s10, s6  }
0x22: {  	s12 =	sand.u32 @!p1 $0x1FFFFFF, s9  }
0x23: {  	s13 =	smulhi.u32 @!p1 $0x2762763, s12;
	_ =	sdelay $0x1  }
0x24: {  	s13 =	sshrl.u32 @!p1 s13, $0xC  }
0x25: {  	s13 =	smul.u32 @!p1 $0x68000, s13;
	_ =	sdelay $0x1  }
0x26: {  	s31 =	sadd.s32 $0xFFFFFFFF, s10;
	s14 =	sxor.u32 @!p1 $0xFFFFFFFF, s10;
	s12 =	ssub.s32 @!p1 s12, s13  }
0x27: {  	s15 =	simm.s32 @!p1 $0x80;
	s14 =	sshll.u32 @!p1 s14, $0xC;
	s12 =	sshll.u32 @!p1 s12, $0x4  }
0x28: {  	s13 =	sand.u32 @!p1 $0x1000, s14;
	s14 =	simm.s32 @!p1 $0x20;
	s12 =	sadd.s32 @!p1 s4, s12  }
0x29: {  	[tilespmem:s13], [sflag:$0x1] =	stream.strided.gather @!p1 [hbm4b:s12+s14], $0x1000, s15, s14, $0x38;
	[tilespmem:$0x4040] =	vst v63  }
0x2a: {  	p1 =	sge.u32 s31, s6  }
.Ltmp2:
0x2b: {  	_ = 	snop;
	(pc) =	sbr.rel @p1 .LBB1_5-.Ltmp2, $1  }
0x2c: {  	_ =	sdelay $0x3  }
0x2d: {  	s12 =	simm.s32 $0x1  }
0x2e: {  	_ =	swait.ge [sflag:s5], $0x1000;
	s12 =	simm.s32 @!p0 $0x0  }
0x2f: {  	[sflag:s5] =	ssyncset.done $0x0;
	s13 =	sshll.u32 s12, $0xC  }
0x30: {  	[sflag:s5] =	ssyncadd.s32 $0xFFFFF000;
	s16 =	sor.u32 $0x10, s13  }
0x31: {  	s12 =	smul.u32 $0x4080, s12;
	v1 =	vld [tilespmem:s16+$0x0]  }
0x32: {  	s30 =	sand.u32 $0x1, s10;
	v0 =	vld [tilespmem:s16+$0xFFFFFFF0]  }
0x33: {  	s13 =	smul.u32 $0x4080, s30;
	s12 =	sshrl.u32 s12, $0x2  }
0x34: {  	s14 =	sor.u32 $0x2000, s12  }
0x35: {  	s31 =	sshrl.u32 s13, $0x2;
	s13 =	sadd.s32 $0x0, s14  }
0x36: {  	s15 =	simm.s32 $0x4;
	s16 =	sadd.s32 $0x20, s16;
	s12 =	sor.u32 $0x2000, s31;
	[tilespmem:s13+$0x810 ss:$0x81] =	vst.msk $0xffff, v1  }
.LBB1_3:
0x37: {  	v1 =	vld [tilespmem:s16+$0x0];
	p1 =	sne.s32 s15, $0x1FC;
	[tilespmem:s13+$0x0 ss:$0x81] =	vst.msk $0xffff, v0;
	s13 =	smov.u32 s15;
	s15 =	sadd.s32 $0x4, s15  }
.Ltmp3:
0x38: {  	v0 =	vld [tilespmem:s16+$0xFFFFFFF0];
	(pc) =	sbr.rel @p1 .LBB1_3-.Ltmp3, $4  }
0x39: {  	_ = 	snop  }
0x3a: {  	s13 =	sshra.s32 s13, $0x2  }
0x3b: {  	s13 =	sadd.s32 s13, s14  }
0x3c: {  	s16 =	sadd.s32 $0x20, s16;
	[tilespmem:s13+$0x810 ss:$0x81] =	vst.msk $0xffff, v1  }
.Ltmp4:
0x3d: {  	_ = 	snop;
	(pc) =	sbr.rel .LBB1_4-.Ltmp4, $1  }
0x3e: {  	_ =	sdelay $0x3  }
.LBB1_6:
0x3f: {  	_ =	sfence.sel $0x180000  }
0x40: {  	s2 =	simm.s32 $0x1;
	[bflag:$0x0] =	sbarrier.arrive $0xFFFF  }
0x41: {  	s31 =	simm.s32 $0x2;
	[sflag:s2] =	ssyncpa.u1 $0x1  }
0x42: {  	[sflag:s31] =	ssyncpa.u1 $0x1  }
0x43: {  	p0 =	sne.s32 s0, $0x0;
	_ =	strace $0x9000004A  }
0x44: {  	s0 =	sadd.s32 @!p0 $0x100000, s1;
	[bflag:$0x2] =	sbarrier.arrive $0xFFFF  }
0x45: {  	[sflag:s0] =	ssyncadd.tile.s32 @!p0 $0x1;
	_ =	shalt  }
.Lfunc_end1:
_tile_overlayer_lowered:
.L_overlay_start_2:
0x46: {  	(tag) =	ssettag $0x2  }
0x47: {  	s0 =	rddreg [dreg:$0x0];
	s2 =	stileid.u32  }
0x48: {  	s1 =	rddreg [dreg:$0x1];
	p0 =	sne.s32 s2, $0x0  }
0x49: {  	s3 =	rddreg [dreg:$0x2];
	[bflag:$0x3] =	sbarrier.arrive $0xFFFF;
	s2 =	simm.s32 @!p0 $0x1C01  }
0x4a: {  	[timem:s3], [sflag:s2] =	dma.local @!p0 [hbm:s0], s1  }
0x4b: {  	s0 =	simm.s32 @!p0 $0x1  }
0x4c: {  	_ =	swait.ge @!p0 [sflag:s0], s1  }
0x4d: {  	s1 =	ssub.s32 @!p0 $0x0, s1;
	[sflag:s0] =	ssyncset.done @!p0 $0x0  }
0x4e: {  	[sflag:s0] =	ssyncadd.s32 @!p0 s1  }
0x4f: {  	[bflag:$0x3] =	sbarrier.arrive $0xFFFF  }
0x50: {  	_ =	shalt  }

</sc_bundles>
